<compile_context>
chip_gen: v7x
topology: tpu7x:2x2x1
jax: 0.10.2.dev20260603
libtpu: 0.0.44.dev20260713+nightly
codegen_flags: <defaults>
</compile_context>

<pallas_src>
import functools

import jax
import jax.numpy as jnp
from jax import lax
from jax.experimental import pallas as pl
from jax.experimental.pallas import tpu as pltpu
from jax.experimental.pallas import tpu_sc as plsc

N = 10000
E = 320000
G = 64
NPAD = 10240
NW = 32
EPW = 10368
KPAD = 2
EPWP = EPW + KPAD * 128
ROWS_PER_TILE = NPAD // 16

_mesh = lambda: plsc.VectorSubcoreMesh(core_axis_name="c", subcore_axis_name="s")
_SC_PARAMS = pltpu.CompilerParams(use_tc_tiling_on_sc=False)


def _zero_vmem_2d(ref, rows, cols):
    z16 = jnp.zeros((16,), jnp.float32)

    def body(i, carry):
        r = i // (cols // 16)
        k = i % (cols // 16)
        ref[r, pl.ds(k * 16, 16)] = z16
        return carry

    lax.fori_loop(0, rows * (cols // 16), body, 0)


def _deg_kernel(dst_hbm, out_hbm, dst_v, ones_v, zbuf, acc):
    c = lax.axis_index("c")
    s = lax.axis_index("s")
    w = c * 16 + s

    one16 = jnp.ones((16,), jnp.float32)

    def fill(i, carry):
        ones_v[i, :] = one16
        return carry

    lax.fori_loop(0, 128, fill, 0)
    _zero_vmem_2d(zbuf, 64, 16)

    def zslice(i, carry):
        pltpu.sync_copy(zbuf, acc.at[pl.ds(s * ROWS_PER_TILE + i * 64, 64)])
        return carry

    lax.fori_loop(0, ROWS_PER_TILE // 64, zslice, 0)

    pltpu.sync_copy(dst_hbm.at[w], dst_v)
    plsc.subcore_barrier()

    def edge_chunk(j, carry):
        pltpu.sync_copy(ones_v, acc.at[dst_v.at[j]], add=True)
        return carry

    lax.fori_loop(0, EPW // 128, edge_chunk, 0)
    plsc.subcore_barrier()

    def out_slice(i, carry):
        r0 = s * ROWS_PER_TILE + i * 64
        pltpu.sync_copy(acc.at[pl.ds(r0, 64)], zbuf)
        pltpu.sync_copy(zbuf, out_hbm.at[c, pl.ds(r0, 64)])
        return carry

    lax.fori_loop(0, ROWS_PER_TILE // 64, out_slice, 0)


def _run_deg(dst_w):
    return pl.kernel(
        _deg_kernel,
        out_type=jax.ShapeDtypeStruct((2, NPAD, 16), jnp.float32),
        mesh=_mesh(),
        compiler_params=_SC_PARAMS,
        scratch_types=[
            pltpu.VMEM((EPWP // 128, 128), jnp.int32),
            pltpu.VMEM((128, 16), jnp.float32),
            pltpu.VMEM((64, 16), jnp.float32),
            pltpu.VMEM_SHARED((NPAD, 16), jnp.float32),
        ],
    )(dst_w)


def _agg_kernel(src_hbm, dst_hbm, h_hbm, out_hbm, src_v, dst_v, rows0, rows1,
                rows2, zbuf, acc, sg0, sg1, sg2, *, d, chunk, zrows):
    c = lax.axis_index("c")
    s = lax.axis_index("s")
    w = c * 16 + s

    _zero_vmem_2d(zbuf, zrows, d)

    def zslice(i, carry):
        pltpu.sync_copy(zbuf, acc.at[pl.ds(s * ROWS_PER_TILE + i * zrows, zrows)])
        return carry

    lax.fori_loop(0, ROWS_PER_TILE // zrows, zslice, 0)

    pltpu.sync_copy(src_hbm.at[w], src_v)
    pltpu.sync_copy(dst_hbm.at[w], dst_v)
    plsc.subcore_barrier()

    def g_issue(gref, sem, j):
        pltpu.async_copy(h_hbm.at[src_v.at[j]], gref, sem)

    def g_wait(gref, sem):
        pltpu.make_async_copy(h_hbm.at[pl.ds(0, chunk)], gref, sem).wait()

    def s_sync(gref, j):
        pltpu.sync_copy(gref, acc.at[dst_v.at[j]], add=True)

    bufs = ((rows0, sg0), (rows1, sg1), (rows2, sg2))
    g_issue(rows0, sg0, 0)
    g_issue(rows1, sg1, 1)

    def outer(jj, carry):
        j = 3 * jj
        for b in range(3):
            gref, sem = bufs[b]
            nref, nsem = bufs[(b + 2) % 3]
            g_wait(gref, sem)
            g_issue(nref, nsem, j + b + 2)
            s_sync(gref, j + b)
        return carry

    lax.fori_loop(0, EPW // chunk // 3, outer, 0)
    g_wait(rows0, sg0)
    g_wait(rows1, sg1)
    plsc.subcore_barrier()

    def out_slice(i, carry):
        r0 = s * ROWS_PER_TILE + i * zrows
        pltpu.sync_copy(acc.at[pl.ds(r0, zrows)], zbuf)
        pltpu.sync_copy(zbuf, out_hbm.at[c, pl.ds(r0, zrows)])
        return carry

    lax.fori_loop(0, ROWS_PER_TILE // zrows, out_slice, 0)


def _run_agg(src_w, dst_w, h, d):
    if d <= 64:
        chunk, zrows = 128, 64
    else:
        chunk, zrows = 64, 16
    nidx = EPW // chunk + KPAD * (128 // chunk)
    return pl.kernel(
        functools.partial(_agg_kernel, d=d, chunk=chunk, zrows=zrows),
        out_type=jax.ShapeDtypeStruct((2, NPAD, d), jnp.float32),
        mesh=_mesh(),
        compiler_params=_SC_PARAMS,
        scratch_types=[
            pltpu.VMEM((nidx, chunk), jnp.int32),
            pltpu.VMEM((nidx, chunk), jnp.int32),
            pltpu.VMEM((chunk, d), jnp.float32),
            pltpu.VMEM((chunk, d), jnp.float32),
            pltpu.VMEM((chunk, d), jnp.float32),
            pltpu.VMEM((zrows, d), jnp.float32),
            pltpu.VMEM_SHARED((NPAD, d), jnp.float32),
            pltpu.SemaphoreType.DMA,
            pltpu.SemaphoreType.DMA,
            pltpu.SemaphoreType.DMA,
        ],
    )(src_w, dst_w, h)


def _mm1_body(x_ref, w_ref, h1_ref):
    h1_ref[...] = jnp.dot(x_ref[...], w_ref[...],
                          preferred_element_type=jnp.float32)


def _bn1_body(p_ref, h1s_ref, dinv_ref, a_ref, d_ref, r2_ref):
    dinv = dinv_ref[...]
    t = dinv * (p_ref[0] + p_ref[1] + h1s_ref[...])
    y = jnp.maximum(t * a_ref[...] + d_ref[...], 0.0)
    r2_ref[...] = y * dinv


def _mm2_body(p_ref, r2_ref, dinv_ref, w_ref, a_ref, d_ref, r3_ref, y2_ref):
    dinv = dinv_ref[...]
    u = dinv * (p_ref[0] + p_ref[1] + r2_ref[...])
    t = jnp.dot(u, w_ref[...], preferred_element_type=jnp.float32)
    y = jnp.maximum(t * a_ref[...] + d_ref[...], 0.0)
    y2_ref[...] = y
    r3_ref[...] = y * dinv


def _final_body(p_ref, r3_ref, y2_ref, dinv_ref, w_ref, a_ref, d_ref,
                batch_ref, fcw_ref, out_ref):
    dinv = dinv_ref[...]
    u = dinv * (p_ref[0] + p_ref[1] + r3_ref[...])
    t = jnp.dot(u, w_ref[...], preferred_element_type=jnp.float32)
    y = jnp.maximum(t * a_ref[...] + d_ref[...], 0.0)
    h = y + y2_ref[...]
    seg = lax.broadcasted_iota(jnp.int32, (G, NPAD), 0)
    mt = (seg == batch_ref[...]).astype(jnp.float32)
    sums = jnp.dot(mt, h, preferred_element_type=jnp.float32)
    cnt = jnp.sum(mt, axis=1, keepdims=True)
    pooled = sums / jnp.maximum(cnt, 1.0)
    out_ref[...] = jnp.dot(pooled, fcw_ref[...], preferred_element_type=jnp.float32)


def kernel(x, edge_index, batch, W1, b1, g1, be1, m1, v1, W2, b2, g2, be2,
           m2, v2, W3, b3, g3, be3, m3, v3, fcW, fcb):
    f32 = jnp.float32
    src = edge_index[0].astype(jnp.int32)
    dst = edge_index[1].astype(jnp.int32)
    pad = N + (jnp.arange(NW * EPW - E, dtype=jnp.int32) % (NPAD - N))
    padg = N + (jnp.arange(NW * (EPWP - EPW), dtype=jnp.int32)
                % (NPAD - N)).reshape(NW, EPWP - EPW) if EPWP > EPW else None

    def widx(a):
        flat = jnp.concatenate([a, pad]).reshape(NW, EPW)
        if EPWP > EPW:
            flat = jnp.concatenate([flat, padg], axis=1)
        return flat

    src_f = widx(src)
    dst_f = widx(dst)
    xp = jnp.pad(x.astype(f32), ((0, NPAD - N), (0, 0)))
    batch_p = jnp.pad(batch.astype(jnp.int32), (0, NPAD - N),
                      constant_values=G).reshape(1, NPAD)

    s128 = src_f.reshape(NW, EPWP // 128, 128)
    d128 = dst_f.reshape(NW, EPWP // 128, 128)
    s64 = src_f.reshape(NW, EPWP // 64, 64)
    d64 = dst_f.reshape(NW, EPWP // 64, 64)

    def fold(gq, beq, mq, vq, bq):
        aq = gq * lax.rsqrt(vq + 1e-5)
        return aq.reshape(1, -1), ((bq - mq) * aq + beq).reshape(1, -1)

    a1, d1 = fold(g1, be1, m1, v1, b1)
    a2, d2 = fold(g2, be2, m2, v2, b2)
    a3, d3 = fold(g3, be3, m3, v3, b3)

    deg_parts = _run_deg(d128)
    h1 = pl.pallas_call(
        _mm1_body,
        out_shape=jax.ShapeDtypeStruct((NPAD, 64), f32),
    )(xp, W1)
    deg = deg_parts[0, :, 0] + deg_parts[1, :, 0]
    dinv = lax.rsqrt(deg + 1.0).reshape(NPAD, 1)
    h1s = h1 * dinv

    p1 = _run_agg(s128, d128, h1s, 64)

    r2 = pl.pallas_call(
        _bn1_body,
        out_shape=jax.ShapeDtypeStruct((NPAD, 64), f32),
    )(p1, h1s, dinv, a1, d1)
    p2 = _run_agg(s128, d128, r2, 64)

    r3, y2 = pl.pallas_call(
        _mm2_body,
        out_shape=[jax.ShapeDtypeStruct((NPAD, 128), f32),
                   jax.ShapeDtypeStruct((NPAD, 128), f32)],
    )(p2, r2, dinv, W2, a2, d2)

    p3 = _run_agg(s64, d64, r3, 128)

    out = pl.pallas_call(
        _final_body,
        out_shape=jax.ShapeDtypeStruct((G, 1), f32),
    )(p3, r3, y2, dinv, W3, a3, d3, batch_p, fcW)

    return (out + fcb).reshape(-1)

# --- scband reference (transcript-rebuilt; emitter-appended) ---
"""Pipeline reference for scband-brain-age-gnn-70755291234967 (READ-ONLY COPY).

The authoritative reference and input builder live on the scoring server;
editing this copy changes nothing except your own understanding.
"""

import jax, jax.numpy as jnp
import numpy as np

N = 10000
E = 320000
G = 64
D_IN = 128


def _gcn_conv(x, edge_index, W, b):
    n = x.shape[0]
    loop = jnp.arange(n, dtype=edge_index.dtype)
    src = jnp.concatenate([edge_index[0], loop])
    dst = jnp.concatenate([edge_index[1], loop])
    deg = jnp.zeros((n,), x.dtype).at[dst].add(1.0)
    dinv = jax.lax.rsqrt(deg)
    norm = dinv[src] * dinv[dst]
    h = x @ W
    msg = h[src] * norm[:, None]
    out = jnp.zeros((n, W.shape[1]), x.dtype).at[dst].add(msg)
    return out + b


def _bn(x, g, be, m, v):
    return (x - m) * jax.lax.rsqrt(v + 1e-5) * g + be


def setup_inputs(seed: int = 0):
    key = jax.random.key(seed)
    ks = jax.random.split(key, 16)
    x = jax.random.normal(ks[0], (N, D_IN), dtype=jnp.float32)
    edge_index = jax.random.randint(ks[1], (2, E), 0, N, dtype=jnp.int64)
    batch = jnp.sort(jax.random.randint(ks[2], (N,), 0, G, dtype=jnp.int64))
    def glorot(k, fan_in, fan_out):
        s = (6.0 / (fan_in + fan_out)) ** 0.5
        return jax.random.uniform(k, (fan_in, fan_out), jnp.float32, -s, s)
    inp = {
        'x': x, 'edge_index': edge_index, 'batch': batch,
        'W1': glorot(ks[3], D_IN, 64), 'b1': jnp.zeros((64,), jnp.float32),
        'g1': jnp.ones((64,), jnp.float32), 'be1': jnp.zeros((64,), jnp.float32),
        'm1': jnp.zeros((64,), jnp.float32), 'v1': jnp.ones((64,), jnp.float32),
        'W2': glorot(ks[4], 64, 128), 'b2': jnp.zeros((128,), jnp.float32),
        'g2': jnp.ones((128,), jnp.float32), 'be2': jnp.zeros((128,), jnp.float32),
        'm2': jnp.zeros((128,), jnp.float32), 'v2': jnp.ones((128,), jnp.float32),
        'W3': glorot(ks[5], 128, 128), 'b3': jnp.zeros((128,), jnp.float32),
        'g3': jnp.ones((128,), jnp.float32), 'be3': jnp.zeros((128,), jnp.float32),
        'm3': jnp.zeros((128,), jnp.float32), 'v3': jnp.ones((128,), jnp.float32),
        'fcW': glorot(ks[6], 128, 1), 'fcb': jnp.zeros((1,), jnp.float32),
    }
    return inp


def reference(x, edge_index, batch, W1, b1, g1, be1, m1, v1, W2, b2, g2, be2, m2, v2, W3, b3, g3, be3, m3, v3, fcW, fcb):
    h = jax.nn.relu(_bn(_gcn_conv(x, edge_index, W1, b1), g1, be1, m1, v1))
    h = jax.nn.relu(_bn(_gcn_conv(h, edge_index, W2, b2), g2, be2, m2, v2))
    res = h
    h = jax.nn.relu(_bn(_gcn_conv(h, edge_index, W3, b3), g3, be3, m3, v3))
    h = h + res
    sums = jax.ops.segment_sum(h, batch, num_segments=G)
    cnt = jax.ops.segment_sum(jnp.ones((h.shape[0],), h.dtype), batch, num_segments=G)
    pooled = sums / jnp.maximum(cnt, 1.0)[:, None]
    # dropout is identity in eval mode
    out = pooled @ fcW + fcb
    return out.reshape(-1)

if __name__ == "__main__":
    import jax
    _d = setup_inputs()
    print(jax.jit(kernel)(*tuple(_d.values())))

</pallas_src>

<mosaic_0001>
#map = affine_map<(d0, d1) -> (0, 0, 0)>
module attributes {stable_mosaic.version = 14 : i64} {
  func.func @_deg_kernel(%arg0: i32, %arg1: i32, %arg2: memref<32x83x128xi32, #tpu.memory_space<hbm>>, %arg3: memref<2x10240x16xf32, #tpu.memory_space<hbm>>, %arg4: memref<83x128xi32, #tpu.memory_space<vmem>>, %arg5: memref<128x16xf32, #tpu.memory_space<vmem>>, %arg6: memref<64x16xf32, #tpu.memory_space<vmem>>, %arg7: memref<10240x16xf32, #tpu.memory_space<vmem_shared>>) attributes {dimension_semantics = [#tpu.dimension_semantics<core_parallel>, #tpu.dimension_semantics<subcore_parallel>], iteration_bounds = array<i64: 2, 16>, scalar_prefetch = 0 : i64, scratch_operands = 4 : i64, tpu.core_type = #tpu.core_type<sc_vector_subcore>, window_params = [{transform_indices = #map}, {transform_indices = #map}]} {
    %mul3A = arith.constant 16 : i32
    %mul3A_0 = arith.muli %arg0, %mul3A : i32
    %add3A = arith.addi %mul3A_0, %arg1 : i32
    %broadcast_in_dim3A = arith.constant 1.000000e+00 : f32
    %broadcast_in_dim3A_1 = vector.broadcast %broadcast_in_dim3A : f32 to vector<16xf32>
    %scan3A = arith.constant 0 : i32
    %scan3A_2 = arith.constant 0 : i32
    %scan3A_3 = arith.constant 128 : i32
    %scan3A_4 = arith.addi %scan3A_2, %scan3A_3 : i32
    %scan3A_5 = arith.constant 1 : i32
    scf.for %scan3A_34 = %scan3A_2 to %scan3A_4 step %scan3A_5  : i32 {
      %swap3A = arith.index_cast %scan3A_34 : i32 to index
      %swap3A_35 = arith.constant 0 : index
      %swap3A_36 = tpu.vector_load %arg5[%swap3A, %swap3A_35] {strides = array<i32>} : memref<128x16xf32, #tpu.memory_space<vmem>>, vector<1x16xf32>,
      %swap3A_37 = vector.shape_cast %swap3A_36 : vector<1x16xf32> to vector<16xf32>
      %swap3A_38 = vector.shape_cast %broadcast_in_dim3A_1 : vector<16xf32> to vector<1x16xf32>
      tpu.vector_store %arg5[%swap3A, %swap3A_35], %swap3A_38 {strides = array<i32>} : memref<128x16xf32, #tpu.memory_space<vmem>>, vector<1x16xf32>,
    }
    %scan3A_6 = arith.constant 128 : i32
    %broadcast_in_dim3A_7 = arith.constant 0.000000e+00 : f32
    %broadcast_in_dim3A_8 = vector.broadcast %broadcast_in_dim3A_7 : f32 to vector<16xf32>
    %scan3A_9 = arith.constant 0 : i32
    %scan3A_10 = arith.constant 0 : i32
    %scan3A_11 = arith.constant 64 : i32
    %scan3A_12 = arith.addi %scan3A_10, %scan3A_11 : i32
    %scan3A_13 = arith.constant 1 : i32
    scf.for %scan3A_34 = %scan3A_10 to %scan3A_12 step %scan3A_13  : i32 {
      %jit3A = arith.constant 1 : i32
      %div3A = arith.divsi %scan3A_34, %jit3A : i32
      %sign3A = arith.constant 0 : i32
      %sign3A_35 = arith.cmpi sgt, %scan3A_34, %sign3A : i32
      %sign3A_36 = arith.extui %sign3A_35 : i1 to i32
      %sign3A_37 = arith.constant 0 : i32
      %sign3A_38 = arith.cmpi slt, %scan3A_34, %sign3A_37 : i32
      %sign3A_39 = arith.extui %sign3A_38 : i1 to i32
      %sign3A_40 = arith.subi %sign3A_36, %sign3A_39 : i32
      %sign3A_41 = arith.constant 0 : i32
      %sign3A_42 = arith.cmpi sgt, %jit3A, %sign3A_41 : i32
      %sign3A_43 = arith.extui %sign3A_42 : i1 to i32
      %sign3A_44 = arith.constant 0 : i32
      %sign3A_45 = arith.cmpi slt, %jit3A, %sign3A_44 : i32
      %sign3A_46 = arith.extui %sign3A_45 : i1 to i32
      %sign3A_47 = arith.subi %sign3A_43, %sign3A_46 : i32
      %ne3A = arith.cmpi ne, %sign3A_40, %sign3A_47 : i32
      %rem3A = arith.remsi %scan3A_34, %jit3A : i32
      %ne3A_48 = arith.constant 0 : i32
      %ne3A_49 = arith.cmpi ne, %rem3A, %ne3A_48 : i32
      %and3A = arith.andi %ne3A, %ne3A_49 : i1
      %sub3A = arith.constant 1 : i32
      %sub3A_50 = arith.subi %div3A, %sub3A : i32
      %select_n3A = arith.select %and3A, %sub3A_50, %div3A : i32
      %jit3A_51 = arith.constant 1 : i32
      %eq3A = arith.constant 0 : i32
      %eq3A_52 = arith.cmpi eq, %jit3A_51, %eq3A : i32
      %jit3A_53 = arith.constant 1 : i32
      %select_n3A_54 = arith.select %eq3A_52, %jit3A_53, %jit3A_51 : i32
      %rem3A_55 = arith.remsi %scan3A_34, %select_n3A_54 : i32
      %ne3A_56 = arith.constant 0 : i32
      %ne3A_57 = arith.cmpi ne, %rem3A_55, %ne3A_56 : i32
      %lt3A = arith.constant 0 : i32
      %lt3A_58 = arith.cmpi slt, %rem3A_55, %lt3A : i32
      %lt3A_59 = arith.constant 0 : i32
      %lt3A_60 = arith.cmpi slt, %select_n3A_54, %lt3A_59 : i32
      %ne3A_61 = arith.xori %lt3A_58, %lt3A_60 : i1
      %and3A_62 = arith.andi %ne3A_61, %ne3A_57 : i1
      %add3A_63 = arith.addi %rem3A_55, %select_n3A_54 : i32
      %select_n3A_64 = arith.select %and3A_62, %add3A_63, %rem3A_55 : i32
      %mul3A_65 = arith.constant 16 : i32
      %mul3A_66 = arith.muli %select_n3A_64, %mul3A_65 : i32
      %swap3A = arith.index_cast %select_n3A : i32 to index
      %swap3A_67 = arith.index_cast %mul3A_66 : i32 to index
      %swap3A_68 = tpu.vector_load %arg6[%swap3A, %swap3A_67] {strides = array<i32>} : memref<64x16xf32, #tpu.memory_space<vmem>>, vector<1x16xf32>,
      %swap3A_69 = vector.shape_cast %swap3A_68 : vector<1x16xf32> to vector<16xf32>
      %swap3A_70 = vector.shape_cast %broadcast_in_dim3A_8 : vector<16xf32> to vector<1x16xf32>
      tpu.vector_store %arg6[%swap3A, %swap3A_67], %swap3A_70 {strides = array<i32>} : memref<64x16xf32, #tpu.memory_space<vmem>>, vector<1x16xf32>,
    }
    %scan3A_14 = arith.constant 64 : i32
    %scan3A_15 = arith.constant 0 : i32
    %scan3A_16 = arith.constant 0 : i32
    %scan3A_17 = arith.constant 10 : i32
    %scan3A_18 = arith.addi %scan3A_16, %scan3A_17 : i32
    %scan3A_19 = arith.constant 1 : i32
    scf.for %scan3A_34 = %scan3A_16 to %scan3A_18 step %scan3A_19  : i32 {
      %mul3A_35 = arith.constant 640 : i32
      %mul3A_36 = arith.muli %arg1, %mul3A_35 : i32
      %mul3A_37 = arith.constant 64 : i32
      %mul3A_38 = arith.muli %scan3A_34, %mul3A_37 : i32
      %add3A_39 = arith.addi %mul3A_36, %mul3A_38 : i32
      "tpu.region"() ({
        %run_scoped3A = tpu.sem_alloc : memref<!tpu.dma_semaphore, #tpu.memory_space<semaphore_mem>>
        %dma_start3A = arith.constant 0 : i32
        %dma_start3A_40 = tpu.memref_slice %arg7[%add3A_39, %dma_start3A] : memref<10240x16xf32, #tpu.memory_space<vmem_shared>> -> memref<64x16xf32, #tpu.memory_space<vmem_shared>>
        %dma_start3A_41 = arith.constant 0 : i32
        %dma_start3A_42 = tpu.memref_slice %arg7[%add3A_39, %dma_start3A_41] : memref<10240x16xf32, #tpu.memory_space<vmem_shared>> -> memref<64x16xf32, #tpu.memory_space<vmem_shared>>
        tpu.enqueue_dma source(%arg6 : memref<64x16xf32, #tpu.memory_space<vmem>>) target(%dma_start3A_42 : memref<64x16xf32, #tpu.memory_space<vmem_shared>>) target_semaphore(%run_scoped3A : memref<!tpu.dma_semaphore, #tpu.memory_space<semaphore_mem>>)
        %dma_wait3A = arith.constant 0 : i32
        %dma_wait3A_43 = tpu.memref_slice %arg7[%add3A_39, %dma_wait3A] : memref<10240x16xf32, #tpu.memory_space<vmem_shared>> -> memref<64x16xf32, #tpu.memory_space<vmem_shared>>
        %dma_wait3A_44 = arith.constant 0 : i32
        %dma_wait3A_45 = tpu.memref_slice %arg7[%add3A_39, %dma_wait3A_44] : memref<10240x16xf32, #tpu.memory_space<vmem_shared>> -> memref<64x16xf32, #tpu.memory_space<vmem_shared>>
        tpu.wait_dma2 semaphore(%run_scoped3A : memref<!tpu.dma_semaphore, #tpu.memory_space<semaphore_mem>>) src(%arg6 : memref<64x16xf32, #tpu.memory_space<vmem>>) dst(%dma_wait3A_45 : memref<64x16xf32, #tpu.memory_space<vmem_shared>>)
        tpu.yield
      }) : () -> ()
    }
    %scan3A_20 = arith.constant 10 : i32
    "tpu.region"() ({
      %run_scoped3A = tpu.sem_alloc : memref<!tpu.dma_semaphore, #tpu.memory_space<semaphore_mem>>
      %dma_start3A = arith.constant 0 : i32
      %dma_start3A_34 = arith.constant 0 : i32
      %dma_start3A_35 = tpu.memref_slice %arg2[%add3A, %dma_start3A, %dma_start3A_34] : memref<32x83x128xi32, #tpu.memory_space<hbm>> -> memref<1x83x128xi32, #tpu.memory_space<hbm>>
      %dma_start3A_36 = tpu.memref_squeeze %dma_start3A_35 : memref<1x83x128xi32, #tpu.memory_space<hbm>> -> memref<83x128xi32, #tpu.memory_space<hbm>>
      %dma_start3A_37 = arith.constant 0 : i32
      %dma_start3A_38 = arith.constant 0 : i32
      %dma_start3A_39 = tpu.memref_slice %arg2[%add3A, %dma_start3A_37, %dma_start3A_38] : memref<32x83x128xi32, #tpu.memory_space<hbm>> -> memref<1x83x128xi32, #tpu.memory_space<hbm>>
      %dma_start3A_40 = tpu.memref_squeeze %dma_start3A_39 : memref<1x83x128xi32, #tpu.memory_space<hbm>> -> memref<83x128xi32, #tpu.memory_space<hbm>>
      tpu.enqueue_dma source(%dma_start3A_40 : memref<83x128xi32, #tpu.memory_space<hbm>>) target(%arg4 : memref<83x128xi32, #tpu.memory_space<vmem>>) target_semaphore(%run_scoped3A : memref<!tpu.dma_semaphore, #tpu.memory_space<semaphore_mem>>)
      %dma_wait3A = arith.constant 0 : i32
      %dma_wait3A_41 = arith.constant 0 : i32
      %dma_wait3A_42 = tpu.memref_slice %arg2[%add3A, %dma_wait3A, %dma_wait3A_41] : memref<32x83x128xi32, #tpu.memory_space<hbm>> -> memref<1x83x128xi32, #tpu.memory_space<hbm>>
      %dma_wait3A_43 = tpu.memref_squeeze %dma_wait3A_42 : memref<1x83x128xi32, #tpu.memory_space<hbm>> -> memref<83x128xi32, #tpu.memory_space<hbm>>
      %dma_wait3A_44 = arith.constant 0 : i32
      %dma_wait3A_45 = arith.constant 0 : i32
      %dma_wait3A_46 = tpu.memref_slice %arg2[%add3A, %dma_wait3A_44, %dma_wait3A_45] : memref<32x83x128xi32, #tpu.memory_space<hbm>> -> memref<1x83x128xi32, #tpu.memory_space<hbm>>
      %dma_wait3A_47 = tpu.memref_squeeze %dma_wait3A_46 : memref<1x83x128xi32, #tpu.memory_space<hbm>> -> memref<83x128xi32, #tpu.memory_space<hbm>>
      tpu.wait_dma2 semaphore(%run_scoped3A : memref<!tpu.dma_semaphore, #tpu.memory_space<semaphore_mem>>) src(%dma_wait3A_47 : memref<83x128xi32, #tpu.memory_space<hbm>>) dst(%arg4 : memref<83x128xi32, #tpu.memory_space<vmem>>)
      tpu.yield
    }) : () -> ()
    %barrier3A = arith.constant 0 : index
    tpu.barrier barrier_id(%barrier3A)
    %scan3A_21 = arith.constant 0 : i32
    %scan3A_22 = arith.constant 0 : i32
    %scan3A_23 = arith.constant 81 : i32
    %scan3A_24 = arith.addi %scan3A_22, %scan3A_23 : i32
    %scan3A_25 = arith.constant 1 : i32
    scf.for %scan3A_34 = %scan3A_22 to %scan3A_24 step %scan3A_25  : i32 {
      "tpu.region"() ({
        %run_scoped3A = tpu.sem_alloc : memref<!tpu.dma_semaphore, #tpu.memory_space<semaphore_mem>>
        %dma_start3A = arith.constant 0 : i32
        %dma_start3A_35 = tpu.memref_slice %arg4[%scan3A_34, %dma_start3A] : memref<83x128xi32, #tpu.memory_space<vmem>> -> memref<1x128xi32, #tpu.memory_space<vmem>>
        %dma_start3A_36 = tpu.memref_squeeze %dma_start3A_35 : memref<1x128xi32, #tpu.memory_space<vmem>> -> memref<128xi32, #tpu.memory_space<vmem>>
        %dma_start3A_37 = arith.constant 0 : i32
        %dma_start3A_38 = arith.constant 0 : i32
        %dma_start3A_39 = tpu.memref_slice %arg7[%dma_start3A_37, %dma_start3A_38] : memref<10240x16xf32, #tpu.memory_space<vmem_shared>> -> memref<10240x16xf32, #tpu.memory_space<vmem_shared>>
        tpu.enqueue_indirect_dma source(%arg5 : memref<128x16xf32, #tpu.memory_space<vmem>>) target(%dma_start3A_39 : memref<10240x16xf32, #tpu.memory_space<vmem_shared>>) offsets(%dma_start3A_36 : memref<128xi32, #tpu.memory_space<vmem>>) semaphore(%run_scoped3A : memref<!tpu.dma_semaphore, #tpu.memory_space<semaphore_mem>>) {add = true}
        %dma_wait3A = arith.constant 0 : i32
        %dma_wait3A_40 = tpu.memref_slice %arg4[%scan3A_34, %dma_wait3A] : memref<83x128xi32, #tpu.memory_space<vmem>> -> memref<1x128xi32, #tpu.memory_space<vmem>>
        %dma_wait3A_41 = tpu.memref_squeeze %dma_wait3A_40 : memref<1x128xi32, #tpu.memory_space<vmem>> -> memref<128xi32, #tpu.memory_space<vmem>>
        %dma_wait3A_42 = arith.constant 0 : i32
        %dma_wait3A_43 = arith.constant 0 : i32
        %dma_wait3A_44 = tpu.memref_slice %arg7[%dma_wait3A_42, %dma_wait3A_43] : memref<10240x16xf32, #tpu.memory_space<vmem_shared>> -> memref<10240x16xf32, #tpu.memory_space<vmem_shared>>
        tpu.wait_indirect_dma semaphore(%run_scoped3A : memref<!tpu.dma_semaphore, #tpu.memory_space<semaphore_mem>>) src(%arg5 : memref<128x16xf32, #tpu.memory_space<vmem>>) dst(%dma_wait3A_44 : memref<10240x16xf32, #tpu.memory_space<vmem_shared>>)
        tpu.yield
      }) : () -> ()
    }
    %scan3A_26 = arith.constant 81 : i32
    %barrier3A_27 = arith.constant 0 : index
    tpu.barrier barrier_id(%barrier3A_27)
    %scan3A_28 = arith.constant 0 : i32
    %scan3A_29 = arith.constant 0 : i32
    %scan3A_30 = arith.constant 10 : i32
    %scan3A_31 = arith.addi %scan3A_29, %scan3A_30 : i32
    %scan3A_32 = arith.constant 1 : i32
    scf.for %scan3A_34 = %scan3A_29 to %scan3A_31 step %scan3A_32  : i32 {
      %mul3A_35 = arith.constant 640 : i32
      %mul3A_36 = arith.muli %arg1, %mul3A_35 : i32
      %mul3A_37 = arith.constant 64 : i32
      %mul3A_38 = arith.muli %scan3A_34, %mul3A_37 : i32
      %add3A_39 = arith.addi %mul3A_36, %mul3A_38 : i32
      "tpu.region"() ({
        %run_scoped3A = tpu.sem_alloc : memref<!tpu.dma_semaphore, #tpu.memory_space<semaphore_mem>>
        %dma_start3A = arith.constant 0 : i32
        %dma_start3A_40 = tpu.memref_slice %arg7[%add3A_39, %dma_start3A] : memref<10240x16xf32, #tpu.memory_space<vmem_shared>> -> memref<64x16xf32, #tpu.memory_space<vmem_shared>>
        %dma_start3A_41 = arith.constant 0 : i32
        %dma_start3A_42 = tpu.memref_slice %arg7[%add3A_39, %dma_start3A_41] : memref<10240x16xf32, #tpu.memory_space<vmem_shared>> -> memref<64x16xf32, #tpu.memory_space<vmem_shared>>
        tpu.enqueue_dma source(%dma_start3A_42 : memref<64x16xf32, #tpu.memory_space<vmem_shared>>) target(%arg6 : memref<64x16xf32, #tpu.memory_space<vmem>>) target_semaphore(%run_scoped3A : memref<!tpu.dma_semaphore, #tpu.memory_space<semaphore_mem>>)
        %dma_wait3A = arith.constant 0 : i32
        %dma_wait3A_43 = tpu.memref_slice %arg7[%add3A_39, %dma_wait3A] : memref<10240x16xf32, #tpu.memory_space<vmem_shared>> -> memref<64x16xf32, #tpu.memory_space<vmem_shared>>
        %dma_wait3A_44 = arith.constant 0 : i32
        %dma_wait3A_45 = tpu.memref_slice %arg7[%add3A_39, %dma_wait3A_44] : memref<10240x16xf32, #tpu.memory_space<vmem_shared>> -> memref<64x16xf32, #tpu.memory_space<vmem_shared>>
        tpu.wait_dma2 semaphore(%run_scoped3A : memref<!tpu.dma_semaphore, #tpu.memory_space<semaphore_mem>>) src(%dma_wait3A_45 : memref<64x16xf32, #tpu.memory_space<vmem_shared>>) dst(%arg6 : memref<64x16xf32, #tpu.memory_space<vmem>>)
        tpu.yield
      }) : () -> ()
      "tpu.region"() ({
        %run_scoped3A = tpu.sem_alloc : memref<!tpu.dma_semaphore, #tpu.memory_space<semaphore_mem>>
        %dma_start3A = arith.constant 0 : i32
        %dma_start3A_40 = tpu.memref_slice %arg3[%arg0, %add3A_39, %dma_start3A] : memref<2x10240x16xf32, #tpu.memory_space<hbm>> -> memref<1x64x16xf32, #tpu.memory_space<hbm>>
        %dma_start3A_41 = tpu.memref_squeeze %dma_start3A_40 : memref<1x64x16xf32, #tpu.memory_space<hbm>> -> memref<64x16xf32, #tpu.memory_space<hbm>>
        %dma_start3A_42 = arith.constant 0 : i32
        %dma_start3A_43 = tpu.memref_slice %arg3[%arg0, %add3A_39, %dma_start3A_42] : memref<2x10240x16xf32, #tpu.memory_space<hbm>> -> memref<1x64x16xf32, #tpu.memory_space<hbm>>
        %dma_start3A_44 = tpu.memref_squeeze %dma_start3A_43 : memref<1x64x16xf32, #tpu.memory_space<hbm>> -> memref<64x16xf32, #tpu.memory_space<hbm>>
        tpu.enqueue_dma source(%arg6 : memref<64x16xf32, #tpu.memory_space<vmem>>) target(%dma_start3A_44 : memref<64x16xf32, #tpu.memory_space<hbm>>) target_semaphore(%run_scoped3A : memref<!tpu.dma_semaphore, #tpu.memory_space<semaphore_mem>>)
        %dma_wait3A = arith.constant 0 : i32
        %dma_wait3A_45 = tpu.memref_slice %arg3[%arg0, %add3A_39, %dma_wait3A] : memref<2x10240x16xf32, #tpu.memory_space<hbm>> -> memref<1x64x16xf32, #tpu.memory_space<hbm>>
        %dma_wait3A_46 = tpu.memref_squeeze %dma_wait3A_45 : memref<1x64x16xf32, #tpu.memory_space<hbm>> -> memref<64x16xf32, #tpu.memory_space<hbm>>
        %dma_wait3A_47 = arith.constant 0 : i32
        %dma_wait3A_48 = tpu.memref_slice %arg3[%arg0, %add3A_39, %dma_wait3A_47] : memref<2x10240x16xf32, #tpu.memory_space<hbm>> -> memref<1x64x16xf32, #tpu.memory_space<hbm>>
        %dma_wait3A_49 = tpu.memref_squeeze %dma_wait3A_48 : memref<1x64x16xf32, #tpu.memory_space<hbm>> -> memref<64x16xf32, #tpu.memory_space<hbm>>
        tpu.wait_dma2 semaphore(%run_scoped3A : memref<!tpu.dma_semaphore, #tpu.memory_space<semaphore_mem>>) src(%arg6 : memref<64x16xf32, #tpu.memory_space<vmem>>) dst(%dma_wait3A_49 : memref<64x16xf32, #tpu.memory_space<hbm>>)
        tpu.yield
      }) : () -> ()
    }
    %scan3A_33 = arith.constant 10 : i32
    return
  }
}

#map = affine_map<(d0, d1) -> (0, 0, 0)>
#map1 = affine_map<(d0, d1) -> (0, 0)>
module attributes {stable_mosaic.version = 14 : i64} {
  func.func @_agg_kernel(%arg0: i32, %arg1: i32, %arg2: memref<32x83x128xi32, #tpu.memory_space<hbm>>, %arg3: memref<32x83x128xi32, #tpu.memory_space<hbm>>, %arg4: memref<10240x64xf32, #tpu.memory_space<hbm>>, %arg5: memref<2x10240x64xf32, #tpu.memory_space<hbm>>, %arg6: memref<83x128xi32, #tpu.memory_space<vmem>>, %arg7: memref<83x128xi32, #tpu.memory_space<vmem>>, %arg8: memref<128x64xf32, #tpu.memory_space<vmem>>, %arg9: memref<128x64xf32, #tpu.memory_space<vmem>>, %arg10: memref<128x64xf32, #tpu.memory_space<vmem>>, %arg11: memref<64x64xf32, #tpu.memory_space<vmem>>, %arg12: memref<10240x64xf32, #tpu.memory_space<vmem_shared>>, %arg13: memref<!tpu.dma_semaphore, #tpu.memory_space<semaphore_mem>>, %arg14: memref<!tpu.dma_semaphore, #tpu.memory_space<semaphore_mem>>, %arg15: memref<!tpu.dma_semaphore, #tpu.memory_space<semaphore_mem>>) attributes {dimension_semantics = [#tpu.dimension_semantics<core_parallel>, #tpu.dimension_semantics<subcore_parallel>], iteration_bounds = array<i64: 2, 16>, scalar_prefetch = 0 : i64, scratch_operands = 10 : i64, tpu.core_type = #tpu.core_type<sc_vector_subcore>, window_params = [{transform_indices = #map}, {transform_indices = #map}, {transform_indices = #map1}, {transform_indices = #map}]} {
    %mul3A = arith.constant 16 : i32
    %mul3A_0 = arith.muli %arg0, %mul3A : i32
    %add3A = arith.addi %mul3A_0, %arg1 : i32
    %broadcast_in_dim3A = arith.constant 0.000000e+00 : f32
    %broadcast_in_dim3A_1 = vector.broadcast %broadcast_in_dim3A : f32 to vector<16xf32>
    %scan3A = arith.constant 0 : i32
    %scan3A_2 = arith.constant 0 : i32
    %scan3A_3 = arith.constant 256 : i32
    %scan3A_4 = arith.addi %scan3A_2, %scan3A_3 : i32
    %scan3A_5 = arith.constant 1 : i32
    scf.for %scan3A_50 = %scan3A_2 to %scan3A_4 step %scan3A_5  : i32 {
      %jit3A = arith.constant 4 : i32
      %div3A = arith.divsi %scan3A_50, %jit3A : i32
      %sign3A = arith.constant 0 : i32
      %sign3A_51 = arith.cmpi sgt, %scan3A_50, %sign3A : i32
      %sign3A_52 = arith.extui %sign3A_51 : i1 to i32
      %sign3A_53 = arith.constant 0 : i32
      %sign3A_54 = arith.cmpi slt, %scan3A_50, %sign3A_53 : i32
      %sign3A_55 = arith.extui %sign3A_54 : i1 to i32
      %sign3A_56 = arith.subi %sign3A_52, %sign3A_55 : i32
      %sign3A_57 = arith.constant 0 : i32
      %sign3A_58 = arith.cmpi sgt, %jit3A, %sign3A_57 : i32
      %sign3A_59 = arith.extui %sign3A_58 : i1 to i32
      %sign3A_60 = arith.constant 0 : i32
      %sign3A_61 = arith.cmpi slt, %jit3A, %sign3A_60 : i32
      %sign3A_62 = arith.extui %sign3A_61 : i1 to i32
      %sign3A_63 = arith.subi %sign3A_59, %sign3A_62 : i32
      %ne3A = arith.cmpi ne, %sign3A_56, %sign3A_63 : i32
      %rem3A = arith.remsi %scan3A_50, %jit3A : i32
      %ne3A_64 = arith.constant 0 : i32
      %ne3A_65 = arith.cmpi ne, %rem3A, %ne3A_64 : i32
      %and3A = arith.andi %ne3A, %ne3A_65 : i1
      %sub3A = arith.constant 1 : i32
      %sub3A_66 = arith.subi %div3A, %sub3A : i32
      %select_n3A = arith.select %and3A, %sub3A_66, %div3A : i32
      %jit3A_67 = arith.constant 4 : i32
      %eq3A = arith.constant 0 : i32
      %eq3A_68 = arith.cmpi eq, %jit3A_67, %eq3A : i32
      %jit3A_69 = arith.constant 1 : i32
      %select_n3A_70 = arith.select %eq3A_68, %jit3A_69, %jit3A_67 : i32
      %rem3A_71 = arith.remsi %scan3A_50, %select_n3A_70 : i32
      %ne3A_72 = arith.constant 0 : i32
      %ne3A_73 = arith.cmpi ne, %rem3A_71, %ne3A_72 : i32
      %lt3A = arith.constant 0 : i32
      %lt3A_74 = arith.cmpi slt, %rem3A_71, %lt3A : i32
      %lt3A_75 = arith.constant 0 : i32
      %lt3A_76 = arith.cmpi slt, %select_n3A_70, %lt3A_75 : i32
      %ne3A_77 = arith.xori %lt3A_74, %lt3A_76 : i1
      %and3A_78 = arith.andi %ne3A_77, %ne3A_73 : i1
      %add3A_79 = arith.addi %rem3A_71, %select_n3A_70 : i32
      %select_n3A_80 = arith.select %and3A_78, %add3A_79, %rem3A_71 : i32
      %mul3A_81 = arith.constant 16 : i32
      %mul3A_82 = arith.muli %select_n3A_80, %mul3A_81 : i32
      %swap3A = arith.index_cast %select_n3A : i32 to index
      %swap3A_83 = arith.index_cast %mul3A_82 : i32 to index
      %swap3A_84 = tpu.vector_load %arg11[%swap3A, %swap3A_83] {strides = array<i32>} : memref<64x64xf32, #tpu.memory_space<vmem>>, vector<1x16xf32>,
      %swap3A_85 = vector.shape_cast %swap3A_84 : vector<1x16xf32> to vector<16xf32>
      %swap3A_86 = vector.shape_cast %broadcast_in_dim3A_1 : vector<16xf32> to vector<1x16xf32>
      tpu.vector_store %arg11[%swap3A, %swap3A_83], %swap3A_86 {strides = array<i32>} : memref<64x64xf32, #tpu.memory_space<vmem>>, vector<1x16xf32>,
    }
    %scan3A_6 = arith.constant 256 : i32
    %scan3A_7 = arith.constant 0 : i32
    %scan3A_8 = arith.constant 0 : i32
    %scan3A_9 = arith.constant 10 : i32
    %scan3A_10 = arith.addi %scan3A_8, %scan3A_9 : i32
    %scan3A_11 = arith.constant 1 : i32
    scf.for %scan3A_50 = %scan3A_8 to %scan3A_10 step %scan3A_11  : i32 {
      %mul3A_51 = arith.constant 640 : i32
      %mul3A_52 = arith.muli %arg1, %mul3A_51 : i32
      %mul3A_53 = arith.constant 64 : i32
      %mul3A_54 = arith.muli %scan3A_50, %mul3A_53 : i32
      %add3A_55 = arith.addi %mul3A_52, %mul3A_54 : i32
      "tpu.region"() ({
        %run_scoped3A = tpu.sem_alloc : memref<!tpu.dma_semaphore, #tpu.memory_space<semaphore_mem>>
        %dma_start3A_56 = arith.constant 0 : i32
        %dma_start3A_57 = tpu.memref_slice %arg12[%add3A_55, %dma_start3A_56] : memref<10240x64xf32, #tpu.memory_space<vmem_shared>> -> memref<64x64xf32, #tpu.memory_space<vmem_shared>>
        %dma_start3A_58 = arith.constant 0 : i32
        %dma_start3A_59 = tpu.memref_slice %arg12[%add3A_55, %dma_start3A_58] : memref<10240x64xf32, #tpu.memory_space<vmem_shared>> -> memref<64x64xf32, #tpu.memory_space<vmem_shared>>
        tpu.enqueue_dma source(%arg11 : memref<64x64xf32, #tpu.memory_space<vmem>>) target(%dma_start3A_59 : memref<64x64xf32, #tpu.memory_space<vmem_shared>>) target_semaphore(%run_scoped3A : memref<!tpu.dma_semaphore, #tpu.memory_space<semaphore_mem>>)
        %dma_wait3A_60 = arith.constant 0 : i32
        %dma_wait3A_61 = tpu.memref_slice %arg12[%add3A_55, %dma_wait3A_60] : memref<10240x64xf32, #tpu.memory_space<vmem_shared>> -> memref<64x64xf32, #tpu.memory_space<vmem_shared>>
        %dma_wait3A_62 = arith.constant 0 : i32
        %dma_wait3A_63 = tpu.memref_slice %arg12[%add3A_55, %dma_wait3A_62] : memref<10240x64xf32, #tpu.memory_space<vmem_shared>> -> memref<64x64xf32, #tpu.memory_space<vmem_shared>>
        tpu.wait_dma2 semaphore(%run_scoped3A : memref<!tpu.dma_semaphore, #tpu.memory_space<semaphore_mem>>) src(%arg11 : memref<64x64xf32, #tpu.memory_space<vmem>>) dst(%dma_wait3A_63 : memref<64x64xf32, #tpu.memory_space<vmem_shared>>)
        tpu.yield
      }) : () -> ()
    }
    %scan3A_12 = arith.constant 10 : i32
    "tpu.region"() ({
      %run_scoped3A = tpu.sem_alloc : memref<!tpu.dma_semaphore, #tpu.memory_space<semaphore_mem>>
      %dma_start3A_50 = arith.constant 0 : i32
      %dma_start3A_51 = arith.constant 0 : i32
      %dma_start3A_52 = tpu.memref_slice %arg2[%add3A, %dma_start3A_50, %dma_start3A_51] : memref<32x83x128xi32, #tpu.memory_space<hbm>> -> memref<1x83x128xi32, #tpu.memory_space<hbm>>
      %dma_start3A_53 = tpu.memref_squeeze %dma_start3A_52 : memref<1x83x128xi32, #tpu.memory_space<hbm>> -> memref<83x128xi32, #tpu.memory_space<hbm>>
      %dma_start3A_54 = arith.constant 0 : i32
      %dma_start3A_55 = arith.constant 0 : i32
      %dma_start3A_56 = tpu.memref_slice %arg2[%add3A, %dma_start3A_54, %dma_start3A_55] : memref<32x83x128xi32, #tpu.memory_space<hbm>> -> memref<1x83x128xi32, #tpu.memory_space<hbm>>
      %dma_start3A_57 = tpu.memref_squeeze %dma_start3A_56 : memref<1x83x128xi32, #tpu.memory_space<hbm>> -> memref<83x128xi32, #tpu.memory_space<hbm>>
      tpu.enqueue_dma source(%dma_start3A_57 : memref<83x128xi32, #tpu.memory_space<hbm>>) target(%arg6 : memref<83x128xi32, #tpu.memory_space<vmem>>) target_semaphore(%run_scoped3A : memref<!tpu.dma_semaphore, #tpu.memory_space<semaphore_mem>>)
      %dma_wait3A_58 = arith.constant 0 : i32
      %dma_wait3A_59 = arith.constant 0 : i32
      %dma_wait3A_60 = tpu.memref_slice %arg2[%add3A, %dma_wait3A_58, %dma_wait3A_59] : memref<32x83x128xi32, #tpu.memory_space<hbm>> -> memref<1x83x128xi32, #tpu.memory_space<hbm>>
      %dma_wait3A_61 = tpu.memref_squeeze %dma_wait3A_60 : memref<1x83x128xi32, #tpu.memory_space<hbm>> -> memref<83x128xi32, #tpu.memory_space<hbm>>
      %dma_wait3A_62 = arith.constant 0 : i32
      %dma_wait3A_63 = arith.constant 0 : i32
      %dma_wait3A_64 = tpu.memref_slice %arg2[%add3A, %dma_wait3A_62, %dma_wait3A_63] : memref<32x83x128xi32, #tpu.memory_space<hbm>> -> memref<1x83x128xi32, #tpu.memory_space<hbm>>
      %dma_wait3A_65 = tpu.memref_squeeze %dma_wait3A_64 : memref<1x83x128xi32, #tpu.memory_space<hbm>> -> memref<83x128xi32, #tpu.memory_space<hbm>>
      tpu.wait_dma2 semaphore(%run_scoped3A : memref<!tpu.dma_semaphore, #tpu.memory_space<semaphore_mem>>) src(%dma_wait3A_65 : memref<83x128xi32, #tpu.memory_space<hbm>>) dst(%arg6 : memref<83x128xi32, #tpu.memory_space<vmem>>)
      tpu.yield
    }) : () -> ()
    "tpu.region"() ({
      %run_scoped3A = tpu.sem_alloc : memref<!tpu.dma_semaphore, #tpu.memory_space<semaphore_mem>>
      %dma_start3A_50 = arith.constant 0 : i32
      %dma_start3A_51 = arith.constant 0 : i32
      %dma_start3A_52 = tpu.memref_slice %arg3[%add3A, %dma_start3A_50, %dma_start3A_51] : memref<32x83x128xi32, #tpu.memory_space<hbm>> -> memref<1x83x128xi32, #tpu.memory_space<hbm>>
      %dma_start3A_53 = tpu.memref_squeeze %dma_start3A_52 : memref<1x83x128xi32, #tpu.memory_space<hbm>> -> memref<83x128xi32, #tpu.memory_space<hbm>>
      %dma_start3A_54 = arith.constant 0 : i32
      %dma_start3A_55 = arith.constant 0 : i32
      %dma_start3A_56 = tpu.memref_slice %arg3[%add3A, %dma_start3A_54, %dma_start3A_55] : memref<32x83x128xi32, #tpu.memory_space<hbm>> -> memref<1x83x128xi32, #tpu.memory_space<hbm>>
      %dma_start3A_57 = tpu.memref_squeeze %dma_start3A_56 : memref<1x83x128xi32, #tpu.memory_space<hbm>> -> memref<83x128xi32, #tpu.memory_space<hbm>>
      tpu.enqueue_dma source(%dma_start3A_57 : memref<83x128xi32, #tpu.memory_space<hbm>>) target(%arg7 : memref<83x128xi32, #tpu.memory_space<vmem>>) target_semaphore(%run_scoped3A : memref<!tpu.dma_semaphore, #tpu.memory_space<semaphore_mem>>)
      %dma_wait3A_58 = arith.constant 0 : i32
      %dma_wait3A_59 = arith.constant 0 : i32
      %dma_wait3A_60 = tpu.memref_slice %arg3[%add3A, %dma_wait3A_58, %dma_wait3A_59] : memref<32x83x128xi32, #tpu.memory_space<hbm>> -> memref<1x83x128xi32, #tpu.memory_space<hbm>>
      %dma_wait3A_61 = tpu.memref_squeeze %dma_wait3A_60 : memref<1x83x128xi32, #tpu.memory_space<hbm>> -> memref<83x128xi32, #tpu.memory_space<hbm>>
      %dma_wait3A_62 = arith.constant 0 : i32
      %dma_wait3A_63 = arith.constant 0 : i32
      %dma_wait3A_64 = tpu.memref_slice %arg3[%add3A, %dma_wait3A_62, %dma_wait3A_63] : memref<32x83x128xi32, #tpu.memory_space<hbm>> -> memref<1x83x128xi32, #tpu.memory_space<hbm>>
      %dma_wait3A_65 = tpu.memref_squeeze %dma_wait3A_64 : memref<1x83x128xi32, #tpu.memory_space<hbm>> -> memref<83x128xi32, #tpu.memory_space<hbm>>
      tpu.wait_dma2 semaphore(%run_scoped3A : memref<!tpu.dma_semaphore, #tpu.memory_space<semaphore_mem>>) src(%dma_wait3A_65 : memref<83x128xi32, #tpu.memory_space<hbm>>) dst(%arg7 : memref<83x128xi32, #tpu.memory_space<vmem>>)
      tpu.yield
    }) : () -> ()
    %barrier3A = arith.constant 0 : index
    tpu.barrier barrier_id(%barrier3A)
    %dma_start3A = arith.constant 0 : i32
    %dma_start3A_13 = arith.constant 0 : i32
    %dma_start3A_14 = tpu.memref_slice %arg6[%dma_start3A, %dma_start3A_13] : memref<83x128xi32, #tpu.memory_space<vmem>> -> memref<1x128xi32, #tpu.memory_space<vmem>>
    %dma_start3A_15 = tpu.memref_squeeze %dma_start3A_14 : memref<1x128xi32, #tpu.memory_space<vmem>> -> memref<128xi32, #tpu.memory_space<vmem>>
    %dma_start3A_16 = arith.constant 0 : i32
    %dma_start3A_17 = arith.constant 0 : i32
    %dma_start3A_18 = tpu.memref_slice %arg4[%dma_start3A_16, %dma_start3A_17] : memref<10240x64xf32, #tpu.memory_space<hbm>> -> memref<10240x64xf32, #tpu.memory_space<hbm>>
    tpu.enqueue_indirect_dma source(%dma_start3A_18 : memref<10240x64xf32, #tpu.memory_space<hbm>>) target(%arg8 : memref<128x64xf32, #tpu.memory_space<vmem>>) offsets(%dma_start3A_15 : memref<128xi32, #tpu.memory_space<vmem>>) semaphore(%arg13 : memref<!tpu.dma_semaphore, #tpu.memory_space<semaphore_mem>>)
    %dma_start3A_19 = arith.constant 1 : i32
    %dma_start3A_20 = arith.constant 0 : i32
    %dma_start3A_21 = tpu.memref_slice %arg6[%dma_start3A_19, %dma_start3A_20] : memref<83x128xi32, #tpu.memory_space<vmem>> -> memref<1x128xi32, #tpu.memory_space<vmem>>
    %dma_start3A_22 = tpu.memref_squeeze %dma_start3A_21 : memref<1x128xi32, #tpu.memory_space<vmem>> -> memref<128xi32, #tpu.memory_space<vmem>>
    %dma_start3A_23 = arith.constant 0 : i32
    %dma_start3A_24 = arith.constant 0 : i32
    %dma_start3A_25 = tpu.memref_slice %arg4[%dma_start3A_23, %dma_start3A_24] : memref<10240x64xf32, #tpu.memory_space<hbm>> -> memref<10240x64xf32, #tpu.memory_space<hbm>>
    tpu.enqueue_indirect_dma source(%dma_start3A_25 : memref<10240x64xf32, #tpu.memory_space<hbm>>) target(%arg9 : memref<128x64xf32, #tpu.memory_space<vmem>>) offsets(%dma_start3A_22 : memref<128xi32, #tpu.memory_space<vmem>>) semaphore(%arg14 : memref<!tpu.dma_semaphore, #tpu.memory_space<semaphore_mem>>)
    %scan3A_26 = arith.constant 0 : i32
    %scan3A_27 = arith.constant 0 : i32
    %scan3A_28 = arith.constant 27 : i32
    %scan3A_29 = arith.addi %scan3A_27, %scan3A_28 : i32
    %scan3A_30 = arith.constant 1 : i32
    scf.for %scan3A_50 = %scan3A_27 to %scan3A_29 step %scan3A_30  : i32 {
      %mul3A_51 = arith.constant 3 : i32
      %mul3A_52 = arith.muli %mul3A_51, %scan3A_50 : i32
      %dma_wait3A_53 = arith.constant 0 : i32
      %dma_wait3A_54 = arith.constant 0 : i32
      %dma_wait3A_55 = tpu.memref_slice %arg4[%dma_wait3A_53, %dma_wait3A_54] : memref<10240x64xf32, #tpu.memory_space<hbm>> -> memref<128x64xf32, #tpu.memory_space<hbm>>
      %dma_wait3A_56 = arith.constant 0 : i32
      %dma_wait3A_57 = arith.constant 0 : i32
      %dma_wait3A_58 = tpu.memref_slice %arg4[%dma_wait3A_56, %dma_wait3A_57] : memref<10240x64xf32, #tpu.memory_space<hbm>> -> memref<128x64xf32, #tpu.memory_space<hbm>>
      tpu.wait_dma2 semaphore(%arg13 : memref<!tpu.dma_semaphore, #tpu.memory_space<semaphore_mem>>) src(%dma_wait3A_58 : memref<128x64xf32, #tpu.memory_space<hbm>>) dst(%arg8 : memref<128x64xf32, #tpu.memory_space<vmem>>)
      %add3A_59 = arith.constant 0 : i32
      %add3A_60 = arith.addi %mul3A_52, %add3A_59 : i32
      %add3A_61 = arith.constant 2 : i32
      %add3A_62 = arith.addi %add3A_60, %add3A_61 : i32
      %dma_start3A_63 = arith.constant 0 : i32
      %dma_start3A_64 = tpu.memref_slice %arg6[%add3A_62, %dma_start3A_63] : memref<83x128xi32, #tpu.memory_space<vmem>> -> memref<1x128xi32, #tpu.memory_space<vmem>>
      %dma_start3A_65 = tpu.memref_squeeze %dma_start3A_64 : memref<1x128xi32, #tpu.memory_space<vmem>> -> memref<128xi32, #tpu.memory_space<vmem>>
      %dma_start3A_66 = arith.constant 0 : i32
      %dma_start3A_67 = arith.constant 0 : i32
      %dma_start3A_68 = tpu.memref_slice %arg4[%dma_start3A_66, %dma_start3A_67] : memref<10240x64xf32, #tpu.memory_space<hbm>> -> memref<10240x64xf32, #tpu.memory_space<hbm>>
      tpu.enqueue_indirect_dma source(%dma_start3A_68 : memref<10240x64xf32, #tpu.memory_space<hbm>>) target(%arg10 : memref<128x64xf32, #tpu.memory_space<vmem>>) offsets(%dma_start3A_65 : memref<128xi32, #tpu.memory_space<vmem>>) semaphore(%arg15 : memref<!tpu.dma_semaphore, #tpu.memory_space<semaphore_mem>>)
      %add3A_69 = arith.constant 0 : i32
      %add3A_70 = arith.addi %mul3A_52, %add3A_69 : i32
      "tpu.region"() ({
        %run_scoped3A = tpu.sem_alloc : memref<!tpu.dma_semaphore, #tpu.memory_space<semaphore_mem>>
        %dma_start3A_107 = arith.constant 0 : i32
        %dma_start3A_108 = tpu.memref_slice %arg7[%add3A_70, %dma_start3A_107] : memref<83x128xi32, #tpu.memory_space<vmem>> -> memref<1x128xi32, #tpu.memory_space<vmem>>
        %dma_start3A_109 = tpu.memref_squeeze %dma_start3A_108 : memref<1x128xi32, #tpu.memory_space<vmem>> -> memref<128xi32, #tpu.memory_space<vmem>>
        %dma_start3A_110 = arith.constant 0 : i32
        %dma_start3A_111 = arith.constant 0 : i32
        %dma_start3A_112 = tpu.memref_slice %arg12[%dma_start3A_110, %dma_start3A_111] : memref<10240x64xf32, #tpu.memory_space<vmem_shared>> -> memref<10240x64xf32, #tpu.memory_space<vmem_shared>>
        tpu.enqueue_indirect_dma source(%arg8 : memref<128x64xf32, #tpu.memory_space<vmem>>) target(%dma_start3A_112 : memref<10240x64xf32, #tpu.memory_space<vmem_shared>>) offsets(%dma_start3A_109 : memref<128xi32, #tpu.memory_space<vmem>>) semaphore(%run_scoped3A : memref<!tpu.dma_semaphore, #tpu.memory_space<semaphore_mem>>) {add = true}
        %dma_wait3A_113 = arith.constant 0 : i32
        %dma_wait3A_114 = tpu.memref_slice %arg7[%add3A_70, %dma_wait3A_113] : memref<83x128xi32, #tpu.memory_space<vmem>> -> memref<1x128xi32, #tpu.memory_space<vmem>>
        %dma_wait3A_115 = tpu.memref_squeeze %dma_wait3A_114 : memref<1x128xi32, #tpu.memory_space<vmem>> -> memref<128xi32, #tpu.memory_space<vmem>>
        %dma_wait3A_116 = arith.constant 0 : i32
        %dma_wait3A_117 = arith.constant 0 : i32
        %dma_wait3A_118 = tpu.memref_slice %arg12[%dma_wait3A_116, %dma_wait3A_117] : memref<10240x64xf32, #tpu.memory_space<vmem_shared>> -> memref<10240x64xf32, #tpu.memory_space<vmem_shared>>
        tpu.wait_indirect_dma semaphore(%run_scoped3A : memref<!tpu.dma_semaphore, #tpu.memory_space<semaphore_mem>>) src(%arg8 : memref<128x64xf32, #tpu.memory_space<vmem>>) dst(%dma_wait3A_118 : memref<10240x64xf32, #tpu.memory_space<vmem_shared>>)
        tpu.yield
      }) : () -> ()
      %dma_wait3A_71 = arith.constant 0 : i32
      %dma_wait3A_72 = arith.constant 0 : i32
      %dma_wait3A_73 = tpu.memref_slice %arg4[%dma_wait3A_71, %dma_wait3A_72] : memref<10240x64xf32, #tpu.memory_space<hbm>> -> memref<128x64xf32, #tpu.memory_space<hbm>>
      %dma_wait3A_74 = arith.constant 0 : i32
      %dma_wait3A_75 = arith.constant 0 : i32
      %dma_wait3A_76 = tpu.memref_slice %arg4[%dma_wait3A_74, %dma_wait3A_75] : memref<10240x64xf32, #tpu.memory_space<hbm>> -> memref<128x64xf32, #tpu.memory_space<hbm>>
      tpu.wait_dma2 semaphore(%arg14 : memref<!tpu.dma_semaphore, #tpu.memory_space<semaphore_mem>>) src(%dma_wait3A_76 : memref<128x64xf32, #tpu.memory_space<hbm>>) dst(%arg9 : memref<128x64xf32, #tpu.memory_space<vmem>>)
      %add3A_77 = arith.constant 1 : i32
      %add3A_78 = arith.addi %mul3A_52, %add3A_77 : i32
      %add3A_79 = arith.constant 2 : i32
      %add3A_80 = arith.addi %add3A_78, %add3A_79 : i32
      %dma_start3A_81 = arith.constant 0 : i32
      %dma_start3A_82 = tpu.memref_slice %arg6[%add3A_80, %dma_start3A_81] : memref<83x128xi32, #tpu.memory_space<vmem>> -> memref<1x128xi32, #tpu.memory_space<vmem>>
      %dma_start3A_83 = tpu.memref_squeeze %dma_start3A_82 : memref<1x128xi32, #tpu.memory_space<vmem>> -> memref<128xi32, #tpu.memory_space<vmem>>
      %dma_start3A_84 = arith.constant 0 : i32
      %dma_start3A_85 = arith.constant 0 : i32
      %dma_start3A_86 = tpu.memref_slice %arg4[%dma_start3A_84, %dma_start3A_85] : memref<10240x64xf32, #tpu.memory_space<hbm>> -> memref<10240x64xf32, #tpu.memory_space<hbm>>
      tpu.enqueue_indirect_dma source(%dma_start3A_86 : memref<10240x64xf32, #tpu.memory_space<hbm>>) target(%arg8 : memref<128x64xf32, #tpu.memory_space<vmem>>) offsets(%dma_start3A_83 : memref<128xi32, #tpu.memory_space<vmem>>) semaphore(%arg13 : memref<!tpu.dma_semaphore, #tpu.memory_space<semaphore_mem>>)
      %add3A_87 = arith.constant 1 : i32
      %add3A_88 = arith.addi %mul3A_52, %add3A_87 : i32
      "tpu.region"() ({
        %run_scoped3A = tpu.sem_alloc : memref<!tpu.dma_semaphore, #tpu.memory_space<semaphore_mem>>
        %dma_start3A_107 = arith.constant 0 : i32
        %dma_start3A_108 = tpu.memref_slice %arg7[%add3A_88, %dma_start3A_107] : memref<83x128xi32, #tpu.memory_space<vmem>> -> memref<1x128xi32, #tpu.memory_space<vmem>>
        %dma_start3A_109 = tpu.memref_squeeze %dma_start3A_108 : memref<1x128xi32, #tpu.memory_space<vmem>> -> memref<128xi32, #tpu.memory_space<vmem>>
        %dma_start3A_110 = arith.constant 0 : i32
        %dma_start3A_111 = arith.constant 0 : i32
        %dma_start3A_112 = tpu.memref_slice %arg12[%dma_start3A_110, %dma_start3A_111] : memref<10240x64xf32, #tpu.memory_space<vmem_shared>> -> memref<10240x64xf32, #tpu.memory_space<vmem_shared>>
        tpu.enqueue_indirect_dma source(%arg9 : memref<128x64xf32, #tpu.memory_space<vmem>>) target(%dma_start3A_112 : memref<10240x64xf32, #tpu.memory_space<vmem_shared>>) offsets(%dma_start3A_109 : memref<128xi32, #tpu.memory_space<vmem>>) semaphore(%run_scoped3A : memref<!tpu.dma_semaphore, #tpu.memory_space<semaphore_mem>>) {add = true}
        %dma_wait3A_113 = arith.constant 0 : i32
        %dma_wait3A_114 = tpu.memref_slice %arg7[%add3A_88, %dma_wait3A_113] : memref<83x128xi32, #tpu.memory_space<vmem>> -> memref<1x128xi32, #tpu.memory_space<vmem>>
        %dma_wait3A_115 = tpu.memref_squeeze %dma_wait3A_114 : memref<1x128xi32, #tpu.memory_space<vmem>> -> memref<128xi32, #tpu.memory_space<vmem>>
        %dma_wait3A_116 = arith.constant 0 : i32
        %dma_wait3A_117 = arith.constant 0 : i32
        %dma_wait3A_118 = tpu.memref_slice %arg12[%dma_wait3A_116, %dma_wait3A_117] : memref<10240x64xf32, #tpu.memory_space<vmem_shared>> -> memref<10240x64xf32, #tpu.memory_space<vmem_shared>>
        tpu.wait_indirect_dma semaphore(%run_scoped3A : memref<!tpu.dma_semaphore, #tpu.memory_space<semaphore_mem>>) src(%arg9 : memref<128x64xf32, #tpu.memory_space<vmem>>) dst(%dma_wait3A_118 : memref<10240x64xf32, #tpu.memory_space<vmem_shared>>)
        tpu.yield
      }) : () -> ()
      %dma_wait3A_89 = arith.constant 0 : i32
      %dma_wait3A_90 = arith.constant 0 : i32
      %dma_wait3A_91 = tpu.memref_slice %arg4[%dma_wait3A_89, %dma_wait3A_90] : memref<10240x64xf32, #tpu.memory_space<hbm>> -> memref<128x64xf32, #tpu.memory_space<hbm>>
      %dma_wait3A_92 = arith.constant 0 : i32
      %dma_wait3A_93 = arith.constant 0 : i32
      %dma_wait3A_94 = tpu.memref_slice %arg4[%dma_wait3A_92, %dma_wait3A_93] : memref<10240x64xf32, #tpu.memory_space<hbm>> -> memref<128x64xf32, #tpu.memory_space<hbm>>
      tpu.wait_dma2 semaphore(%arg15 : memref<!tpu.dma_semaphore, #tpu.memory_space<semaphore_mem>>) src(%dma_wait3A_94 : memref<128x64xf32, #tpu.memory_space<hbm>>) dst(%arg10 : memref<128x64xf32, #tpu.memory_space<vmem>>)
      %add3A_95 = arith.constant 2 : i32
      %add3A_96 = arith.addi %mul3A_52, %add3A_95 : i32
      %add3A_97 = arith.constant 2 : i32
      %add3A_98 = arith.addi %add3A_96, %add3A_97 : i32
      %dma_start3A_99 = arith.constant 0 : i32
      %dma_start3A_100 = tpu.memref_slice %arg6[%add3A_98, %dma_start3A_99] : memref<83x128xi32, #tpu.memory_space<vmem>> -> memref<1x128xi32, #tpu.memory_space<vmem>>
      %dma_start3A_101 = tpu.memref_squeeze %dma_start3A_100 : memref<1x128xi32, #tpu.memory_space<vmem>> -> memref<128xi32, #tpu.memory_space<vmem>>
      %dma_start3A_102 = arith.constant 0 : i32
      %dma_start3A_103 = arith.constant 0 : i32
      %dma_start3A_104 = tpu.memref_slice %arg4[%dma_start3A_102, %dma_start3A_103] : memref<10240x64xf32, #tpu.memory_space<hbm>> -> memref<10240x64xf32, #tpu.memory_space<hbm>>
      tpu.enqueue_indirect_dma source(%dma_start3A_104 : memref<10240x64xf32, #tpu.memory_space<hbm>>) target(%arg9 : memref<128x64xf32, #tpu.memory_space<vmem>>) offsets(%dma_start3A_101 : memref<128xi32, #tpu.memory_space<vmem>>) semaphore(%arg14 : memref<!tpu.dma_semaphore, #tpu.memory_space<semaphore_mem>>)
      %add3A_105 = arith.constant 2 : i32
      %add3A_106 = arith.addi %mul3A_52, %add3A_105 : i32
      "tpu.region"() ({
        %run_scoped3A = tpu.sem_alloc : memref<!tpu.dma_semaphore, #tpu.memory_space<semaphore_mem>>
        %dma_start3A_107 = arith.constant 0 : i32
        %dma_start3A_108 = tpu.memref_slice %arg7[%add3A_106, %dma_start3A_107] : memref<83x128xi32, #tpu.memory_space<vmem>> -> memref<1x128xi32, #tpu.memory_space<vmem>>
        %dma_start3A_109 = tpu.memref_squeeze %dma_start3A_108 : memref<1x128xi32, #tpu.memory_space<vmem>> -> memref<128xi32, #tpu.memory_space<vmem>>
        %dma_start3A_110 = arith.constant 0 : i32
        %dma_start3A_111 = arith.constant 0 : i32
        %dma_start3A_112 = tpu.memref_slice %arg12[%dma_start3A_110, %dma_start3A_111] : memref<10240x64xf32, #tpu.memory_space<vmem_shared>> -> memref<10240x64xf32, #tpu.memory_space<vmem_shared>>
        tpu.enqueue_indirect_dma source(%arg10 : memref<128x64xf32, #tpu.memory_space<vmem>>) target(%dma_start3A_112 : memref<10240x64xf32, #tpu.memory_space<vmem_shared>>) offsets(%dma_start3A_109 : memref<128xi32, #tpu.memory_space<vmem>>) semaphore(%run_scoped3A : memref<!tpu.dma_semaphore, #tpu.memory_space<semaphore_mem>>) {add = true}
        %dma_wait3A_113 = arith.constant 0 : i32
        %dma_wait3A_114 = tpu.memref_slice %arg7[%add3A_106, %dma_wait3A_113] : memref<83x128xi32, #tpu.memory_space<vmem>> -> memref<1x128xi32, #tpu.memory_space<vmem>>
        %dma_wait3A_115 = tpu.memref_squeeze %dma_wait3A_114 : memref<1x128xi32, #tpu.memory_space<vmem>> -> memref<128xi32, #tpu.memory_space<vmem>>
        %dma_wait3A_116 = arith.constant 0 : i32
        %dma_wait3A_117 = arith.constant 0 : i32
        %dma_wait3A_118 = tpu.memref_slice %arg12[%dma_wait3A_116, %dma_wait3A_117] : memref<10240x64xf32, #tpu.memory_space<vmem_shared>> -> memref<10240x64xf32, #tpu.memory_space<vmem_shared>>
        tpu.wait_indirect_dma semaphore(%run_scoped3A : memref<!tpu.dma_semaphore, #tpu.memory_space<semaphore_mem>>) src(%arg10 : memref<128x64xf32, #tpu.memory_space<vmem>>) dst(%dma_wait3A_118 : memref<10240x64xf32, #tpu.memory_space<vmem_shared>>)
        tpu.yield
      }) : () -> ()
    }
    %scan3A_31 = arith.constant 27 : i32
    %dma_wait3A = arith.constant 0 : i32
    %dma_wait3A_32 = arith.constant 0 : i32
    %dma_wait3A_33 = tpu.memref_slice %arg4[%dma_wait3A, %dma_wait3A_32] : memref<10240x64xf32, #tpu.memory_space<hbm>> -> memref<128x64xf32, #tpu.memory_space<hbm>>
    %dma_wait3A_34 = arith.constant 0 : i32
    %dma_wait3A_35 = arith.constant 0 : i32
    %dma_wait3A_36 = tpu.memref_slice %arg4[%dma_wait3A_34, %dma_wait3A_35] : memref<10240x64xf32, #tpu.memory_space<hbm>> -> memref<128x64xf32, #tpu.memory_space<hbm>>
    tpu.wait_dma2 semaphore(%arg13 : memref<!tpu.dma_semaphore, #tpu.memory_space<semaphore_mem>>) src(%dma_wait3A_36 : memref<128x64xf32, #tpu.memory_space<hbm>>) dst(%arg8 : memref<128x64xf32, #tpu.memory_space<vmem>>)
    %dma_wait3A_37 = arith.constant 0 : i32
    %dma_wait3A_38 = arith.constant 0 : i32
    %dma_wait3A_39 = tpu.memref_slice %arg4[%dma_wait3A_37, %dma_wait3A_38] : memref<10240x64xf32, #tpu.memory_space<hbm>> -> memref<128x64xf32, #tpu.memory_space<hbm>>
    %dma_wait3A_40 = arith.constant 0 : i32
    %dma_wait3A_41 = arith.constant 0 : i32
    %dma_wait3A_42 = tpu.memref_slice %arg4[%dma_wait3A_40, %dma_wait3A_41] : memref<10240x64xf32, #tpu.memory_space<hbm>> -> memref<128x64xf32, #tpu.memory_space<hbm>>
    tpu.wait_dma2 semaphore(%arg14 : memref<!tpu.dma_semaphore, #tpu.memory_space<semaphore_mem>>) src(%dma_wait3A_42 : memref<128x64xf32, #tpu.memory_space<hbm>>) dst(%arg9 : memref<128x64xf32, #tpu.memory_space<vmem>>)
    %barrier3A_43 = arith.constant 0 : index
    tpu.barrier barrier_id(%barrier3A_43)
    %scan3A_44 = arith.constant 0 : i32
    %scan3A_45 = arith.constant 0 : i32
    %scan3A_46 = arith.constant 10 : i32
    %scan3A_47 = arith.addi %scan3A_45, %scan3A_46 : i32
    %scan3A_48 = arith.constant 1 : i32
    scf.for %scan3A_50 = %scan3A_45 to %scan3A_47 step %scan3A_48  : i32 {
      %mul3A_51 = arith.constant 640 : i32
      %mul3A_52 = arith.muli %arg1, %mul3A_51 : i32
      %mul3A_53 = arith.constant 64 : i32
      %mul3A_54 = arith.muli %scan3A_50, %mul3A_53 : i32
      %add3A_55 = arith.addi %mul3A_52, %mul3A_54 : i32
      "tpu.region"() ({
        %run_scoped3A = tpu.sem_alloc : memref<!tpu.dma_semaphore, #tpu.memory_space<semaphore_mem>>
        %dma_start3A_56 = arith.constant 0 : i32
        %dma_start3A_57 = tpu.memref_slice %arg12[%add3A_55, %dma_start3A_56] : memref<10240x64xf32, #tpu.memory_space<vmem_shared>> -> memref<64x64xf32, #tpu.memory_space<vmem_shared>>
        %dma_start3A_58 = arith.constant 0 : i32
        %dma_start3A_59 = tpu.memref_slice %arg12[%add3A_55, %dma_start3A_58] : memref<10240x64xf32, #tpu.memory_space<vmem_shared>> -> memref<64x64xf32, #tpu.memory_space<vmem_shared>>
        tpu.enqueue_dma source(%dma_start3A_59 : memref<64x64xf32, #tpu.memory_space<vmem_shared>>) target(%arg11 : memref<64x64xf32, #tpu.memory_space<vmem>>) target_semaphore(%run_scoped3A : memref<!tpu.dma_semaphore, #tpu.memory_space<semaphore_mem>>)
        %dma_wait3A_60 = arith.constant 0 : i32
        %dma_wait3A_61 = tpu.memref_slice %arg12[%add3A_55, %dma_wait3A_60] : memref<10240x64xf32, #tpu.memory_space<vmem_shared>> -> memref<64x64xf32, #tpu.memory_space<vmem_shared>>
        %dma_wait3A_62 = arith.constant 0 : i32
        %dma_wait3A_63 = tpu.memref_slice %arg12[%add3A_55, %dma_wait3A_62] : memref<10240x64xf32, #tpu.memory_space<vmem_shared>> -> memref<64x64xf32, #tpu.memory_space<vmem_shared>>
        tpu.wait_dma2 semaphore(%run_scoped3A : memref<!tpu.dma_semaphore, #tpu.memory_space<semaphore_mem>>) src(%dma_wait3A_63 : memref<64x64xf32, #tpu.memory_space<vmem_shared>>) dst(%arg11 : memref<64x64xf32, #tpu.memory_space<vmem>>)
        tpu.yield
      }) : () -> ()
      "tpu.region"() ({
        %run_scoped3A = tpu.sem_alloc : memref<!tpu.dma_semaphore, #tpu.memory_space<semaphore_mem>>
        %dma_start3A_56 = arith.constant 0 : i32
        %dma_start3A_57 = tpu.memref_slice %arg5[%arg0, %add3A_55, %dma_start3A_56] : memref<2x10240x64xf32, #tpu.memory_space<hbm>> -> memref<1x64x64xf32, #tpu.memory_space<hbm>>
        %dma_start3A_58 = tpu.memref_squeeze %dma_start3A_57 : memref<1x64x64xf32, #tpu.memory_space<hbm>> -> memref<64x64xf32, #tpu.memory_space<hbm>>
        %dma_start3A_59 = arith.constant 0 : i32
        %dma_start3A_60 = tpu.memref_slice %arg5[%arg0, %add3A_55, %dma_start3A_59] : memref<2x10240x64xf32, #tpu.memory_space<hbm>> -> memref<1x64x64xf32, #tpu.memory_space<hbm>>
        %dma_start3A_61 = tpu.memref_squeeze %dma_start3A_60 : memref<1x64x64xf32, #tpu.memory_space<hbm>> -> memref<64x64xf32, #tpu.memory_space<hbm>>
        tpu.enqueue_dma source(%arg11 : memref<64x64xf32, #tpu.memory_space<vmem>>) target(%dma_start3A_61 : memref<64x64xf32, #tpu.memory_space<hbm>>) target_semaphore(%run_scoped3A : memref<!tpu.dma_semaphore, #tpu.memory_space<semaphore_mem>>)
        %dma_wait3A_62 = arith.constant 0 : i32
        %dma_wait3A_63 = tpu.memref_slice %arg5[%arg0, %add3A_55, %dma_wait3A_62] : memref<2x10240x64xf32, #tpu.memory_space<hbm>> -> memref<1x64x64xf32, #tpu.memory_space<hbm>>
        %dma_wait3A_64 = tpu.memref_squeeze %dma_wait3A_63 : memref<1x64x64xf32, #tpu.memory_space<hbm>> -> memref<64x64xf32, #tpu.memory_space<hbm>>
        %dma_wait3A_65 = arith.constant 0 : i32
        %dma_wait3A_66 = tpu.memref_slice %arg5[%arg0, %add3A_55, %dma_wait3A_65] : memref<2x10240x64xf32, #tpu.memory_space<hbm>> -> memref<1x64x64xf32, #tpu.memory_space<hbm>>
        %dma_wait3A_67 = tpu.memref_squeeze %dma_wait3A_66 : memref<1x64x64xf32, #tpu.memory_space<hbm>> -> memref<64x64xf32, #tpu.memory_space<hbm>>
        tpu.wait_dma2 semaphore(%run_scoped3A : memref<!tpu.dma_semaphore, #tpu.memory_space<semaphore_mem>>) src(%arg11 : memref<64x64xf32, #tpu.memory_space<vmem>>) dst(%dma_wait3A_67 : memref<64x64xf32, #tpu.memory_space<hbm>>)
        tpu.yield
      }) : () -> ()
    }
    %scan3A_49 = arith.constant 10 : i32
    return
  }
}

#map = affine_map<(d0, d1) -> (0, 0, 0)>
#map1 = affine_map<(d0, d1) -> (0, 0)>
module attributes {stable_mosaic.version = 14 : i64} {
  func.func @_agg_kernel(%arg0: i32, %arg1: i32, %arg2: memref<32x83x128xi32, #tpu.memory_space<hbm>>, %arg3: memref<32x83x128xi32, #tpu.memory_space<hbm>>, %arg4: memref<10240x64xf32, #tpu.memory_space<hbm>>, %arg5: memref<2x10240x64xf32, #tpu.memory_space<hbm>>, %arg6: memref<83x128xi32, #tpu.memory_space<vmem>>, %arg7: memref<83x128xi32, #tpu.memory_space<vmem>>, %arg8: memref<128x64xf32, #tpu.memory_space<vmem>>, %arg9: memref<128x64xf32, #tpu.memory_space<vmem>>, %arg10: memref<128x64xf32, #tpu.memory_space<vmem>>, %arg11: memref<64x64xf32, #tpu.memory_space<vmem>>, %arg12: memref<10240x64xf32, #tpu.memory_space<vmem_shared>>, %arg13: memref<!tpu.dma_semaphore, #tpu.memory_space<semaphore_mem>>, %arg14: memref<!tpu.dma_semaphore, #tpu.memory_space<semaphore_mem>>, %arg15: memref<!tpu.dma_semaphore, #tpu.memory_space<semaphore_mem>>) attributes {dimension_semantics = [#tpu.dimension_semantics<core_parallel>, #tpu.dimension_semantics<subcore_parallel>], iteration_bounds = array<i64: 2, 16>, scalar_prefetch = 0 : i64, scratch_operands = 10 : i64, tpu.core_type = #tpu.core_type<sc_vector_subcore>, window_params = [{transform_indices = #map}, {transform_indices = #map}, {transform_indices = #map1}, {transform_indices = #map}]} {
    %mul3A = arith.constant 16 : i32
    %mul3A_0 = arith.muli %arg0, %mul3A : i32
    %add3A = arith.addi %mul3A_0, %arg1 : i32
    %broadcast_in_dim3A = arith.constant 0.000000e+00 : f32
    %broadcast_in_dim3A_1 = vector.broadcast %broadcast_in_dim3A : f32 to vector<16xf32>
    %scan3A = arith.constant 0 : i32
    %scan3A_2 = arith.constant 0 : i32
    %scan3A_3 = arith.constant 256 : i32
    %scan3A_4 = arith.addi %scan3A_2, %scan3A_3 : i32
    %scan3A_5 = arith.constant 1 : i32
    scf.for %scan3A_50 = %scan3A_2 to %scan3A_4 step %scan3A_5  : i32 {
      %jit3A = arith.constant 4 : i32
      %div3A = arith.divsi %scan3A_50, %jit3A : i32
      %sign3A = arith.constant 0 : i32
      %sign3A_51 = arith.cmpi sgt, %scan3A_50, %sign3A : i32
      %sign3A_52 = arith.extui %sign3A_51 : i1 to i32
      %sign3A_53 = arith.constant 0 : i32
      %sign3A_54 = arith.cmpi slt, %scan3A_50, %sign3A_53 : i32
      %sign3A_55 = arith.extui %sign3A_54 : i1 to i32
      %sign3A_56 = arith.subi %sign3A_52, %sign3A_55 : i32
      %sign3A_57 = arith.constant 0 : i32
      %sign3A_58 = arith.cmpi sgt, %jit3A, %sign3A_57 : i32
      %sign3A_59 = arith.extui %sign3A_58 : i1 to i32
      %sign3A_60 = arith.constant 0 : i32
      %sign3A_61 = arith.cmpi slt, %jit3A, %sign3A_60 : i32
      %sign3A_62 = arith.extui %sign3A_61 : i1 to i32
      %sign3A_63 = arith.subi %sign3A_59, %sign3A_62 : i32
      %ne3A = arith.cmpi ne, %sign3A_56, %sign3A_63 : i32
      %rem3A = arith.remsi %scan3A_50, %jit3A : i32
      %ne3A_64 = arith.constant 0 : i32
      %ne3A_65 = arith.cmpi ne, %rem3A, %ne3A_64 : i32
      %and3A = arith.andi %ne3A, %ne3A_65 : i1
      %sub3A = arith.constant 1 : i32
      %sub3A_66 = arith.subi %div3A, %sub3A : i32
      %select_n3A = arith.select %and3A, %sub3A_66, %div3A : i32
      %jit3A_67 = arith.constant 4 : i32
      %eq3A = arith.constant 0 : i32
      %eq3A_68 = arith.cmpi eq, %jit3A_67, %eq3A : i32
      %jit3A_69 = arith.constant 1 : i32
      %select_n3A_70 = arith.select %eq3A_68, %jit3A_69, %jit3A_67 : i32
      %rem3A_71 = arith.remsi %scan3A_50, %select_n3A_70 : i32
      %ne3A_72 = arith.constant 0 : i32
      %ne3A_73 = arith.cmpi ne, %rem3A_71, %ne3A_72 : i32
      %lt3A = arith.constant 0 : i32
      %lt3A_74 = arith.cmpi slt, %rem3A_71, %lt3A : i32
      %lt3A_75 = arith.constant 0 : i32
      %lt3A_76 = arith.cmpi slt, %select_n3A_70, %lt3A_75 : i32
      %ne3A_77 = arith.xori %lt3A_74, %lt3A_76 : i1
      %and3A_78 = arith.andi %ne3A_77, %ne3A_73 : i1
      %add3A_79 = arith.addi %rem3A_71, %select_n3A_70 : i32
      %select_n3A_80 = arith.select %and3A_78, %add3A_79, %rem3A_71 : i32
      %mul3A_81 = arith.constant 16 : i32
      %mul3A_82 = arith.muli %select_n3A_80, %mul3A_81 : i32
      %swap3A = arith.index_cast %select_n3A : i32 to index
      %swap3A_83 = arith.index_cast %mul3A_82 : i32 to index
      %swap3A_84 = tpu.vector_load %arg11[%swap3A, %swap3A_83] {strides = array<i32>} : memref<64x64xf32, #tpu.memory_space<vmem>>, vector<1x16xf32>,
      %swap3A_85 = vector.shape_cast %swap3A_84 : vector<1x16xf32> to vector<16xf32>
      %swap3A_86 = vector.shape_cast %broadcast_in_dim3A_1 : vector<16xf32> to vector<1x16xf32>
      tpu.vector_store %arg11[%swap3A, %swap3A_83], %swap3A_86 {strides = array<i32>} : memref<64x64xf32, #tpu.memory_space<vmem>>, vector<1x16xf32>,
    }
    %scan3A_6 = arith.constant 256 : i32
    %scan3A_7 = arith.constant 0 : i32
    %scan3A_8 = arith.constant 0 : i32
    %scan3A_9 = arith.constant 10 : i32
    %scan3A_10 = arith.addi %scan3A_8, %scan3A_9 : i32
    %scan3A_11 = arith.constant 1 : i32
    scf.for %scan3A_50 = %scan3A_8 to %scan3A_10 step %scan3A_11  : i32 {
      %mul3A_51 = arith.constant 640 : i32
      %mul3A_52 = arith.muli %arg1, %mul3A_51 : i32
      %mul3A_53 = arith.constant 64 : i32
      %mul3A_54 = arith.muli %scan3A_50, %mul3A_53 : i32
      %add3A_55 = arith.addi %mul3A_52, %mul3A_54 : i32
      "tpu.region"() ({
        %run_scoped3A = tpu.sem_alloc : memref<!tpu.dma_semaphore, #tpu.memory_space<semaphore_mem>>
        %dma_start3A_56 = arith.constant 0 : i32
        %dma_start3A_57 = tpu.memref_slice %arg12[%add3A_55, %dma_start3A_56] : memref<10240x64xf32, #tpu.memory_space<vmem_shared>> -> memref<64x64xf32, #tpu.memory_space<vmem_shared>>
        %dma_start3A_58 = arith.constant 0 : i32
        %dma_start3A_59 = tpu.memref_slice %arg12[%add3A_55, %dma_start3A_58] : memref<10240x64xf32, #tpu.memory_space<vmem_shared>> -> memref<64x64xf32, #tpu.memory_space<vmem_shared>>
        tpu.enqueue_dma source(%arg11 : memref<64x64xf32, #tpu.memory_space<vmem>>) target(%dma_start3A_59 : memref<64x64xf32, #tpu.memory_space<vmem_shared>>) target_semaphore(%run_scoped3A : memref<!tpu.dma_semaphore, #tpu.memory_space<semaphore_mem>>)
        %dma_wait3A_60 = arith.constant 0 : i32
        %dma_wait3A_61 = tpu.memref_slice %arg12[%add3A_55, %dma_wait3A_60] : memref<10240x64xf32, #tpu.memory_space<vmem_shared>> -> memref<64x64xf32, #tpu.memory_space<vmem_shared>>
        %dma_wait3A_62 = arith.constant 0 : i32
        %dma_wait3A_63 = tpu.memref_slice %arg12[%add3A_55, %dma_wait3A_62] : memref<10240x64xf32, #tpu.memory_space<vmem_shared>> -> memref<64x64xf32, #tpu.memory_space<vmem_shared>>
        tpu.wait_dma2 semaphore(%run_scoped3A : memref<!tpu.dma_semaphore, #tpu.memory_space<semaphore_mem>>) src(%arg11 : memref<64x64xf32, #tpu.memory_space<vmem>>) dst(%dma_wait3A_63 : memref<64x64xf32, #tpu.memory_space<vmem_shared>>)
        tpu.yield
      }) : () -> ()
    }
    %scan3A_12 = arith.constant 10 : i32
    "tpu.region"() ({
      %run_scoped3A = tpu.sem_alloc : memref<!tpu.dma_semaphore, #tpu.memory_space<semaphore_mem>>
      %dma_start3A_50 = arith.constant 0 : i32
      %dma_start3A_51 = arith.constant 0 : i32
      %dma_start3A_52 = tpu.memref_slice %arg2[%add3A, %dma_start3A_50, %dma_start3A_51] : memref<32x83x128xi32, #tpu.memory_space<hbm>> -> memref<1x83x128xi32, #tpu.memory_space<hbm>>
      %dma_start3A_53 = tpu.memref_squeeze %dma_start3A_52 : memref<1x83x128xi32, #tpu.memory_space<hbm>> -> memref<83x128xi32, #tpu.memory_space<hbm>>
      %dma_start3A_54 = arith.constant 0 : i32
      %dma_start3A_55 = arith.constant 0 : i32
      %dma_start3A_56 = tpu.memref_slice %arg2[%add3A, %dma_start3A_54, %dma_start3A_55] : memref<32x83x128xi32, #tpu.memory_space<hbm>> -> memref<1x83x128xi32, #tpu.memory_space<hbm>>
      %dma_start3A_57 = tpu.memref_squeeze %dma_start3A_56 : memref<1x83x128xi32, #tpu.memory_space<hbm>> -> memref<83x128xi32, #tpu.memory_space<hbm>>
      tpu.enqueue_dma source(%dma_start3A_57 : memref<83x128xi32, #tpu.memory_space<hbm>>) target(%arg6 : memref<83x128xi32, #tpu.memory_space<vmem>>) target_semaphore(%run_scoped3A : memref<!tpu.dma_semaphore, #tpu.memory_space<semaphore_mem>>)
      %dma_wait3A_58 = arith.constant 0 : i32
      %dma_wait3A_59 = arith.constant 0 : i32
      %dma_wait3A_60 = tpu.memref_slice %arg2[%add3A, %dma_wait3A_58, %dma_wait3A_59] : memref<32x83x128xi32, #tpu.memory_space<hbm>> -> memref<1x83x128xi32, #tpu.memory_space<hbm>>
      %dma_wait3A_61 = tpu.memref_squeeze %dma_wait3A_60 : memref<1x83x128xi32, #tpu.memory_space<hbm>> -> memref<83x128xi32, #tpu.memory_space<hbm>>
      %dma_wait3A_62 = arith.constant 0 : i32
      %dma_wait3A_63 = arith.constant 0 : i32
      %dma_wait3A_64 = tpu.memref_slice %arg2[%add3A, %dma_wait3A_62, %dma_wait3A_63] : memref<32x83x128xi32, #tpu.memory_space<hbm>> -> memref<1x83x128xi32, #tpu.memory_space<hbm>>
      %dma_wait3A_65 = tpu.memref_squeeze %dma_wait3A_64 : memref<1x83x128xi32, #tpu.memory_space<hbm>> -> memref<83x128xi32, #tpu.memory_space<hbm>>
      tpu.wait_dma2 semaphore(%run_scoped3A : memref<!tpu.dma_semaphore, #tpu.memory_space<semaphore_mem>>) src(%dma_wait3A_65 : memref<83x128xi32, #tpu.memory_space<hbm>>) dst(%arg6 : memref<83x128xi32, #tpu.memory_space<vmem>>)
      tpu.yield
    }) : () -> ()
    "tpu.region"() ({
      %run_scoped3A = tpu.sem_alloc : memref<!tpu.dma_semaphore, #tpu.memory_space<semaphore_mem>>
      %dma_start3A_50 = arith.constant 0 : i32
      %dma_start3A_51 = arith.constant 0 : i32
      %dma_start3A_52 = tpu.memref_slice %arg3[%add3A, %dma_start3A_50, %dma_start3A_51] : memref<32x83x128xi32, #tpu.memory_space<hbm>> -> memref<1x83x128xi32, #tpu.memory_space<hbm>>
      %dma_start3A_53 = tpu.memref_squeeze %dma_start3A_52 : memref<1x83x128xi32, #tpu.memory_space<hbm>> -> memref<83x128xi32, #tpu.memory_space<hbm>>
      %dma_start3A_54 = arith.constant 0 : i32
      %dma_start3A_55 = arith.constant 0 : i32
      %dma_start3A_56 = tpu.memref_slice %arg3[%add3A, %dma_start3A_54, %dma_start3A_55] : memref<32x83x128xi32, #tpu.memory_space<hbm>> -> memref<1x83x128xi32, #tpu.memory_space<hbm>>
      %dma_start3A_57 = tpu.memref_squeeze %dma_start3A_56 : memref<1x83x128xi32, #tpu.memory_space<hbm>> -> memref<83x128xi32, #tpu.memory_space<hbm>>
      tpu.enqueue_dma source(%dma_start3A_57 : memref<83x128xi32, #tpu.memory_space<hbm>>) target(%arg7 : memref<83x128xi32, #tpu.memory_space<vmem>>) target_semaphore(%run_scoped3A : memref<!tpu.dma_semaphore, #tpu.memory_space<semaphore_mem>>)
      %dma_wait3A_58 = arith.constant 0 : i32
      %dma_wait3A_59 = arith.constant 0 : i32
      %dma_wait3A_60 = tpu.memref_slice %arg3[%add3A, %dma_wait3A_58, %dma_wait3A_59] : memref<32x83x128xi32, #tpu.memory_space<hbm>> -> memref<1x83x128xi32, #tpu.memory_space<hbm>>
      %dma_wait3A_61 = tpu.memref_squeeze %dma_wait3A_60 : memref<1x83x128xi32, #tpu.memory_space<hbm>> -> memref<83x128xi32, #tpu.memory_space<hbm>>
      %dma_wait3A_62 = arith.constant 0 : i32
      %dma_wait3A_63 = arith.constant 0 : i32
      %dma_wait3A_64 = tpu.memref_slice %arg3[%add3A, %dma_wait3A_62, %dma_wait3A_63] : memref<32x83x128xi32, #tpu.memory_space<hbm>> -> memref<1x83x128xi32, #tpu.memory_space<hbm>>
      %dma_wait3A_65 = tpu.memref_squeeze %dma_wait3A_64 : memref<1x83x128xi32, #tpu.memory_space<hbm>> -> memref<83x128xi32, #tpu.memory_space<hbm>>
      tpu.wait_dma2 semaphore(%run_scoped3A : memref<!tpu.dma_semaphore, #tpu.memory_space<semaphore_mem>>) src(%dma_wait3A_65 : memref<83x128xi32, #tpu.memory_space<hbm>>) dst(%arg7 : memref<83x128xi32, #tpu.memory_space<vmem>>)
      tpu.yield
    }) : () -> ()
    %barrier3A = arith.constant 0 : index
    tpu.barrier barrier_id(%barrier3A)
    %dma_start3A = arith.constant 0 : i32
    %dma_start3A_13 = arith.constant 0 : i32
    %dma_start3A_14 = tpu.memref_slice %arg6[%dma_start3A, %dma_start3A_13] : memref<83x128xi32, #tpu.memory_space<vmem>> -> memref<1x128xi32, #tpu.memory_space<vmem>>
    %dma_start3A_15 = tpu.memref_squeeze %dma_start3A_14 : memref<1x128xi32, #tpu.memory_space<vmem>> -> memref<128xi32, #tpu.memory_space<vmem>>
    %dma_start3A_16 = arith.constant 0 : i32
    %dma_start3A_17 = arith.constant 0 : i32
    %dma_start3A_18 = tpu.memref_slice %arg4[%dma_start3A_16, %dma_start3A_17] : memref<10240x64xf32, #tpu.memory_space<hbm>> -> memref<10240x64xf32, #tpu.memory_space<hbm>>
    tpu.enqueue_indirect_dma source(%dma_start3A_18 : memref<10240x64xf32, #tpu.memory_space<hbm>>) target(%arg8 : memref<128x64xf32, #tpu.memory_space<vmem>>) offsets(%dma_start3A_15 : memref<128xi32, #tpu.memory_space<vmem>>) semaphore(%arg13 : memref<!tpu.dma_semaphore, #tpu.memory_space<semaphore_mem>>)
    %dma_start3A_19 = arith.constant 1 : i32
    %dma_start3A_20 = arith.constant 0 : i32
    %dma_start3A_21 = tpu.memref_slice %arg6[%dma_start3A_19, %dma_start3A_20] : memref<83x128xi32, #tpu.memory_space<vmem>> -> memref<1x128xi32, #tpu.memory_space<vmem>>
    %dma_start3A_22 = tpu.memref_squeeze %dma_start3A_21 : memref<1x128xi32, #tpu.memory_space<vmem>> -> memref<128xi32, #tpu.memory_space<vmem>>
    %dma_start3A_23 = arith.constant 0 : i32
    %dma_start3A_24 = arith.constant 0 : i32
    %dma_start3A_25 = tpu.memref_slice %arg4[%dma_start3A_23, %dma_start3A_24] : memref<10240x64xf32, #tpu.memory_space<hbm>> -> memref<10240x64xf32, #tpu.memory_space<hbm>>
    tpu.enqueue_indirect_dma source(%dma_start3A_25 : memref<10240x64xf32, #tpu.memory_space<hbm>>) target(%arg9 : memref<128x64xf32, #tpu.memory_space<vmem>>) offsets(%dma_start3A_22 : memref<128xi32, #tpu.memory_space<vmem>>) semaphore(%arg14 : memref<!tpu.dma_semaphore, #tpu.memory_space<semaphore_mem>>)
    %scan3A_26 = arith.constant 0 : i32
    %scan3A_27 = arith.constant 0 : i32
    %scan3A_28 = arith.constant 27 : i32
    %scan3A_29 = arith.addi %scan3A_27, %scan3A_28 : i32
    %scan3A_30 = arith.constant 1 : i32
    scf.for %scan3A_50 = %scan3A_27 to %scan3A_29 step %scan3A_30  : i32 {
      %mul3A_51 = arith.constant 3 : i32
      %mul3A_52 = arith.muli %mul3A_51, %scan3A_50 : i32
      %dma_wait3A_53 = arith.constant 0 : i32
      %dma_wait3A_54 = arith.constant 0 : i32
      %dma_wait3A_55 = tpu.memref_slice %arg4[%dma_wait3A_53, %dma_wait3A_54] : memref<10240x64xf32, #tpu.memory_space<hbm>> -> memref<128x64xf32, #tpu.memory_space<hbm>>
      %dma_wait3A_56 = arith.constant 0 : i32
      %dma_wait3A_57 = arith.constant 0 : i32
      %dma_wait3A_58 = tpu.memref_slice %arg4[%dma_wait3A_56, %dma_wait3A_57] : memref<10240x64xf32, #tpu.memory_space<hbm>> -> memref<128x64xf32, #tpu.memory_space<hbm>>
      tpu.wait_dma2 semaphore(%arg13 : memref<!tpu.dma_semaphore, #tpu.memory_space<semaphore_mem>>) src(%dma_wait3A_58 : memref<128x64xf32, #tpu.memory_space<hbm>>) dst(%arg8 : memref<128x64xf32, #tpu.memory_space<vmem>>)
      %add3A_59 = arith.constant 0 : i32
      %add3A_60 = arith.addi %mul3A_52, %add3A_59 : i32
      %add3A_61 = arith.constant 2 : i32
      %add3A_62 = arith.addi %add3A_60, %add3A_61 : i32
      %dma_start3A_63 = arith.constant 0 : i32
      %dma_start3A_64 = tpu.memref_slice %arg6[%add3A_62, %dma_start3A_63] : memref<83x128xi32, #tpu.memory_space<vmem>> -> memref<1x128xi32, #tpu.memory_space<vmem>>
      %dma_start3A_65 = tpu.memref_squeeze %dma_start3A_64 : memref<1x128xi32, #tpu.memory_space<vmem>> -> memref<128xi32, #tpu.memory_space<vmem>>
      %dma_start3A_66 = arith.constant 0 : i32
      %dma_start3A_67 = arith.constant 0 : i32
      %dma_start3A_68 = tpu.memref_slice %arg4[%dma_start3A_66, %dma_start3A_67] : memref<10240x64xf32, #tpu.memory_space<hbm>> -> memref<10240x64xf32, #tpu.memory_space<hbm>>
      tpu.enqueue_indirect_dma source(%dma_start3A_68 : memref<10240x64xf32, #tpu.memory_space<hbm>>) target(%arg10 : memref<128x64xf32, #tpu.memory_space<vmem>>) offsets(%dma_start3A_65 : memref<128xi32, #tpu.memory_space<vmem>>) semaphore(%arg15 : memref<!tpu.dma_semaphore, #tpu.memory_space<semaphore_mem>>)
      %add3A_69 = arith.constant 0 : i32
      %add3A_70 = arith.addi %mul3A_52, %add3A_69 : i32
      "tpu.region"() ({
        %run_scoped3A = tpu.sem_alloc : memref<!tpu.dma_semaphore, #tpu.memory_space<semaphore_mem>>
        %dma_start3A_107 = arith.constant 0 : i32
        %dma_start3A_108 = tpu.memref_slice %arg7[%add3A_70, %dma_start3A_107] : memref<83x128xi32, #tpu.memory_space<vmem>> -> memref<1x128xi32, #tpu.memory_space<vmem>>
        %dma_start3A_109 = tpu.memref_squeeze %dma_start3A_108 : memref<1x128xi32, #tpu.memory_space<vmem>> -> memref<128xi32, #tpu.memory_space<vmem>>
        %dma_start3A_110 = arith.constant 0 : i32
        %dma_start3A_111 = arith.constant 0 : i32
        %dma_start3A_112 = tpu.memref_slice %arg12[%dma_start3A_110, %dma_start3A_111] : memref<10240x64xf32, #tpu.memory_space<vmem_shared>> -> memref<10240x64xf32, #tpu.memory_space<vmem_shared>>
        tpu.enqueue_indirect_dma source(%arg8 : memref<128x64xf32, #tpu.memory_space<vmem>>) target(%dma_start3A_112 : memref<10240x64xf32, #tpu.memory_space<vmem_shared>>) offsets(%dma_start3A_109 : memref<128xi32, #tpu.memory_space<vmem>>) semaphore(%run_scoped3A : memref<!tpu.dma_semaphore, #tpu.memory_space<semaphore_mem>>) {add = true}
        %dma_wait3A_113 = arith.constant 0 : i32
        %dma_wait3A_114 = tpu.memref_slice %arg7[%add3A_70, %dma_wait3A_113] : memref<83x128xi32, #tpu.memory_space<vmem>> -> memref<1x128xi32, #tpu.memory_space<vmem>>
        %dma_wait3A_115 = tpu.memref_squeeze %dma_wait3A_114 : memref<1x128xi32, #tpu.memory_space<vmem>> -> memref<128xi32, #tpu.memory_space<vmem>>
        %dma_wait3A_116 = arith.constant 0 : i32
        %dma_wait3A_117 = arith.constant 0 : i32
        %dma_wait3A_118 = tpu.memref_slice %arg12[%dma_wait3A_116, %dma_wait3A_117] : memref<10240x64xf32, #tpu.memory_space<vmem_shared>> -> memref<10240x64xf32, #tpu.memory_space<vmem_shared>>
        tpu.wait_indirect_dma semaphore(%run_scoped3A : memref<!tpu.dma_semaphore, #tpu.memory_space<semaphore_mem>>) src(%arg8 : memref<128x64xf32, #tpu.memory_space<vmem>>) dst(%dma_wait3A_118 : memref<10240x64xf32, #tpu.memory_space<vmem_shared>>)
        tpu.yield
      }) : () -> ()
      %dma_wait3A_71 = arith.constant 0 : i32
      %dma_wait3A_72 = arith.constant 0 : i32
      %dma_wait3A_73 = tpu.memref_slice %arg4[%dma_wait3A_71, %dma_wait3A_72] : memref<10240x64xf32, #tpu.memory_space<hbm>> -> memref<128x64xf32, #tpu.memory_space<hbm>>
      %dma_wait3A_74 = arith.constant 0 : i32
      %dma_wait3A_75 = arith.constant 0 : i32
      %dma_wait3A_76 = tpu.memref_slice %arg4[%dma_wait3A_74, %dma_wait3A_75] : memref<10240x64xf32, #tpu.memory_space<hbm>> -> memref<128x64xf32, #tpu.memory_space<hbm>>
      tpu.wait_dma2 semaphore(%arg14 : memref<!tpu.dma_semaphore, #tpu.memory_space<semaphore_mem>>) src(%dma_wait3A_76 : memref<128x64xf32, #tpu.memory_space<hbm>>) dst(%arg9 : memref<128x64xf32, #tpu.memory_space<vmem>>)
      %add3A_77 = arith.constant 1 : i32
      %add3A_78 = arith.addi %mul3A_52, %add3A_77 : i32
      %add3A_79 = arith.constant 2 : i32
      %add3A_80 = arith.addi %add3A_78, %add3A_79 : i32
      %dma_start3A_81 = arith.constant 0 : i32
      %dma_start3A_82 = tpu.memref_slice %arg6[%add3A_80, %dma_start3A_81] : memref<83x128xi32, #tpu.memory_space<vmem>> -> memref<1x128xi32, #tpu.memory_space<vmem>>
      %dma_start3A_83 = tpu.memref_squeeze %dma_start3A_82 : memref<1x128xi32, #tpu.memory_space<vmem>> -> memref<128xi32, #tpu.memory_space<vmem>>
      %dma_start3A_84 = arith.constant 0 : i32
      %dma_start3A_85 = arith.constant 0 : i32
      %dma_start3A_86 = tpu.memref_slice %arg4[%dma_start3A_84, %dma_start3A_85] : memref<10240x64xf32, #tpu.memory_space<hbm>> -> memref<10240x64xf32, #tpu.memory_space<hbm>>
      tpu.enqueue_indirect_dma source(%dma_start3A_86 : memref<10240x64xf32, #tpu.memory_space<hbm>>) target(%arg8 : memref<128x64xf32, #tpu.memory_space<vmem>>) offsets(%dma_start3A_83 : memref<128xi32, #tpu.memory_space<vmem>>) semaphore(%arg13 : memref<!tpu.dma_semaphore, #tpu.memory_space<semaphore_mem>>)
      %add3A_87 = arith.constant 1 : i32
      %add3A_88 = arith.addi %mul3A_52, %add3A_87 : i32
      "tpu.region"() ({
        %run_scoped3A = tpu.sem_alloc : memref<!tpu.dma_semaphore, #tpu.memory_space<semaphore_mem>>
        %dma_start3A_107 = arith.constant 0 : i32
        %dma_start3A_108 = tpu.memref_slice %arg7[%add3A_88, %dma_start3A_107] : memref<83x128xi32, #tpu.memory_space<vmem>> -> memref<1x128xi32, #tpu.memory_space<vmem>>
        %dma_start3A_109 = tpu.memref_squeeze %dma_start3A_108 : memref<1x128xi32, #tpu.memory_space<vmem>> -> memref<128xi32, #tpu.memory_space<vmem>>
        %dma_start3A_110 = arith.constant 0 : i32
        %dma_start3A_111 = arith.constant 0 : i32
        %dma_start3A_112 = tpu.memref_slice %arg12[%dma_start3A_110, %dma_start3A_111] : memref<10240x64xf32, #tpu.memory_space<vmem_shared>> -> memref<10240x64xf32, #tpu.memory_space<vmem_shared>>
        tpu.enqueue_indirect_dma source(%arg9 : memref<128x64xf32, #tpu.memory_space<vmem>>) target(%dma_start3A_112 : memref<10240x64xf32, #tpu.memory_space<vmem_shared>>) offsets(%dma_start3A_109 : memref<128xi32, #tpu.memory_space<vmem>>) semaphore(%run_scoped3A : memref<!tpu.dma_semaphore, #tpu.memory_space<semaphore_mem>>) {add = true}
        %dma_wait3A_113 = arith.constant 0 : i32
        %dma_wait3A_114 = tpu.memref_slice %arg7[%add3A_88, %dma_wait3A_113] : memref<83x128xi32, #tpu.memory_space<vmem>> -> memref<1x128xi32, #tpu.memory_space<vmem>>
        %dma_wait3A_115 = tpu.memref_squeeze %dma_wait3A_114 : memref<1x128xi32, #tpu.memory_space<vmem>> -> memref<128xi32, #tpu.memory_space<vmem>>
        %dma_wait3A_116 = arith.constant 0 : i32
        %dma_wait3A_117 = arith.constant 0 : i32
        %dma_wait3A_118 = tpu.memref_slice %arg12[%dma_wait3A_116, %dma_wait3A_117] : memref<10240x64xf32, #tpu.memory_space<vmem_shared>> -> memref<10240x64xf32, #tpu.memory_space<vmem_shared>>
        tpu.wait_indirect_dma semaphore(%run_scoped3A : memref<!tpu.dma_semaphore, #tpu.memory_space<semaphore_mem>>) src(%arg9 : memref<128x64xf32, #tpu.memory_space<vmem>>) dst(%dma_wait3A_118 : memref<10240x64xf32, #tpu.memory_space<vmem_shared>>)
        tpu.yield
      }) : () -> ()
      %dma_wait3A_89 = arith.constant 0 : i32
      %dma_wait3A_90 = arith.constant 0 : i32
      %dma_wait3A_91 = tpu.memref_slice %arg4[%dma_wait3A_89, %dma_wait3A_90] : memref<10240x64xf32, #tpu.memory_space<hbm>> -> memref<128x64xf32, #tpu.memory_space<hbm>>
      %dma_wait3A_92 = arith.constant 0 : i32
      %dma_wait3A_93 = arith.constant 0 : i32
      %dma_wait3A_94 = tpu.memref_slice %arg4[%dma_wait3A_92, %dma_wait3A_93] : memref<10240x64xf32, #tpu.memory_space<hbm>> -> memref<128x64xf32, #tpu.memory_space<hbm>>
      tpu.wait_dma2 semaphore(%arg15 : memref<!tpu.dma_semaphore, #tpu.memory_space<semaphore_mem>>) src(%dma_wait3A_94 : memref<128x64xf32, #tpu.memory_space<hbm>>) dst(%arg10 : memref<128x64xf32, #tpu.memory_space<vmem>>)
      %add3A_95 = arith.constant 2 : i32
      %add3A_96 = arith.addi %mul3A_52, %add3A_95 : i32
      %add3A_97 = arith.constant 2 : i32
      %add3A_98 = arith.addi %add3A_96, %add3A_97 : i32
      %dma_start3A_99 = arith.constant 0 : i32
      %dma_start3A_100 = tpu.memref_slice %arg6[%add3A_98, %dma_start3A_99] : memref<83x128xi32, #tpu.memory_space<vmem>> -> memref<1x128xi32, #tpu.memory_space<vmem>>
      %dma_start3A_101 = tpu.memref_squeeze %dma_start3A_100 : memref<1x128xi32, #tpu.memory_space<vmem>> -> memref<128xi32, #tpu.memory_space<vmem>>
      %dma_start3A_102 = arith.constant 0 : i32
      %dma_start3A_103 = arith.constant 0 : i32
      %dma_start3A_104 = tpu.memref_slice %arg4[%dma_start3A_102, %dma_start3A_103] : memref<10240x64xf32, #tpu.memory_space<hbm>> -> memref<10240x64xf32, #tpu.memory_space<hbm>>
      tpu.enqueue_indirect_dma source(%dma_start3A_104 : memref<10240x64xf32, #tpu.memory_space<hbm>>) target(%arg9 : memref<128x64xf32, #tpu.memory_space<vmem>>) offsets(%dma_start3A_101 : memref<128xi32, #tpu.memory_space<vmem>>) semaphore(%arg14 : memref<!tpu.dma_semaphore, #tpu.memory_space<semaphore_mem>>)
      %add3A_105 = arith.constant 2 : i32
      %add3A_106 = arith.addi %mul3A_52, %add3A_105 : i32
      "tpu.region"() ({
        %run_scoped3A = tpu.sem_alloc : memref<!tpu.dma_semaphore, #tpu.memory_space<semaphore_mem>>
        %dma_start3A_107 = arith.constant 0 : i32
        %dma_start3A_108 = tpu.memref_slice %arg7[%add3A_106, %dma_start3A_107] : memref<83x128xi32, #tpu.memory_space<vmem>> -> memref<1x128xi32, #tpu.memory_space<vmem>>
        %dma_start3A_109 = tpu.memref_squeeze %dma_start3A_108 : memref<1x128xi32, #tpu.memory_space<vmem>> -> memref<128xi32, #tpu.memory_space<vmem>>
        %dma_start3A_110 = arith.constant 0 : i32
        %dma_start3A_111 = arith.constant 0 : i32
        %dma_start3A_112 = tpu.memref_slice %arg12[%dma_start3A_110, %dma_start3A_111] : memref<10240x64xf32, #tpu.memory_space<vmem_shared>> -> memref<10240x64xf32, #tpu.memory_space<vmem_shared>>
        tpu.enqueue_indirect_dma source(%arg10 : memref<128x64xf32, #tpu.memory_space<vmem>>) target(%dma_start3A_112 : memref<10240x64xf32, #tpu.memory_space<vmem_shared>>) offsets(%dma_start3A_109 : memref<128xi32, #tpu.memory_space<vmem>>) semaphore(%run_scoped3A : memref<!tpu.dma_semaphore, #tpu.memory_space<semaphore_mem>>) {add = true}
        %dma_wait3A_113 = arith.constant 0 : i32
        %dma_wait3A_114 = tpu.memref_slice %arg7[%add3A_106, %dma_wait3A_113] : memref<83x128xi32, #tpu.memory_space<vmem>> -> memref<1x128xi32, #tpu.memory_space<vmem>>
        %dma_wait3A_115 = tpu.memref_squeeze %dma_wait3A_114 : memref<1x128xi32, #tpu.memory_space<vmem>> -> memref<128xi32, #tpu.memory_space<vmem>>
        %dma_wait3A_116 = arith.constant 0 : i32
        %dma_wait3A_117 = arith.constant 0 : i32
        %dma_wait3A_118 = tpu.memref_slice %arg12[%dma_wait3A_116, %dma_wait3A_117] : memref<10240x64xf32, #tpu.memory_space<vmem_shared>> -> memref<10240x64xf32, #tpu.memory_space<vmem_shared>>
        tpu.wait_indirect_dma semaphore(%run_scoped3A : memref<!tpu.dma_semaphore, #tpu.memory_space<semaphore_mem>>) src(%arg10 : memref<128x64xf32, #tpu.memory_space<vmem>>) dst(%dma_wait3A_118 : memref<10240x64xf32, #tpu.memory_space<vmem_shared>>)
        tpu.yield
      }) : () -> ()
    }
    %scan3A_31 = arith.constant 27 : i32
    %dma_wait3A = arith.constant 0 : i32
    %dma_wait3A_32 = arith.constant 0 : i32
    %dma_wait3A_33 = tpu.memref_slice %arg4[%dma_wait3A, %dma_wait3A_32] : memref<10240x64xf32, #tpu.memory_space<hbm>> -> memref<128x64xf32, #tpu.memory_space<hbm>>
    %dma_wait3A_34 = arith.constant 0 : i32
    %dma_wait3A_35 = arith.constant 0 : i32
    %dma_wait3A_36 = tpu.memref_slice %arg4[%dma_wait3A_34, %dma_wait3A_35] : memref<10240x64xf32, #tpu.memory_space<hbm>> -> memref<128x64xf32, #tpu.memory_space<hbm>>
    tpu.wait_dma2 semaphore(%arg13 : memref<!tpu.dma_semaphore, #tpu.memory_space<semaphore_mem>>) src(%dma_wait3A_36 : memref<128x64xf32, #tpu.memory_space<hbm>>) dst(%arg8 : memref<128x64xf32, #tpu.memory_space<vmem>>)
    %dma_wait3A_37 = arith.constant 0 : i32
    %dma_wait3A_38 = arith.constant 0 : i32
    %dma_wait3A_39 = tpu.memref_slice %arg4[%dma_wait3A_37, %dma_wait3A_38] : memref<10240x64xf32, #tpu.memory_space<hbm>> -> memref<128x64xf32, #tpu.memory_space<hbm>>
    %dma_wait3A_40 = arith.constant 0 : i32
    %dma_wait3A_41 = arith.constant 0 : i32
    %dma_wait3A_42 = tpu.memref_slice %arg4[%dma_wait3A_40, %dma_wait3A_41] : memref<10240x64xf32, #tpu.memory_space<hbm>> -> memref<128x64xf32, #tpu.memory_space<hbm>>
    tpu.wait_dma2 semaphore(%arg14 : memref<!tpu.dma_semaphore, #tpu.memory_space<semaphore_mem>>) src(%dma_wait3A_42 : memref<128x64xf32, #tpu.memory_space<hbm>>) dst(%arg9 : memref<128x64xf32, #tpu.memory_space<vmem>>)
    %barrier3A_43 = arith.constant 0 : index
    tpu.barrier barrier_id(%barrier3A_43)
    %scan3A_44 = arith.constant 0 : i32
    %scan3A_45 = arith.constant 0 : i32
    %scan3A_46 = arith.constant 10 : i32
    %scan3A_47 = arith.addi %scan3A_45, %scan3A_46 : i32
    %scan3A_48 = arith.constant 1 : i32
    scf.for %scan3A_50 = %scan3A_45 to %scan3A_47 step %scan3A_48  : i32 {
      %mul3A_51 = arith.constant 640 : i32
      %mul3A_52 = arith.muli %arg1, %mul3A_51 : i32
      %mul3A_53 = arith.constant 64 : i32
      %mul3A_54 = arith.muli %scan3A_50, %mul3A_53 : i32
      %add3A_55 = arith.addi %mul3A_52, %mul3A_54 : i32
      "tpu.region"() ({
        %run_scoped3A = tpu.sem_alloc : memref<!tpu.dma_semaphore, #tpu.memory_space<semaphore_mem>>
        %dma_start3A_56 = arith.constant 0 : i32
        %dma_start3A_57 = tpu.memref_slice %arg12[%add3A_55, %dma_start3A_56] : memref<10240x64xf32, #tpu.memory_space<vmem_shared>> -> memref<64x64xf32, #tpu.memory_space<vmem_shared>>
        %dma_start3A_58 = arith.constant 0 : i32
        %dma_start3A_59 = tpu.memref_slice %arg12[%add3A_55, %dma_start3A_58] : memref<10240x64xf32, #tpu.memory_space<vmem_shared>> -> memref<64x64xf32, #tpu.memory_space<vmem_shared>>
        tpu.enqueue_dma source(%dma_start3A_59 : memref<64x64xf32, #tpu.memory_space<vmem_shared>>) target(%arg11 : memref<64x64xf32, #tpu.memory_space<vmem>>) target_semaphore(%run_scoped3A : memref<!tpu.dma_semaphore, #tpu.memory_space<semaphore_mem>>)
        %dma_wait3A_60 = arith.constant 0 : i32
        %dma_wait3A_61 = tpu.memref_slice %arg12[%add3A_55, %dma_wait3A_60] : memref<10240x64xf32, #tpu.memory_space<vmem_shared>> -> memref<64x64xf32, #tpu.memory_space<vmem_shared>>
        %dma_wait3A_62 = arith.constant 0 : i32
        %dma_wait3A_63 = tpu.memref_slice %arg12[%add3A_55, %dma_wait3A_62] : memref<10240x64xf32, #tpu.memory_space<vmem_shared>> -> memref<64x64xf32, #tpu.memory_space<vmem_shared>>
        tpu.wait_dma2 semaphore(%run_scoped3A : memref<!tpu.dma_semaphore, #tpu.memory_space<semaphore_mem>>) src(%dma_wait3A_63 : memref<64x64xf32, #tpu.memory_space<vmem_shared>>) dst(%arg11 : memref<64x64xf32, #tpu.memory_space<vmem>>)
        tpu.yield
      }) : () -> ()
      "tpu.region"() ({
        %run_scoped3A = tpu.sem_alloc : memref<!tpu.dma_semaphore, #tpu.memory_space<semaphore_mem>>
        %dma_start3A_56 = arith.constant 0 : i32
        %dma_start3A_57 = tpu.memref_slice %arg5[%arg0, %add3A_55, %dma_start3A_56] : memref<2x10240x64xf32, #tpu.memory_space<hbm>> -> memref<1x64x64xf32, #tpu.memory_space<hbm>>
        %dma_start3A_58 = tpu.memref_squeeze %dma_start3A_57 : memref<1x64x64xf32, #tpu.memory_space<hbm>> -> memref<64x64xf32, #tpu.memory_space<hbm>>
        %dma_start3A_59 = arith.constant 0 : i32
        %dma_start3A_60 = tpu.memref_slice %arg5[%arg0, %add3A_55, %dma_start3A_59] : memref<2x10240x64xf32, #tpu.memory_space<hbm>> -> memref<1x64x64xf32, #tpu.memory_space<hbm>>
        %dma_start3A_61 = tpu.memref_squeeze %dma_start3A_60 : memref<1x64x64xf32, #tpu.memory_space<hbm>> -> memref<64x64xf32, #tpu.memory_space<hbm>>
        tpu.enqueue_dma source(%arg11 : memref<64x64xf32, #tpu.memory_space<vmem>>) target(%dma_start3A_61 : memref<64x64xf32, #tpu.memory_space<hbm>>) target_semaphore(%run_scoped3A : memref<!tpu.dma_semaphore, #tpu.memory_space<semaphore_mem>>)
        %dma_wait3A_62 = arith.constant 0 : i32
        %dma_wait3A_63 = tpu.memref_slice %arg5[%arg0, %add3A_55, %dma_wait3A_62] : memref<2x10240x64xf32, #tpu.memory_space<hbm>> -> memref<1x64x64xf32, #tpu.memory_space<hbm>>
        %dma_wait3A_64 = tpu.memref_squeeze %dma_wait3A_63 : memref<1x64x64xf32, #tpu.memory_space<hbm>> -> memref<64x64xf32, #tpu.memory_space<hbm>>
        %dma_wait3A_65 = arith.constant 0 : i32
        %dma_wait3A_66 = tpu.memref_slice %arg5[%arg0, %add3A_55, %dma_wait3A_65] : memref<2x10240x64xf32, #tpu.memory_space<hbm>> -> memref<1x64x64xf32, #tpu.memory_space<hbm>>
        %dma_wait3A_67 = tpu.memref_squeeze %dma_wait3A_66 : memref<1x64x64xf32, #tpu.memory_space<hbm>> -> memref<64x64xf32, #tpu.memory_space<hbm>>
        tpu.wait_dma2 semaphore(%run_scoped3A : memref<!tpu.dma_semaphore, #tpu.memory_space<semaphore_mem>>) src(%arg11 : memref<64x64xf32, #tpu.memory_space<vmem>>) dst(%dma_wait3A_67 : memref<64x64xf32, #tpu.memory_space<hbm>>)
        tpu.yield
      }) : () -> ()
    }
    %scan3A_49 = arith.constant 10 : i32
    return
  }
}

#map = affine_map<(d0, d1) -> (0, 0, 0)>
#map1 = affine_map<(d0, d1) -> (0, 0)>
module attributes {stable_mosaic.version = 14 : i64} {
  func.func @_agg_kernel(%arg0: i32, %arg1: i32, %arg2: memref<32x166x64xi32, #tpu.memory_space<hbm>>, %arg3: memref<32x166x64xi32, #tpu.memory_space<hbm>>, %arg4: memref<10240x128xf32, #tpu.memory_space<hbm>>, %arg5: memref<2x10240x128xf32, #tpu.memory_space<hbm>>, %arg6: memref<166x64xi32, #tpu.memory_space<vmem>>, %arg7: memref<166x64xi32, #tpu.memory_space<vmem>>, %arg8: memref<64x128xf32, #tpu.memory_space<vmem>>, %arg9: memref<64x128xf32, #tpu.memory_space<vmem>>, %arg10: memref<64x128xf32, #tpu.memory_space<vmem>>, %arg11: memref<16x128xf32, #tpu.memory_space<vmem>>, %arg12: memref<10240x128xf32, #tpu.memory_space<vmem_shared>>, %arg13: memref<!tpu.dma_semaphore, #tpu.memory_space<semaphore_mem>>, %arg14: memref<!tpu.dma_semaphore, #tpu.memory_space<semaphore_mem>>, %arg15: memref<!tpu.dma_semaphore, #tpu.memory_space<semaphore_mem>>) attributes {dimension_semantics = [#tpu.dimension_semantics<core_parallel>, #tpu.dimension_semantics<subcore_parallel>], iteration_bounds = array<i64: 2, 16>, scalar_prefetch = 0 : i64, scratch_operands = 10 : i64, tpu.core_type = #tpu.core_type<sc_vector_subcore>, window_params = [{transform_indices = #map}, {transform_indices = #map}, {transform_indices = #map1}, {transform_indices = #map}]} {
    %mul3A = arith.constant 16 : i32
    %mul3A_0 = arith.muli %arg0, %mul3A : i32
    %add3A = arith.addi %mul3A_0, %arg1 : i32
    %broadcast_in_dim3A = arith.constant 0.000000e+00 : f32
    %broadcast_in_dim3A_1 = vector.broadcast %broadcast_in_dim3A : f32 to vector<16xf32>
    %scan3A = arith.constant 0 : i32
    %scan3A_2 = arith.constant 0 : i32
    %scan3A_3 = arith.constant 128 : i32
    %scan3A_4 = arith.addi %scan3A_2, %scan3A_3 : i32
    %scan3A_5 = arith.constant 1 : i32
    scf.for %scan3A_50 = %scan3A_2 to %scan3A_4 step %scan3A_5  : i32 {
      %jit3A = arith.constant 8 : i32
      %div3A = arith.divsi %scan3A_50, %jit3A : i32
      %sign3A = arith.constant 0 : i32
      %sign3A_51 = arith.cmpi sgt, %scan3A_50, %sign3A : i32
      %sign3A_52 = arith.extui %sign3A_51 : i1 to i32
      %sign3A_53 = arith.constant 0 : i32
      %sign3A_54 = arith.cmpi slt, %scan3A_50, %sign3A_53 : i32
      %sign3A_55 = arith.extui %sign3A_54 : i1 to i32
      %sign3A_56 = arith.subi %sign3A_52, %sign3A_55 : i32
      %sign3A_57 = arith.constant 0 : i32
      %sign3A_58 = arith.cmpi sgt, %jit3A, %sign3A_57 : i32
      %sign3A_59 = arith.extui %sign3A_58 : i1 to i32
      %sign3A_60 = arith.constant 0 : i32
      %sign3A_61 = arith.cmpi slt, %jit3A, %sign3A_60 : i32
      %sign3A_62 = arith.extui %sign3A_61 : i1 to i32
      %sign3A_63 = arith.subi %sign3A_59, %sign3A_62 : i32
      %ne3A = arith.cmpi ne, %sign3A_56, %sign3A_63 : i32
      %rem3A = arith.remsi %scan3A_50, %jit3A : i32
      %ne3A_64 = arith.constant 0 : i32
      %ne3A_65 = arith.cmpi ne, %rem3A, %ne3A_64 : i32
      %and3A = arith.andi %ne3A, %ne3A_65 : i1
      %sub3A = arith.constant 1 : i32
      %sub3A_66 = arith.subi %div3A, %sub3A : i32
      %select_n3A = arith.select %and3A, %sub3A_66, %div3A : i32
      %jit3A_67 = arith.constant 8 : i32
      %eq3A = arith.constant 0 : i32
      %eq3A_68 = arith.cmpi eq, %jit3A_67, %eq3A : i32
      %jit3A_69 = arith.constant 1 : i32
      %select_n3A_70 = arith.select %eq3A_68, %jit3A_69, %jit3A_67 : i32
      %rem3A_71 = arith.remsi %scan3A_50, %select_n3A_70 : i32
      %ne3A_72 = arith.constant 0 : i32
      %ne3A_73 = arith.cmpi ne, %rem3A_71, %ne3A_72 : i32
      %lt3A = arith.constant 0 : i32
      %lt3A_74 = arith.cmpi slt, %rem3A_71, %lt3A : i32
      %lt3A_75 = arith.constant 0 : i32
      %lt3A_76 = arith.cmpi slt, %select_n3A_70, %lt3A_75 : i32
      %ne3A_77 = arith.xori %lt3A_74, %lt3A_76 : i1
      %and3A_78 = arith.andi %ne3A_77, %ne3A_73 : i1
      %add3A_79 = arith.addi %rem3A_71, %select_n3A_70 : i32
      %select_n3A_80 = arith.select %and3A_78, %add3A_79, %rem3A_71 : i32
      %mul3A_81 = arith.constant 16 : i32
      %mul3A_82 = arith.muli %select_n3A_80, %mul3A_81 : i32
      %swap3A = arith.index_cast %select_n3A : i32 to index
      %swap3A_83 = arith.index_cast %mul3A_82 : i32 to index
      %swap3A_84 = tpu.vector_load %arg11[%swap3A, %swap3A_83] {strides = array<i32>} : memref<16x128xf32, #tpu.memory_space<vmem>>, vector<1x16xf32>,
      %swap3A_85 = vector.shape_cast %swap3A_84 : vector<1x16xf32> to vector<16xf32>
      %swap3A_86 = vector.shape_cast %broadcast_in_dim3A_1 : vector<16xf32> to vector<1x16xf32>
      tpu.vector_store %arg11[%swap3A, %swap3A_83], %swap3A_86 {strides = array<i32>} : memref<16x128xf32, #tpu.memory_space<vmem>>, vector<1x16xf32>,
    }
    %scan3A_6 = arith.constant 128 : i32
    %scan3A_7 = arith.constant 0 : i32
    %scan3A_8 = arith.constant 0 : i32
    %scan3A_9 = arith.constant 40 : i32
    %scan3A_10 = arith.addi %scan3A_8, %scan3A_9 : i32
    %scan3A_11 = arith.constant 1 : i32
    scf.for %scan3A_50 = %scan3A_8 to %scan3A_10 step %scan3A_11  : i32 {
      %mul3A_51 = arith.constant 640 : i32
      %mul3A_52 = arith.muli %arg1, %mul3A_51 : i32
      %mul3A_53 = arith.constant 16 : i32
      %mul3A_54 = arith.muli %scan3A_50, %mul3A_53 : i32
      %add3A_55 = arith.addi %mul3A_52, %mul3A_54 : i32
      "tpu.region"() ({
        %run_scoped3A = tpu.sem_alloc : memref<!tpu.dma_semaphore, #tpu.memory_space<semaphore_mem>>
        %dma_start3A_56 = arith.constant 0 : i32
        %dma_start3A_57 = tpu.memref_slice %arg12[%add3A_55, %dma_start3A_56] : memref<10240x128xf32, #tpu.memory_space<vmem_shared>> -> memref<16x128xf32, #tpu.memory_space<vmem_shared>>
        %dma_start3A_58 = arith.constant 0 : i32
        %dma_start3A_59 = tpu.memref_slice %arg12[%add3A_55, %dma_start3A_58] : memref<10240x128xf32, #tpu.memory_space<vmem_shared>> -> memref<16x128xf32, #tpu.memory_space<vmem_shared>>
        tpu.enqueue_dma source(%arg11 : memref<16x128xf32, #tpu.memory_space<vmem>>) target(%dma_start3A_59 : memref<16x128xf32, #tpu.memory_space<vmem_shared>>) target_semaphore(%run_scoped3A : memref<!tpu.dma_semaphore, #tpu.memory_space<semaphore_mem>>)
        %dma_wait3A_60 = arith.constant 0 : i32
        %dma_wait3A_61 = tpu.memref_slice %arg12[%add3A_55, %dma_wait3A_60] : memref<10240x128xf32, #tpu.memory_space<vmem_shared>> -> memref<16x128xf32, #tpu.memory_space<vmem_shared>>
        %dma_wait3A_62 = arith.constant 0 : i32
        %dma_wait3A_63 = tpu.memref_slice %arg12[%add3A_55, %dma_wait3A_62] : memref<10240x128xf32, #tpu.memory_space<vmem_shared>> -> memref<16x128xf32, #tpu.memory_space<vmem_shared>>
        tpu.wait_dma2 semaphore(%run_scoped3A : memref<!tpu.dma_semaphore, #tpu.memory_space<semaphore_mem>>) src(%arg11 : memref<16x128xf32, #tpu.memory_space<vmem>>) dst(%dma_wait3A_63 : memref<16x128xf32, #tpu.memory_space<vmem_shared>>)
        tpu.yield
      }) : () -> ()
    }
    %scan3A_12 = arith.constant 40 : i32
    "tpu.region"() ({
      %run_scoped3A = tpu.sem_alloc : memref<!tpu.dma_semaphore, #tpu.memory_space<semaphore_mem>>
      %dma_start3A_50 = arith.constant 0 : i32
      %dma_start3A_51 = arith.constant 0 : i32
      %dma_start3A_52 = tpu.memref_slice %arg2[%add3A, %dma_start3A_50, %dma_start3A_51] : memref<32x166x64xi32, #tpu.memory_space<hbm>> -> memref<1x166x64xi32, #tpu.memory_space<hbm>>
      %dma_start3A_53 = tpu.memref_squeeze %dma_start3A_52 : memref<1x166x64xi32, #tpu.memory_space<hbm>> -> memref<166x64xi32, #tpu.memory_space<hbm>>
      %dma_start3A_54 = arith.constant 0 : i32
      %dma_start3A_55 = arith.constant 0 : i32
      %dma_start3A_56 = tpu.memref_slice %arg2[%add3A, %dma_start3A_54, %dma_start3A_55] : memref<32x166x64xi32, #tpu.memory_space<hbm>> -> memref<1x166x64xi32, #tpu.memory_space<hbm>>
      %dma_start3A_57 = tpu.memref_squeeze %dma_start3A_56 : memref<1x166x64xi32, #tpu.memory_space<hbm>> -> memref<166x64xi32, #tpu.memory_space<hbm>>
      tpu.enqueue_dma source(%dma_start3A_57 : memref<166x64xi32, #tpu.memory_space<hbm>>) target(%arg6 : memref<166x64xi32, #tpu.memory_space<vmem>>) target_semaphore(%run_scoped3A : memref<!tpu.dma_semaphore, #tpu.memory_space<semaphore_mem>>)
      %dma_wait3A_58 = arith.constant 0 : i32
      %dma_wait3A_59 = arith.constant 0 : i32
      %dma_wait3A_60 = tpu.memref_slice %arg2[%add3A, %dma_wait3A_58, %dma_wait3A_59] : memref<32x166x64xi32, #tpu.memory_space<hbm>> -> memref<1x166x64xi32, #tpu.memory_space<hbm>>
      %dma_wait3A_61 = tpu.memref_squeeze %dma_wait3A_60 : memref<1x166x64xi32, #tpu.memory_space<hbm>> -> memref<166x64xi32, #tpu.memory_space<hbm>>
      %dma_wait3A_62 = arith.constant 0 : i32
      %dma_wait3A_63 = arith.constant 0 : i32
      %dma_wait3A_64 = tpu.memref_slice %arg2[%add3A, %dma_wait3A_62, %dma_wait3A_63] : memref<32x166x64xi32, #tpu.memory_space<hbm>> -> memref<1x166x64xi32, #tpu.memory_space<hbm>>
      %dma_wait3A_65 = tpu.memref_squeeze %dma_wait3A_64 : memref<1x166x64xi32, #tpu.memory_space<hbm>> -> memref<166x64xi32, #tpu.memory_space<hbm>>
      tpu.wait_dma2 semaphore(%run_scoped3A : memref<!tpu.dma_semaphore, #tpu.memory_space<semaphore_mem>>) src(%dma_wait3A_65 : memref<166x64xi32, #tpu.memory_space<hbm>>) dst(%arg6 : memref<166x64xi32, #tpu.memory_space<vmem>>)
      tpu.yield
    }) : () -> ()
    "tpu.region"() ({
      %run_scoped3A = tpu.sem_alloc : memref<!tpu.dma_semaphore, #tpu.memory_space<semaphore_mem>>
      %dma_start3A_50 = arith.constant 0 : i32
      %dma_start3A_51 = arith.constant 0 : i32
      %dma_start3A_52 = tpu.memref_slice %arg3[%add3A, %dma_start3A_50, %dma_start3A_51] : memref<32x166x64xi32, #tpu.memory_space<hbm>> -> memref<1x166x64xi32, #tpu.memory_space<hbm>>
      %dma_start3A_53 = tpu.memref_squeeze %dma_start3A_52 : memref<1x166x64xi32, #tpu.memory_space<hbm>> -> memref<166x64xi32, #tpu.memory_space<hbm>>
      %dma_start3A_54 = arith.constant 0 : i32
      %dma_start3A_55 = arith.constant 0 : i32
      %dma_start3A_56 = tpu.memref_slice %arg3[%add3A, %dma_start3A_54, %dma_start3A_55] : memref<32x166x64xi32, #tpu.memory_space<hbm>> -> memref<1x166x64xi32, #tpu.memory_space<hbm>>
      %dma_start3A_57 = tpu.memref_squeeze %dma_start3A_56 : memref<1x166x64xi32, #tpu.memory_space<hbm>> -> memref<166x64xi32, #tpu.memory_space<hbm>>
      tpu.enqueue_dma source(%dma_start3A_57 : memref<166x64xi32, #tpu.memory_space<hbm>>) target(%arg7 : memref<166x64xi32, #tpu.memory_space<vmem>>) target_semaphore(%run_scoped3A : memref<!tpu.dma_semaphore, #tpu.memory_space<semaphore_mem>>)
      %dma_wait3A_58 = arith.constant 0 : i32
      %dma_wait3A_59 = arith.constant 0 : i32
      %dma_wait3A_60 = tpu.memref_slice %arg3[%add3A, %dma_wait3A_58, %dma_wait3A_59] : memref<32x166x64xi32, #tpu.memory_space<hbm>> -> memref<1x166x64xi32, #tpu.memory_space<hbm>>
      %dma_wait3A_61 = tpu.memref_squeeze %dma_wait3A_60 : memref<1x166x64xi32, #tpu.memory_space<hbm>> -> memref<166x64xi32, #tpu.memory_space<hbm>>
      %dma_wait3A_62 = arith.constant 0 : i32
      %dma_wait3A_63 = arith.constant 0 : i32
      %dma_wait3A_64 = tpu.memref_slice %arg3[%add3A, %dma_wait3A_62, %dma_wait3A_63] : memref<32x166x64xi32, #tpu.memory_space<hbm>> -> memref<1x166x64xi32, #tpu.memory_space<hbm>>
      %dma_wait3A_65 = tpu.memref_squeeze %dma_wait3A_64 : memref<1x166x64xi32, #tpu.memory_space<hbm>> -> memref<166x64xi32, #tpu.memory_space<hbm>>
      tpu.wait_dma2 semaphore(%run_scoped3A : memref<!tpu.dma_semaphore, #tpu.memory_space<semaphore_mem>>) src(%dma_wait3A_65 : memref<166x64xi32, #tpu.memory_space<hbm>>) dst(%arg7 : memref<166x64xi32, #tpu.memory_space<vmem>>)
      tpu.yield
    }) : () -> ()
    %barrier3A = arith.constant 0 : index
    tpu.barrier barrier_id(%barrier3A)
    %dma_start3A = arith.constant 0 : i32
    %dma_start3A_13 = arith.constant 0 : i32
    %dma_start3A_14 = tpu.memref_slice %arg6[%dma_start3A, %dma_start3A_13] : memref<166x64xi32, #tpu.memory_space<vmem>> -> memref<1x64xi32, #tpu.memory_space<vmem>>
    %dma_start3A_15 = tpu.memref_squeeze %dma_start3A_14 : memref<1x64xi32, #tpu.memory_space<vmem>> -> memref<64xi32, #tpu.memory_space<vmem>>
    %dma_start3A_16 = arith.constant 0 : i32
    %dma_start3A_17 = arith.constant 0 : i32
    %dma_start3A_18 = tpu.memref_slice %arg4[%dma_start3A_16, %dma_start3A_17] : memref<10240x128xf32, #tpu.memory_space<hbm>> -> memref<10240x128xf32, #tpu.memory_space<hbm>>
    tpu.enqueue_indirect_dma source(%dma_start3A_18 : memref<10240x128xf32, #tpu.memory_space<hbm>>) target(%arg8 : memref<64x128xf32, #tpu.memory_space<vmem>>) offsets(%dma_start3A_15 : memref<64xi32, #tpu.memory_space<vmem>>) semaphore(%arg13 : memref<!tpu.dma_semaphore, #tpu.memory_space<semaphore_mem>>)
    %dma_start3A_19 = arith.constant 1 : i32
    %dma_start3A_20 = arith.constant 0 : i32
    %dma_start3A_21 = tpu.memref_slice %arg6[%dma_start3A_19, %dma_start3A_20] : memref<166x64xi32, #tpu.memory_space<vmem>> -> memref<1x64xi32, #tpu.memory_space<vmem>>
    %dma_start3A_22 = tpu.memref_squeeze %dma_start3A_21 : memref<1x64xi32, #tpu.memory_space<vmem>> -> memref<64xi32, #tpu.memory_space<vmem>>
    %dma_start3A_23 = arith.constant 0 : i32
    %dma_start3A_24 = arith.constant 0 : i32
    %dma_start3A_25 = tpu.memref_slice %arg4[%dma_start3A_23, %dma_start3A_24] : memref<10240x128xf32, #tpu.memory_space<hbm>> -> memref<10240x128xf32, #tpu.memory_space<hbm>>
    tpu.enqueue_indirect_dma source(%dma_start3A_25 : memref<10240x128xf32, #tpu.memory_space<hbm>>) target(%arg9 : memref<64x128xf32, #tpu.memory_space<vmem>>) offsets(%dma_start3A_22 : memref<64xi32, #tpu.memory_space<vmem>>) semaphore(%arg14 : memref<!tpu.dma_semaphore, #tpu.memory_space<semaphore_mem>>)
    %scan3A_26 = arith.constant 0 : i32
    %scan3A_27 = arith.constant 0 : i32
    %scan3A_28 = arith.constant 54 : i32
    %scan3A_29 = arith.addi %scan3A_27, %scan3A_28 : i32
    %scan3A_30 = arith.constant 1 : i32
    scf.for %scan3A_50 = %scan3A_27 to %scan3A_29 step %scan3A_30  : i32 {
      %mul3A_51 = arith.constant 3 : i32
      %mul3A_52 = arith.muli %mul3A_51, %scan3A_50 : i32
      %dma_wait3A_53 = arith.constant 0 : i32
      %dma_wait3A_54 = arith.constant 0 : i32
      %dma_wait3A_55 = tpu.memref_slice %arg4[%dma_wait3A_53, %dma_wait3A_54] : memref<10240x128xf32, #tpu.memory_space<hbm>> -> memref<64x128xf32, #tpu.memory_space<hbm>>
      %dma_wait3A_56 = arith.constant 0 : i32
      %dma_wait3A_57 = arith.constant 0 : i32
      %dma_wait3A_58 = tpu.memref_slice %arg4[%dma_wait3A_56, %dma_wait3A_57] : memref<10240x128xf32, #tpu.memory_space<hbm>> -> memref<64x128xf32, #tpu.memory_space<hbm>>
      tpu.wait_dma2 semaphore(%arg13 : memref<!tpu.dma_semaphore, #tpu.memory_space<semaphore_mem>>) src(%dma_wait3A_58 : memref<64x128xf32, #tpu.memory_space<hbm>>) dst(%arg8 : memref<64x128xf32, #tpu.memory_space<vmem>>)
      %add3A_59 = arith.constant 0 : i32
      %add3A_60 = arith.addi %mul3A_52, %add3A_59 : i32
      %add3A_61 = arith.constant 2 : i32
      %add3A_62 = arith.addi %add3A_60, %add3A_61 : i32
      %dma_start3A_63 = arith.constant 0 : i32
      %dma_start3A_64 = tpu.memref_slice %arg6[%add3A_62, %dma_start3A_63] : memref<166x64xi32, #tpu.memory_space<vmem>> -> memref<1x64xi32, #tpu.memory_space<vmem>>
      %dma_start3A_65 = tpu.memref_squeeze %dma_start3A_64 : memref<1x64xi32, #tpu.memory_space<vmem>> -> memref<64xi32, #tpu.memory_space<vmem>>
      %dma_start3A_66 = arith.constant 0 : i32
      %dma_start3A_67 = arith.constant 0 : i32
      %dma_start3A_68 = tpu.memref_slice %arg4[%dma_start3A_66, %dma_start3A_67] : memref<10240x128xf32, #tpu.memory_space<hbm>> -> memref<10240x128xf32, #tpu.memory_space<hbm>>
      tpu.enqueue_indirect_dma source(%dma_start3A_68 : memref<10240x128xf32, #tpu.memory_space<hbm>>) target(%arg10 : memref<64x128xf32, #tpu.memory_space<vmem>>) offsets(%dma_start3A_65 : memref<64xi32, #tpu.memory_space<vmem>>) semaphore(%arg15 : memref<!tpu.dma_semaphore, #tpu.memory_space<semaphore_mem>>)
      %add3A_69 = arith.constant 0 : i32
      %add3A_70 = arith.addi %mul3A_52, %add3A_69 : i32
      "tpu.region"() ({
        %run_scoped3A = tpu.sem_alloc : memref<!tpu.dma_semaphore, #tpu.memory_space<semaphore_mem>>
        %dma_start3A_107 = arith.constant 0 : i32
        %dma_start3A_108 = tpu.memref_slice %arg7[%add3A_70, %dma_start3A_107] : memref<166x64xi32, #tpu.memory_space<vmem>> -> memref<1x64xi32, #tpu.memory_space<vmem>>
        %dma_start3A_109 = tpu.memref_squeeze %dma_start3A_108 : memref<1x64xi32, #tpu.memory_space<vmem>> -> memref<64xi32, #tpu.memory_space<vmem>>
        %dma_start3A_110 = arith.constant 0 : i32
        %dma_start3A_111 = arith.constant 0 : i32
        %dma_start3A_112 = tpu.memref_slice %arg12[%dma_start3A_110, %dma_start3A_111] : memref<10240x128xf32, #tpu.memory_space<vmem_shared>> -> memref<10240x128xf32, #tpu.memory_space<vmem_shared>>
        tpu.enqueue_indirect_dma source(%arg8 : memref<64x128xf32, #tpu.memory_space<vmem>>) target(%dma_start3A_112 : memref<10240x128xf32, #tpu.memory_space<vmem_shared>>) offsets(%dma_start3A_109 : memref<64xi32, #tpu.memory_space<vmem>>) semaphore(%run_scoped3A : memref<!tpu.dma_semaphore, #tpu.memory_space<semaphore_mem>>) {add = true}
        %dma_wait3A_113 = arith.constant 0 : i32
        %dma_wait3A_114 = tpu.memref_slice %arg7[%add3A_70, %dma_wait3A_113] : memref<166x64xi32, #tpu.memory_space<vmem>> -> memref<1x64xi32, #tpu.memory_space<vmem>>
        %dma_wait3A_115 = tpu.memref_squeeze %dma_wait3A_114 : memref<1x64xi32, #tpu.memory_space<vmem>> -> memref<64xi32, #tpu.memory_space<vmem>>
        %dma_wait3A_116 = arith.constant 0 : i32
        %dma_wait3A_117 = arith.constant 0 : i32
        %dma_wait3A_118 = tpu.memref_slice %arg12[%dma_wait3A_116, %dma_wait3A_117] : memref<10240x128xf32, #tpu.memory_space<vmem_shared>> -> memref<10240x128xf32, #tpu.memory_space<vmem_shared>>
        tpu.wait_indirect_dma semaphore(%run_scoped3A : memref<!tpu.dma_semaphore, #tpu.memory_space<semaphore_mem>>) src(%arg8 : memref<64x128xf32, #tpu.memory_space<vmem>>) dst(%dma_wait3A_118 : memref<10240x128xf32, #tpu.memory_space<vmem_shared>>)
        tpu.yield
      }) : () -> ()
      %dma_wait3A_71 = arith.constant 0 : i32
      %dma_wait3A_72 = arith.constant 0 : i32
      %dma_wait3A_73 = tpu.memref_slice %arg4[%dma_wait3A_71, %dma_wait3A_72] : memref<10240x128xf32, #tpu.memory_space<hbm>> -> memref<64x128xf32, #tpu.memory_space<hbm>>
      %dma_wait3A_74 = arith.constant 0 : i32
      %dma_wait3A_75 = arith.constant 0 : i32
      %dma_wait3A_76 = tpu.memref_slice %arg4[%dma_wait3A_74, %dma_wait3A_75] : memref<10240x128xf32, #tpu.memory_space<hbm>> -> memref<64x128xf32, #tpu.memory_space<hbm>>
      tpu.wait_dma2 semaphore(%arg14 : memref<!tpu.dma_semaphore, #tpu.memory_space<semaphore_mem>>) src(%dma_wait3A_76 : memref<64x128xf32, #tpu.memory_space<hbm>>) dst(%arg9 : memref<64x128xf32, #tpu.memory_space<vmem>>)
      %add3A_77 = arith.constant 1 : i32
      %add3A_78 = arith.addi %mul3A_52, %add3A_77 : i32
      %add3A_79 = arith.constant 2 : i32
      %add3A_80 = arith.addi %add3A_78, %add3A_79 : i32
      %dma_start3A_81 = arith.constant 0 : i32
      %dma_start3A_82 = tpu.memref_slice %arg6[%add3A_80, %dma_start3A_81] : memref<166x64xi32, #tpu.memory_space<vmem>> -> memref<1x64xi32, #tpu.memory_space<vmem>>
      %dma_start3A_83 = tpu.memref_squeeze %dma_start3A_82 : memref<1x64xi32, #tpu.memory_space<vmem>> -> memref<64xi32, #tpu.memory_space<vmem>>
      %dma_start3A_84 = arith.constant 0 : i32
      %dma_start3A_85 = arith.constant 0 : i32
      %dma_start3A_86 = tpu.memref_slice %arg4[%dma_start3A_84, %dma_start3A_85] : memref<10240x128xf32, #tpu.memory_space<hbm>> -> memref<10240x128xf32, #tpu.memory_space<hbm>>
      tpu.enqueue_indirect_dma source(%dma_start3A_86 : memref<10240x128xf32, #tpu.memory_space<hbm>>) target(%arg8 : memref<64x128xf32, #tpu.memory_space<vmem>>) offsets(%dma_start3A_83 : memref<64xi32, #tpu.memory_space<vmem>>) semaphore(%arg13 : memref<!tpu.dma_semaphore, #tpu.memory_space<semaphore_mem>>)
      %add3A_87 = arith.constant 1 : i32
      %add3A_88 = arith.addi %mul3A_52, %add3A_87 : i32
      "tpu.region"() ({
        %run_scoped3A = tpu.sem_alloc : memref<!tpu.dma_semaphore, #tpu.memory_space<semaphore_mem>>
        %dma_start3A_107 = arith.constant 0 : i32
        %dma_start3A_108 = tpu.memref_slice %arg7[%add3A_88, %dma_start3A_107] : memref<166x64xi32, #tpu.memory_space<vmem>> -> memref<1x64xi32, #tpu.memory_space<vmem>>
        %dma_start3A_109 = tpu.memref_squeeze %dma_start3A_108 : memref<1x64xi32, #tpu.memory_space<vmem>> -> memref<64xi32, #tpu.memory_space<vmem>>
        %dma_start3A_110 = arith.constant 0 : i32
        %dma_start3A_111 = arith.constant 0 : i32
        %dma_start3A_112 = tpu.memref_slice %arg12[%dma_start3A_110, %dma_start3A_111] : memref<10240x128xf32, #tpu.memory_space<vmem_shared>> -> memref<10240x128xf32, #tpu.memory_space<vmem_shared>>
        tpu.enqueue_indirect_dma source(%arg9 : memref<64x128xf32, #tpu.memory_space<vmem>>) target(%dma_start3A_112 : memref<10240x128xf32, #tpu.memory_space<vmem_shared>>) offsets(%dma_start3A_109 : memref<64xi32, #tpu.memory_space<vmem>>) semaphore(%run_scoped3A : memref<!tpu.dma_semaphore, #tpu.memory_space<semaphore_mem>>) {add = true}
        %dma_wait3A_113 = arith.constant 0 : i32
        %dma_wait3A_114 = tpu.memref_slice %arg7[%add3A_88, %dma_wait3A_113] : memref<166x64xi32, #tpu.memory_space<vmem>> -> memref<1x64xi32, #tpu.memory_space<vmem>>
        %dma_wait3A_115 = tpu.memref_squeeze %dma_wait3A_114 : memref<1x64xi32, #tpu.memory_space<vmem>> -> memref<64xi32, #tpu.memory_space<vmem>>
        %dma_wait3A_116 = arith.constant 0 : i32
        %dma_wait3A_117 = arith.constant 0 : i32
        %dma_wait3A_118 = tpu.memref_slice %arg12[%dma_wait3A_116, %dma_wait3A_117] : memref<10240x128xf32, #tpu.memory_space<vmem_shared>> -> memref<10240x128xf32, #tpu.memory_space<vmem_shared>>
        tpu.wait_indirect_dma semaphore(%run_scoped3A : memref<!tpu.dma_semaphore, #tpu.memory_space<semaphore_mem>>) src(%arg9 : memref<64x128xf32, #tpu.memory_space<vmem>>) dst(%dma_wait3A_118 : memref<10240x128xf32, #tpu.memory_space<vmem_shared>>)
        tpu.yield
      }) : () -> ()
      %dma_wait3A_89 = arith.constant 0 : i32
      %dma_wait3A_90 = arith.constant 0 : i32
      %dma_wait3A_91 = tpu.memref_slice %arg4[%dma_wait3A_89, %dma_wait3A_90] : memref<10240x128xf32, #tpu.memory_space<hbm>> -> memref<64x128xf32, #tpu.memory_space<hbm>>
      %dma_wait3A_92 = arith.constant 0 : i32
      %dma_wait3A_93 = arith.constant 0 : i32
      %dma_wait3A_94 = tpu.memref_slice %arg4[%dma_wait3A_92, %dma_wait3A_93] : memref<10240x128xf32, #tpu.memory_space<hbm>> -> memref<64x128xf32, #tpu.memory_space<hbm>>
      tpu.wait_dma2 semaphore(%arg15 : memref<!tpu.dma_semaphore, #tpu.memory_space<semaphore_mem>>) src(%dma_wait3A_94 : memref<64x128xf32, #tpu.memory_space<hbm>>) dst(%arg10 : memref<64x128xf32, #tpu.memory_space<vmem>>)
      %add3A_95 = arith.constant 2 : i32
      %add3A_96 = arith.addi %mul3A_52, %add3A_95 : i32
      %add3A_97 = arith.constant 2 : i32
      %add3A_98 = arith.addi %add3A_96, %add3A_97 : i32
      %dma_start3A_99 = arith.constant 0 : i32
      %dma_start3A_100 = tpu.memref_slice %arg6[%add3A_98, %dma_start3A_99] : memref<166x64xi32, #tpu.memory_space<vmem>> -> memref<1x64xi32, #tpu.memory_space<vmem>>
      %dma_start3A_101 = tpu.memref_squeeze %dma_start3A_100 : memref<1x64xi32, #tpu.memory_space<vmem>> -> memref<64xi32, #tpu.memory_space<vmem>>
      %dma_start3A_102 = arith.constant 0 : i32
      %dma_start3A_103 = arith.constant 0 : i32
      %dma_start3A_104 = tpu.memref_slice %arg4[%dma_start3A_102, %dma_start3A_103] : memref<10240x128xf32, #tpu.memory_space<hbm>> -> memref<10240x128xf32, #tpu.memory_space<hbm>>
      tpu.enqueue_indirect_dma source(%dma_start3A_104 : memref<10240x128xf32, #tpu.memory_space<hbm>>) target(%arg9 : memref<64x128xf32, #tpu.memory_space<vmem>>) offsets(%dma_start3A_101 : memref<64xi32, #tpu.memory_space<vmem>>) semaphore(%arg14 : memref<!tpu.dma_semaphore, #tpu.memory_space<semaphore_mem>>)
      %add3A_105 = arith.constant 2 : i32
      %add3A_106 = arith.addi %mul3A_52, %add3A_105 : i32
      "tpu.region"() ({
        %run_scoped3A = tpu.sem_alloc : memref<!tpu.dma_semaphore, #tpu.memory_space<semaphore_mem>>
        %dma_start3A_107 = arith.constant 0 : i32
        %dma_start3A_108 = tpu.memref_slice %arg7[%add3A_106, %dma_start3A_107] : memref<166x64xi32, #tpu.memory_space<vmem>> -> memref<1x64xi32, #tpu.memory_space<vmem>>
        %dma_start3A_109 = tpu.memref_squeeze %dma_start3A_108 : memref<1x64xi32, #tpu.memory_space<vmem>> -> memref<64xi32, #tpu.memory_space<vmem>>
        %dma_start3A_110 = arith.constant 0 : i32
        %dma_start3A_111 = arith.constant 0 : i32
        %dma_start3A_112 = tpu.memref_slice %arg12[%dma_start3A_110, %dma_start3A_111] : memref<10240x128xf32, #tpu.memory_space<vmem_shared>> -> memref<10240x128xf32, #tpu.memory_space<vmem_shared>>
        tpu.enqueue_indirect_dma source(%arg10 : memref<64x128xf32, #tpu.memory_space<vmem>>) target(%dma_start3A_112 : memref<10240x128xf32, #tpu.memory_space<vmem_shared>>) offsets(%dma_start3A_109 : memref<64xi32, #tpu.memory_space<vmem>>) semaphore(%run_scoped3A : memref<!tpu.dma_semaphore, #tpu.memory_space<semaphore_mem>>) {add = true}
        %dma_wait3A_113 = arith.constant 0 : i32
        %dma_wait3A_114 = tpu.memref_slice %arg7[%add3A_106, %dma_wait3A_113] : memref<166x64xi32, #tpu.memory_space<vmem>> -> memref<1x64xi32, #tpu.memory_space<vmem>>
        %dma_wait3A_115 = tpu.memref_squeeze %dma_wait3A_114 : memref<1x64xi32, #tpu.memory_space<vmem>> -> memref<64xi32, #tpu.memory_space<vmem>>
        %dma_wait3A_116 = arith.constant 0 : i32
        %dma_wait3A_117 = arith.constant 0 : i32
        %dma_wait3A_118 = tpu.memref_slice %arg12[%dma_wait3A_116, %dma_wait3A_117] : memref<10240x128xf32, #tpu.memory_space<vmem_shared>> -> memref<10240x128xf32, #tpu.memory_space<vmem_shared>>
        tpu.wait_indirect_dma semaphore(%run_scoped3A : memref<!tpu.dma_semaphore, #tpu.memory_space<semaphore_mem>>) src(%arg10 : memref<64x128xf32, #tpu.memory_space<vmem>>) dst(%dma_wait3A_118 : memref<10240x128xf32, #tpu.memory_space<vmem_shared>>)
        tpu.yield
      }) : () -> ()
    }
    %scan3A_31 = arith.constant 54 : i32
    %dma_wait3A = arith.constant 0 : i32
    %dma_wait3A_32 = arith.constant 0 : i32
    %dma_wait3A_33 = tpu.memref_slice %arg4[%dma_wait3A, %dma_wait3A_32] : memref<10240x128xf32, #tpu.memory_space<hbm>> -> memref<64x128xf32, #tpu.memory_space<hbm>>
    %dma_wait3A_34 = arith.constant 0 : i32
    %dma_wait3A_35 = arith.constant 0 : i32
    %dma_wait3A_36 = tpu.memref_slice %arg4[%dma_wait3A_34, %dma_wait3A_35] : memref<10240x128xf32, #tpu.memory_space<hbm>> -> memref<64x128xf32, #tpu.memory_space<hbm>>
    tpu.wait_dma2 semaphore(%arg13 : memref<!tpu.dma_semaphore, #tpu.memory_space<semaphore_mem>>) src(%dma_wait3A_36 : memref<64x128xf32, #tpu.memory_space<hbm>>) dst(%arg8 : memref<64x128xf32, #tpu.memory_space<vmem>>)
    %dma_wait3A_37 = arith.constant 0 : i32
    %dma_wait3A_38 = arith.constant 0 : i32
    %dma_wait3A_39 = tpu.memref_slice %arg4[%dma_wait3A_37, %dma_wait3A_38] : memref<10240x128xf32, #tpu.memory_space<hbm>> -> memref<64x128xf32, #tpu.memory_space<hbm>>
    %dma_wait3A_40 = arith.constant 0 : i32
    %dma_wait3A_41 = arith.constant 0 : i32
    %dma_wait3A_42 = tpu.memref_slice %arg4[%dma_wait3A_40, %dma_wait3A_41] : memref<10240x128xf32, #tpu.memory_space<hbm>> -> memref<64x128xf32, #tpu.memory_space<hbm>>
    tpu.wait_dma2 semaphore(%arg14 : memref<!tpu.dma_semaphore, #tpu.memory_space<semaphore_mem>>) src(%dma_wait3A_42 : memref<64x128xf32, #tpu.memory_space<hbm>>) dst(%arg9 : memref<64x128xf32, #tpu.memory_space<vmem>>)
    %barrier3A_43 = arith.constant 0 : index
    tpu.barrier barrier_id(%barrier3A_43)
    %scan3A_44 = arith.constant 0 : i32
    %scan3A_45 = arith.constant 0 : i32
    %scan3A_46 = arith.constant 40 : i32
    %scan3A_47 = arith.addi %scan3A_45, %scan3A_46 : i32
    %scan3A_48 = arith.constant 1 : i32
    scf.for %scan3A_50 = %scan3A_45 to %scan3A_47 step %scan3A_48  : i32 {
      %mul3A_51 = arith.constant 640 : i32
      %mul3A_52 = arith.muli %arg1, %mul3A_51 : i32
      %mul3A_53 = arith.constant 16 : i32
      %mul3A_54 = arith.muli %scan3A_50, %mul3A_53 : i32
      %add3A_55 = arith.addi %mul3A_52, %mul3A_54 : i32
      "tpu.region"() ({
        %run_scoped3A = tpu.sem_alloc : memref<!tpu.dma_semaphore, #tpu.memory_space<semaphore_mem>>
        %dma_start3A_56 = arith.constant 0 : i32
        %dma_start3A_57 = tpu.memref_slice %arg12[%add3A_55, %dma_start3A_56] : memref<10240x128xf32, #tpu.memory_space<vmem_shared>> -> memref<16x128xf32, #tpu.memory_space<vmem_shared>>
        %dma_start3A_58 = arith.constant 0 : i32
        %dma_start3A_59 = tpu.memref_slice %arg12[%add3A_55, %dma_start3A_58] : memref<10240x128xf32, #tpu.memory_space<vmem_shared>> -> memref<16x128xf32, #tpu.memory_space<vmem_shared>>
        tpu.enqueue_dma source(%dma_start3A_59 : memref<16x128xf32, #tpu.memory_space<vmem_shared>>) target(%arg11 : memref<16x128xf32, #tpu.memory_space<vmem>>) target_semaphore(%run_scoped3A : memref<!tpu.dma_semaphore, #tpu.memory_space<semaphore_mem>>)
        %dma_wait3A_60 = arith.constant 0 : i32
        %dma_wait3A_61 = tpu.memref_slice %arg12[%add3A_55, %dma_wait3A_60] : memref<10240x128xf32, #tpu.memory_space<vmem_shared>> -> memref<16x128xf32, #tpu.memory_space<vmem_shared>>
        %dma_wait3A_62 = arith.constant 0 : i32
        %dma_wait3A_63 = tpu.memref_slice %arg12[%add3A_55, %dma_wait3A_62] : memref<10240x128xf32, #tpu.memory_space<vmem_shared>> -> memref<16x128xf32, #tpu.memory_space<vmem_shared>>
        tpu.wait_dma2 semaphore(%run_scoped3A : memref<!tpu.dma_semaphore, #tpu.memory_space<semaphore_mem>>) src(%dma_wait3A_63 : memref<16x128xf32, #tpu.memory_space<vmem_shared>>) dst(%arg11 : memref<16x128xf32, #tpu.memory_space<vmem>>)
        tpu.yield
      }) : () -> ()
      "tpu.region"() ({
        %run_scoped3A = tpu.sem_alloc : memref<!tpu.dma_semaphore, #tpu.memory_space<semaphore_mem>>
        %dma_start3A_56 = arith.constant 0 : i32
        %dma_start3A_57 = tpu.memref_slice %arg5[%arg0, %add3A_55, %dma_start3A_56] : memref<2x10240x128xf32, #tpu.memory_space<hbm>> -> memref<1x16x128xf32, #tpu.memory_space<hbm>>
        %dma_start3A_58 = tpu.memref_squeeze %dma_start3A_57 : memref<1x16x128xf32, #tpu.memory_space<hbm>> -> memref<16x128xf32, #tpu.memory_space<hbm>>
        %dma_start3A_59 = arith.constant 0 : i32
        %dma_start3A_60 = tpu.memref_slice %arg5[%arg0, %add3A_55, %dma_start3A_59] : memref<2x10240x128xf32, #tpu.memory_space<hbm>> -> memref<1x16x128xf32, #tpu.memory_space<hbm>>
        %dma_start3A_61 = tpu.memref_squeeze %dma_start3A_60 : memref<1x16x128xf32, #tpu.memory_space<hbm>> -> memref<16x128xf32, #tpu.memory_space<hbm>>
        tpu.enqueue_dma source(%arg11 : memref<16x128xf32, #tpu.memory_space<vmem>>) target(%dma_start3A_61 : memref<16x128xf32, #tpu.memory_space<hbm>>) target_semaphore(%run_scoped3A : memref<!tpu.dma_semaphore, #tpu.memory_space<semaphore_mem>>)
        %dma_wait3A_62 = arith.constant 0 : i32
        %dma_wait3A_63 = tpu.memref_slice %arg5[%arg0, %add3A_55, %dma_wait3A_62] : memref<2x10240x128xf32, #tpu.memory_space<hbm>> -> memref<1x16x128xf32, #tpu.memory_space<hbm>>
        %dma_wait3A_64 = tpu.memref_squeeze %dma_wait3A_63 : memref<1x16x128xf32, #tpu.memory_space<hbm>> -> memref<16x128xf32, #tpu.memory_space<hbm>>
        %dma_wait3A_65 = arith.constant 0 : i32
        %dma_wait3A_66 = tpu.memref_slice %arg5[%arg0, %add3A_55, %dma_wait3A_65] : memref<2x10240x128xf32, #tpu.memory_space<hbm>> -> memref<1x16x128xf32, #tpu.memory_space<hbm>>
        %dma_wait3A_67 = tpu.memref_squeeze %dma_wait3A_66 : memref<1x16x128xf32, #tpu.memory_space<hbm>> -> memref<16x128xf32, #tpu.memory_space<hbm>>
        tpu.wait_dma2 semaphore(%run_scoped3A : memref<!tpu.dma_semaphore, #tpu.memory_space<semaphore_mem>>) src(%arg11 : memref<16x128xf32, #tpu.memory_space<vmem>>) dst(%dma_wait3A_67 : memref<16x128xf32, #tpu.memory_space<hbm>>)
        tpu.yield
      }) : () -> ()
    }
    %scan3A_49 = arith.constant 40 : i32
    return
  }
}

module attributes {stable_mosaic.version = 14 : i64} {
  func.func @_mm1_body(%arg0: memref<10240x128xf32, #tpu.memory_space<vmem>>, %arg1: memref<128x64xf32, #tpu.memory_space<vmem>>, %arg2: memref<10240x64xf32, #tpu.memory_space<vmem>>) attributes {dimension_semantics = [], scalar_prefetch = 0 : i64, scratch_operands = 0 : i64, tpu.core_type = #tpu.core_type<tc>} {
    %get3A = arith.constant 0 : index
    %get3A_0 = arith.constant 0 : index
    %get3A_1 = vector.load %arg0[%get3A, %get3A_0] : memref<10240x128xf32, #tpu.memory_space<vmem>>, vector<10240x128xf32>
    %get3A_2 = arith.constant 0 : index
    %get3A_3 = arith.constant 0 : index
    %get3A_4 = vector.load %arg1[%get3A_2, %get3A_3] : memref<128x64xf32, #tpu.memory_space<vmem>>, vector<128x64xf32>
    %dot_general3A = arith.constant dense<0.000000e+00> : vector<10240x64xf32>
    %dot_general3A_5 = tpu.matmul %get3A_1, %get3A_4, %dot_general3A {dimension_numbers = #tpu.dot_dimension_numbers<[1], [0], [0], [1], [0, 0, 1, 1], [], []>, transpose_lhs_hint = false} : vector<10240x128xf32>, vector<128x64xf32>, vector<10240x64xf32> -> vector<10240x64xf32>
    %swap3A = arith.constant 0 : index
    %swap3A_6 = arith.constant 0 : index
    %swap3A_7 = vector.load %arg2[%swap3A, %swap3A_6] : memref<10240x64xf32, #tpu.memory_space<vmem>>, vector<10240x64xf32>
    tpu.vector_store %arg2[%swap3A, %swap3A_6], %dot_general3A_5 {strides = array<i32>} : memref<10240x64xf32, #tpu.memory_space<vmem>>, vector<10240x64xf32>,
    return
  }
}

module attributes {stable_mosaic.version = 14 : i64} {
  func.func @_bn1_body(%arg0: memref<2x10240x64xf32, #tpu.memory_space<vmem>>, %arg1: memref<10240x64xf32, #tpu.memory_space<vmem>>, %arg2: memref<10240x1xf32, #tpu.memory_space<vmem>>, %arg3: memref<1x64xf32, #tpu.memory_space<vmem>>, %arg4: memref<1x64xf32, #tpu.memory_space<vmem>>, %arg5: memref<10240x64xf32, #tpu.memory_space<vmem>>) attributes {dimension_semantics = [], scalar_prefetch = 0 : i64, scratch_operands = 0 : i64, tpu.core_type = #tpu.core_type<tc>} {
    %get3A = arith.constant 0 : index
    %get3A_0 = arith.constant 0 : index
    %get3A_1 = vector.load %arg2[%get3A, %get3A_0] : memref<10240x1xf32, #tpu.memory_space<vmem>>, vector<10240x1xf32>
    %get3A_2 = arith.constant 0 : index
    %get3A_3 = arith.constant 0 : index
    %get3A_4 = arith.constant 0 : index
    %get3A_5 = vector.load %arg0[%get3A_2, %get3A_3, %get3A_4] : memref<2x10240x64xf32, #tpu.memory_space<vmem>>, vector<1x10240x64xf32>
    %get3A_6 = vector.shape_cast %get3A_5 : vector<1x10240x64xf32> to vector<10240x64xf32>
    %get3A_7 = arith.constant 1 : index
    %get3A_8 = arith.constant 0 : index
    %get3A_9 = arith.constant 0 : index
    %get3A_10 = vector.load %arg0[%get3A_7, %get3A_8, %get3A_9] : memref<2x10240x64xf32, #tpu.memory_space<vmem>>, vector<1x10240x64xf32>
    %get3A_11 = vector.shape_cast %get3A_10 : vector<1x10240x64xf32> to vector<10240x64xf32>
    %add3A = arith.addf %get3A_6, %get3A_11 : vector<10240x64xf32>
    %get3A_12 = arith.constant 0 : index
    %get3A_13 = arith.constant 0 : index
    %get3A_14 = vector.load %arg1[%get3A_12, %get3A_13] : memref<10240x64xf32, #tpu.memory_space<vmem>>, vector<10240x64xf32>
    %add3A_15 = arith.addf %add3A, %get3A_14 : vector<10240x64xf32>
    %mul3A = vector.broadcast %get3A_1 : vector<10240x1xf32> to vector<10240x64xf32>
    %mul3A_16 = arith.mulf %mul3A, %add3A_15 : vector<10240x64xf32>
    %get3A_17 = arith.constant 0 : index
    %get3A_18 = arith.constant 0 : index
    %get3A_19 = vector.load %arg3[%get3A_17, %get3A_18] : memref<1x64xf32, #tpu.memory_space<vmem>>, vector<1x64xf32>
    %mul3A_20 = vector.broadcast %get3A_19 : vector<1x64xf32> to vector<10240x64xf32>
    %mul3A_21 = arith.mulf %mul3A_16, %mul3A_20 : vector<10240x64xf32>
    %get3A_22 = arith.constant 0 : index
    %get3A_23 = arith.constant 0 : index
    %get3A_24 = vector.load %arg4[%get3A_22, %get3A_23] : memref<1x64xf32, #tpu.memory_space<vmem>>, vector<1x64xf32>
    %add3A_25 = vector.broadcast %get3A_24 : vector<1x64xf32> to vector<10240x64xf32>
    %add3A_26 = arith.addf %mul3A_21, %add3A_25 : vector<10240x64xf32>
    %max3A = arith.constant 0.000000e+00 : f32
    %max3A_27 = vector.broadcast %max3A : f32 to vector<10240x64xf32>
    %max3A_28 = arith.maximumf %add3A_26, %max3A_27 : vector<10240x64xf32>
    %mul3A_29 = vector.broadcast %get3A_1 : vector<10240x1xf32> to vector<10240x64xf32>
    %mul3A_30 = arith.mulf %max3A_28, %mul3A_29 : vector<10240x64xf32>
    %swap3A = arith.constant 0 : index
    %swap3A_31 = arith.constant 0 : index
    %swap3A_32 = vector.load %arg5[%swap3A, %swap3A_31] : memref<10240x64xf32, #tpu.memory_space<vmem>>, vector<10240x64xf32>
    tpu.vector_store %arg5[%swap3A, %swap3A_31], %mul3A_30 {strides = array<i32>} : memref<10240x64xf32, #tpu.memory_space<vmem>>, vector<10240x64xf32>,
    return
  }
}

module attributes {stable_mosaic.version = 14 : i64} {
  func.func @_mm2_body(%arg0: memref<2x10240x64xf32, #tpu.memory_space<vmem>>, %arg1: memref<10240x64xf32, #tpu.memory_space<vmem>>, %arg2: memref<10240x1xf32, #tpu.memory_space<vmem>>, %arg3: memref<64x128xf32, #tpu.memory_space<vmem>>, %arg4: memref<1x128xf32, #tpu.memory_space<vmem>>, %arg5: memref<1x128xf32, #tpu.memory_space<vmem>>, %arg6: memref<10240x128xf32, #tpu.memory_space<vmem>>, %arg7: memref<10240x128xf32, #tpu.memory_space<vmem>>) attributes {dimension_semantics = [], scalar_prefetch = 0 : i64, scratch_operands = 0 : i64, tpu.core_type = #tpu.core_type<tc>} {
    %get3A = arith.constant 0 : index
    %get3A_0 = arith.constant 0 : index
    %get3A_1 = vector.load %arg2[%get3A, %get3A_0] : memref<10240x1xf32, #tpu.memory_space<vmem>>, vector<10240x1xf32>
    %get3A_2 = arith.constant 0 : index
    %get3A_3 = arith.constant 0 : index
    %get3A_4 = arith.constant 0 : index
    %get3A_5 = vector.load %arg0[%get3A_2, %get3A_3, %get3A_4] : memref<2x10240x64xf32, #tpu.memory_space<vmem>>, vector<1x10240x64xf32>
    %get3A_6 = vector.shape_cast %get3A_5 : vector<1x10240x64xf32> to vector<10240x64xf32>
    %get3A_7 = arith.constant 1 : index
    %get3A_8 = arith.constant 0 : index
    %get3A_9 = arith.constant 0 : index
    %get3A_10 = vector.load %arg0[%get3A_7, %get3A_8, %get3A_9] : memref<2x10240x64xf32, #tpu.memory_space<vmem>>, vector<1x10240x64xf32>
    %get3A_11 = vector.shape_cast %get3A_10 : vector<1x10240x64xf32> to vector<10240x64xf32>
    %add3A = arith.addf %get3A_6, %get3A_11 : vector<10240x64xf32>
    %get3A_12 = arith.constant 0 : index
    %get3A_13 = arith.constant 0 : index
    %get3A_14 = vector.load %arg1[%get3A_12, %get3A_13] : memref<10240x64xf32, #tpu.memory_space<vmem>>, vector<10240x64xf32>
    %add3A_15 = arith.addf %add3A, %get3A_14 : vector<10240x64xf32>
    %mul3A = vector.broadcast %get3A_1 : vector<10240x1xf32> to vector<10240x64xf32>
    %mul3A_16 = arith.mulf %mul3A, %add3A_15 : vector<10240x64xf32>
    %get3A_17 = arith.constant 0 : index
    %get3A_18 = arith.constant 0 : index
    %get3A_19 = vector.load %arg3[%get3A_17, %get3A_18] : memref<64x128xf32, #tpu.memory_space<vmem>>, vector<64x128xf32>
    %dot_general3A = arith.constant dense<0.000000e+00> : vector<10240x128xf32>
    %dot_general3A_20 = tpu.matmul %mul3A_16, %get3A_19, %dot_general3A {dimension_numbers = #tpu.dot_dimension_numbers<[1], [0], [0], [1], [0, 0, 1, 1], [], []>, transpose_lhs_hint = false} : vector<10240x64xf32>, vector<64x128xf32>, vector<10240x128xf32> -> vector<10240x128xf32>
    %get3A_21 = arith.constant 0 : index
    %get3A_22 = arith.constant 0 : index
    %get3A_23 = vector.load %arg4[%get3A_21, %get3A_22] : memref<1x128xf32, #tpu.memory_space<vmem>>, vector<1x128xf32>
    %mul3A_24 = vector.broadcast %get3A_23 : vector<1x128xf32> to vector<10240x128xf32>
    %mul3A_25 = arith.mulf %dot_general3A_20, %mul3A_24 : vector<10240x128xf32>
    %get3A_26 = arith.constant 0 : index
    %get3A_27 = arith.constant 0 : index
    %get3A_28 = vector.load %arg5[%get3A_26, %get3A_27] : memref<1x128xf32, #tpu.memory_space<vmem>>, vector<1x128xf32>
    %add3A_29 = vector.broadcast %get3A_28 : vector<1x128xf32> to vector<10240x128xf32>
    %add3A_30 = arith.addf %mul3A_25, %add3A_29 : vector<10240x128xf32>
    %max3A = arith.constant 0.000000e+00 : f32
    %max3A_31 = vector.broadcast %max3A : f32 to vector<10240x128xf32>
    %max3A_32 = arith.maximumf %add3A_30, %max3A_31 : vector<10240x128xf32>
    %swap3A = arith.constant 0 : index
    %swap3A_33 = arith.constant 0 : index
    %swap3A_34 = vector.load %arg7[%swap3A, %swap3A_33] : memref<10240x128xf32, #tpu.memory_space<vmem>>, vector<10240x128xf32>
    tpu.vector_store %arg7[%swap3A, %swap3A_33], %max3A_32 {strides = array<i32>} : memref<10240x128xf32, #tpu.memory_space<vmem>>, vector<10240x128xf32>,
    %mul3A_35 = vector.broadcast %get3A_1 : vector<10240x1xf32> to vector<10240x128xf32>
    %mul3A_36 = arith.mulf %max3A_32, %mul3A_35 : vector<10240x128xf32>
    %swap3A_37 = arith.constant 0 : index
    %swap3A_38 = arith.constant 0 : index
    %swap3A_39 = vector.load %arg6[%swap3A_37, %swap3A_38] : memref<10240x128xf32, #tpu.memory_space<vmem>>, vector<10240x128xf32>
    tpu.vector_store %arg6[%swap3A_37, %swap3A_38], %mul3A_36 {strides = array<i32>} : memref<10240x128xf32, #tpu.memory_space<vmem>>, vector<10240x128xf32>,
    return
  }
}

module attributes {stable_mosaic.version = 14 : i64} {
  func.func @_final_body(%arg0: memref<2x10240x128xf32, #tpu.memory_space<vmem>>, %arg1: memref<10240x128xf32, #tpu.memory_space<vmem>>, %arg2: memref<10240x128xf32, #tpu.memory_space<vmem>>, %arg3: memref<10240x1xf32, #tpu.memory_space<vmem>>, %arg4: memref<128x128xf32, #tpu.memory_space<vmem>>, %arg5: memref<1x128xf32, #tpu.memory_space<vmem>>, %arg6: memref<1x128xf32, #tpu.memory_space<vmem>>, %arg7: memref<1x10240xi32, #tpu.memory_space<vmem>>, %arg8: memref<128x1xf32, #tpu.memory_space<vmem>>, %arg9: memref<64x1xf32, #tpu.memory_space<vmem>>) attributes {dimension_semantics = [], scalar_prefetch = 0 : i64, scratch_operands = 0 : i64, tpu.core_type = #tpu.core_type<tc>} {
    %get3A = arith.constant 0 : index
    %get3A_0 = arith.constant 0 : index
    %get3A_1 = vector.load %arg3[%get3A, %get3A_0] : memref<10240x1xf32, #tpu.memory_space<vmem>>, vector<10240x1xf32>
    %get3A_2 = arith.constant 0 : index
    %get3A_3 = arith.constant 0 : index
    %get3A_4 = arith.constant 0 : index
    %get3A_5 = vector.load %arg0[%get3A_2, %get3A_3, %get3A_4] : memref<2x10240x128xf32, #tpu.memory_space<vmem>>, vector<1x10240x128xf32>
    %get3A_6 = vector.shape_cast %get3A_5 : vector<1x10240x128xf32> to vector<10240x128xf32>
    %get3A_7 = arith.constant 1 : index
    %get3A_8 = arith.constant 0 : index
    %get3A_9 = arith.constant 0 : index
    %get3A_10 = vector.load %arg0[%get3A_7, %get3A_8, %get3A_9] : memref<2x10240x128xf32, #tpu.memory_space<vmem>>, vector<1x10240x128xf32>
    %get3A_11 = vector.shape_cast %get3A_10 : vector<1x10240x128xf32> to vector<10240x128xf32>
    %add3A = arith.addf %get3A_6, %get3A_11 : vector<10240x128xf32>
    %get3A_12 = arith.constant 0 : index
    %get3A_13 = arith.constant 0 : index
    %get3A_14 = vector.load %arg1[%get3A_12, %get3A_13] : memref<10240x128xf32, #tpu.memory_space<vmem>>, vector<10240x128xf32>
    %add3A_15 = arith.addf %add3A, %get3A_14 : vector<10240x128xf32>
    %mul3A = vector.broadcast %get3A_1 : vector<10240x1xf32> to vector<10240x128xf32>
    %mul3A_16 = arith.mulf %mul3A, %add3A_15 : vector<10240x128xf32>
    %get3A_17 = arith.constant 0 : index
    %get3A_18 = arith.constant 0 : index
    %get3A_19 = vector.load %arg4[%get3A_17, %get3A_18] : memref<128x128xf32, #tpu.memory_space<vmem>>, vector<128x128xf32>
    %dot_general3A = arith.constant dense<0.000000e+00> : vector<10240x128xf32>
    %dot_general3A_20 = tpu.matmul %mul3A_16, %get3A_19, %dot_general3A {dimension_numbers = #tpu.dot_dimension_numbers<[1], [0], [0], [1], [0, 0, 1, 1], [], []>, transpose_lhs_hint = false} : vector<10240x128xf32>, vector<128x128xf32>, vector<10240x128xf32> -> vector<10240x128xf32>
    %get3A_21 = arith.constant 0 : index
    %get3A_22 = arith.constant 0 : index
    %get3A_23 = vector.load %arg5[%get3A_21, %get3A_22] : memref<1x128xf32, #tpu.memory_space<vmem>>, vector<1x128xf32>
    %mul3A_24 = vector.broadcast %get3A_23 : vector<1x128xf32> to vector<10240x128xf32>
    %mul3A_25 = arith.mulf %dot_general3A_20, %mul3A_24 : vector<10240x128xf32>
    %get3A_26 = arith.constant 0 : index
    %get3A_27 = arith.constant 0 : index
    %get3A_28 = vector.load %arg6[%get3A_26, %get3A_27] : memref<1x128xf32, #tpu.memory_space<vmem>>, vector<1x128xf32>
    %add3A_29 = vector.broadcast %get3A_28 : vector<1x128xf32> to vector<10240x128xf32>
    %add3A_30 = arith.addf %mul3A_25, %add3A_29 : vector<10240x128xf32>
    %max3A = arith.constant 0.000000e+00 : f32
    %max3A_31 = vector.broadcast %max3A : f32 to vector<10240x128xf32>
    %max3A_32 = arith.maximumf %add3A_30, %max3A_31 : vector<10240x128xf32>
    %get3A_33 = arith.constant 0 : index
    %get3A_34 = arith.constant 0 : index
    %get3A_35 = vector.load %arg2[%get3A_33, %get3A_34] : memref<10240x128xf32, #tpu.memory_space<vmem>>, vector<10240x128xf32>
    %add3A_36 = arith.addf %max3A_32, %get3A_35 : vector<10240x128xf32>
    %iota3A = tpu.iota {dimensions = array<i32: 0>} : vector<64x10240xi32>
    %get3A_37 = arith.constant 0 : index
    %get3A_38 = arith.constant 0 : index
    %get3A_39 = vector.load %arg7[%get3A_37, %get3A_38] : memref<1x10240xi32, #tpu.memory_space<vmem>>, vector<1x10240xi32>
    %eq3A = vector.broadcast %get3A_39 : vector<1x10240xi32> to vector<64x10240xi32>
    %eq3A_40 = arith.cmpi eq, %iota3A, %eq3A : vector<64x10240xi32>
    %convert_element_type3A = arith.extui %eq3A_40 : vector<64x10240xi1> to vector<64x10240xi32>
    %convert_element_type3A_41 = arith.sitofp %convert_element_type3A : vector<64x10240xi32> to vector<64x10240xf32>
    %dot_general3A_42 = arith.constant dense<0.000000e+00> : vector<64x128xf32>
    %dot_general3A_43 = tpu.matmul %convert_element_type3A_41, %add3A_36, %dot_general3A_42 {dimension_numbers = #tpu.dot_dimension_numbers<[1], [0], [0], [1], [0, 0, 1, 1], [], []>, transpose_lhs_hint = false} : vector<64x10240xf32>, vector<10240x128xf32>, vector<64x128xf32> -> vector<64x128xf32>
    %reduce_sum3A = arith.constant dense<0.000000e+00> : vector<64xf32>
    %reduce_sum3A_44 = vector.multi_reduction <add>, %convert_element_type3A_41, %reduce_sum3A [1] : vector<64x10240xf32> to vector<64xf32>
    %broadcast_in_dim3A = vector.shape_cast %reduce_sum3A_44 : vector<64xf32> to vector<64x1xf32>
    %max3A_45 = arith.constant 1.000000e+00 : f32
    %max3A_46 = vector.broadcast %max3A_45 : f32 to vector<64x1xf32>
    %max3A_47 = arith.maximumf %broadcast_in_dim3A, %max3A_46 : vector<64x1xf32>
    %div3A = vector.broadcast %max3A_47 : vector<64x1xf32> to vector<64x128xf32>
    %div3A_48 = arith.divf %dot_general3A_43, %div3A : vector<64x128xf32>
    %get3A_49 = arith.constant 0 : index
    %get3A_50 = arith.constant 0 : index
    %get3A_51 = vector.load %arg8[%get3A_49, %get3A_50] : memref<128x1xf32, #tpu.memory_space<vmem>>, vector<128x1xf32>
    %dot_general3A_52 = arith.constant dense<0.000000e+00> : vector<64x1xf32>
    %dot_general3A_53 = tpu.matmul %div3A_48, %get3A_51, %dot_general3A_52 {dimension_numbers = #tpu.dot_dimension_numbers<[1], [0], [0], [1], [0, 0, 1, 1], [], []>, transpose_lhs_hint = false} : vector<64x128xf32>, vector<128x1xf32>, vector<64x1xf32> -> vector<64x1xf32>
    %swap3A = arith.constant 0 : index
    %swap3A_54 = arith.constant 0 : index
    %swap3A_55 = vector.load %arg9[%swap3A, %swap3A_54] : memref<64x1xf32, #tpu.memory_space<vmem>>, vector<64x1xf32>
    tpu.vector_store %arg9[%swap3A, %swap3A_54], %dot_general3A_53 {strides = array<i32>} : memref<64x1xf32, #tpu.memory_space<vmem>>, vector<64x1xf32>,
    return
  }
}

</mosaic_0001>

<sc_bundles>
// kernel: kernel.10.cloned.1.call-start
scs
__scs_entry_jumppad:
0x0: {  	(pc) =	sbr.rel $0x88, $3  }
0x1: {  	(tag) =	ssettag $0x0;
	lr =	simm.s32 $0x1  }
0x2: {  	[smem:$0x3F8A] =	sst lr;
	_ =	strace $0xD0000000  }
0x3: {  	_ = 	snop  }
0x4: {  	_ = 	snop  }
0x5: {  	_ = 	snop  }
0x6: {  	_ = 	snop  }
0x7: {  	_ = 	snop  }
__scs_overlays_trampoline_lowered:
0x8: {  	[smem:$0x3F99] =	sst s0  }
0x9: {  	[smem:$0x3F9A] =	sst s1  }
0xa: {  	[smem:$0x3F9B] =	sst s2  }
0xb: {  	[smem:$0x3F9C] =	sst s3  }
0xc: {  	[smem:$0x3F9D] =	sst s4  }
0xd: {  	[smem:$0x3F9E] =	sst s5  }
0xe: {  	[smem:$0x3F9F] =	sst s6  }
0xf: {  	[smem:$0x3FA0] =	sst s7  }
0x10: {  	[smem:$0x3FA1] =	sst s8  }
0x11: {  	[smem:$0x3FA2] =	sst s9;
	s0 =	simm.s32 @!p0 $0x0  }
0x12: {  	s1 =	sld [smem:$0x3F88];
	s0 =	simm.s32 @p0 $0x1  }
0x13: {  	[smem:$0x3FA3] =	sst s0;
	s0 =	simm.s32 @!p1 $0x0  }
0x14: {  	s2 =	sld [smem:$0x3F87];
	s0 =	simm.s32 @p1 $0x1  }
0x15: {  	[smem:$0x3FA4] =	sst s0;
	s0 =	simm.s32 @!p2 $0x0  }
0x16: {  	s3 =	sld [smem:$0x3FDB];
	s0 =	simm.s32 @p2 $0x1  }
0x17: {  	s4 =	simm.s32 $0x1BF5;
	[smem:$0x3FA6] =	sst s0  }
0x18: {  	s0 =	sld [smem:$0x3F89];
	_ =	swait.ge [sflag:s4], $0x0  }
0x19: {  	s7 =	sld [smem:$0x3F8A]  }
0x1a: {  	s8 =	sadd.s32 $0xFFFFE003, lr  }
0x1b: {  	s9 =	sadd.s32 $0xFFFFFEF7, lr;
	s5 =	simm.s32 $0xFFFFFFFF;
	p2 =	slt.u32 s8, $0xFFFFF086  }
0x1c: {  	p1 =	slt.u32 s9, $0xF7A;
	s5 =	simm.s32 @!p2 $0x0  }
0x1d: {  	s5 =	simm.s32 @p1 $0x1;
	p0 =	seq.s32 s7, s2  }
0x1e: {  	s7 =	smul.u32 @!p0 $0xF7A, s2;
	p2 =	seq.s32 @!p0 s5, $0x0  }
0x1f: {  	s9 =	smul.u32 $0xF7A, s1;
	s8 =	simm.s32 @!p0 $0x1BF5;
	p2 =	por !p2, p0  }
0x20: {  	[sflag:s8] =	ssyncset.s32 @!p0 $0xFFFFF086;
	s6 =	sadd.s32 @!p0 s3, s7;
	s7 =	simm.s32 @!p0 $0x108  }
0x21: {  	s3 =	sadd.s32 s3, s9;
	s6 =	sadd.s32 @!p0 $0x88, s6;
	s7 =	simm.s32 @p2 $0x1082  }
0x22: {  	[simem:s7], [sflag:s8] =	dma.local @!p0 [hbm:s6], $0xF7A  }
0x23: {  	s9 =	sor.u32 $0xD0000000, s2;
	s6 =	simm.s32 $0x108;
	_ =	swait.ge @!p0 [sflag:s8], $0x0  }
0x24: {  	s3 =	sadd.s32 $0x88, s3;
	s6 =	simm.s32 @!p1 $0x1082;
	[sflag:s4] =	ssyncset.s32 $0xFFFFF086  }
0x25: {  	[simem:s6], [sflag:s4] =	dma.local [hbm:s3], $0xF7A  }
0x26: {  	[smem:$0x3F8A] =	sst s1;
	(tag) =	ssettag s2;
	_ =	strace s9  }
0x27: {  	s1 =	sld [smem:$0x3F9A]  }
0x28: {  	s2 =	sld [smem:$0x3F9B]  }
0x29: {  	s4 =	sld [smem:$0x3F9D]  }
0x2a: {  	p0 =	seq.s32 s5, $0x0;
	s5 =	sld [smem:$0x3F9E]  }
0x2b: {  	s6 =	sld [smem:$0x3F9F]  }
0x2c: {  	s7 =	sld [smem:$0x3FA0]  }
0x2d: {  	s3 =	simm.s32 $0x108;
	s8 =	sld [smem:$0x3FA1]  }
0x2e: {  	s3 =	simm.s32 @!p0 $0x1082;
	s9 =	sld [smem:$0x3FA2]  }
0x2f: {  	lr =	sadd.s32 s0, s3;
	s0 =	sld [smem:$0x3F99]  }
0x30: {  	s3 =	sld [smem:$0x3F9C]  }
0x31: {  	[smem:$0x3FA5] =	sst s10  }
0x32: {  	s10 =	sld [smem:$0x3FA3];
	_ =	sdelay $0x3  }
0x33: {  	p0 =	seq.s32 s10, $0x1;
	s10 =	sld [smem:$0x3FA5];
	_ =	sdelay $0x3  }
0x34: {  	[smem:$0x3FA5] =	sst s10  }
0x35: {  	s10 =	sld [smem:$0x3FA4];
	_ =	sdelay $0x3  }
0x36: {  	p1 =	seq.s32 s10, $0x1;
	s10 =	sld [smem:$0x3FA5];
	_ =	sdelay $0x3  }
0x37: {  	[smem:$0x3FA5] =	sst s10  }
0x38: {  	s10 =	sld [smem:$0x3FA6]  }
0x39: {  	_ = 	snop;
	(pc) =	sbr.ind lr, $3  }
0x3a: {  	_ = 	snop  }
0x3b: {  	_ = 	snop  }
0x3c: {  	p2 =	seq.s32 s10, $0x1;
	s10 =	sld [smem:$0x3FA5]  }
0x3d: {  	_ =	shalt  }
0x3e: {  	_ =	shalt  }
0x3f: {  	_ =	shalt  }
0x40: {  	_ =	shalt  }
0x41: {  	_ =	shalt  }
0x42: {  	_ =	shalt  }
0x43: {  	_ =	shalt  }
0x44: {  	_ =	shalt  }
0x45: {  	_ =	shalt  }
0x46: {  	_ =	shalt  }
0x47: {  	_ =	shalt  }
0x48: {  	_ =	shalt  }
0x49: {  	_ =	shalt  }
0x4a: {  	_ =	shalt  }
0x4b: {  	_ =	shalt  }
0x4c: {  	_ =	shalt  }
0x4d: {  	_ =	shalt  }
0x4e: {  	_ =	shalt  }
0x4f: {  	_ =	shalt  }
0x50: {  	_ =	shalt  }
0x51: {  	_ =	shalt  }
0x52: {  	_ =	shalt  }
0x53: {  	_ =	shalt  }
0x54: {  	_ =	shalt  }
0x55: {  	_ =	shalt  }
0x56: {  	_ =	shalt  }
0x57: {  	_ =	shalt  }
0x58: {  	_ =	shalt  }
0x59: {  	_ =	shalt  }
0x5a: {  	_ =	shalt  }
0x5b: {  	_ =	shalt  }
0x5c: {  	_ =	shalt  }
0x5d: {  	_ =	shalt  }
0x5e: {  	_ =	shalt  }
0x5f: {  	_ =	shalt  }
0x60: {  	_ =	shalt  }
0x61: {  	_ =	shalt  }
0x62: {  	_ =	shalt  }
0x63: {  	_ =	shalt  }
0x64: {  	_ =	shalt  }
0x65: {  	_ =	shalt  }
0x66: {  	_ =	shalt  }
0x67: {  	_ =	shalt  }
0x68: {  	_ =	shalt  }
0x69: {  	_ =	shalt  }
0x6a: {  	_ =	shalt  }
0x6b: {  	_ =	shalt  }
0x6c: {  	_ =	shalt  }
0x6d: {  	_ =	shalt  }
0x6e: {  	_ =	shalt  }
0x6f: {  	_ =	shalt  }
0x70: {  	_ =	shalt  }
0x71: {  	_ =	shalt  }
0x72: {  	_ =	shalt  }
0x73: {  	_ =	shalt  }
0x74: {  	_ =	shalt  }
0x75: {  	_ =	shalt  }
0x76: {  	_ =	shalt  }
0x77: {  	_ =	shalt  }
0x78: {  	_ =	shalt  }
0x79: {  	_ =	shalt  }
0x7a: {  	_ =	shalt  }
0x7b: {  	_ =	shalt  }
0x7c: {  	_ =	shalt  }
0x7d: {  	_ =	shalt  }
0x7e: {  	_ =	shalt  }
0x7f: {  	_ =	shalt  }
0x80: {  	_ =	shalt  }
0x81: {  	_ =	shalt  }
0x82: {  	_ =	shalt  }
0x83: {  	_ =	shalt  }
0x84: {  	_ =	shalt  }
0x85: {  	_ =	shalt  }
0x86: {  	_ =	shalt  }
0x87: {  	_ =	shalt  }
.Lfunc_end0:
.L_simem_size_0:
called_computation_lowered:
.L_overlay_start_0:
0x88: {  	s2 =	sld [smem:$0x3FD9]  }
0x89: {  	s3 =	sld [smem:$0x3FFE];
	_ =	sdelay $0x1  }
0x8a: {  	s1 =	srdreg.scid  }
0x8b: {  	s0 =	sand.u32 $0x1, s1  }
0x8c: {  	s16 =	sshll.u32 s0, $0xA;
	s2 =	sadd.s32 s3, s2  }
0x8d: {  	s2 =	sadd.s32 s2, s16  }
0x8e: {  	[smem:$0x3FB1] =	sst s2  }
0x8f: {  	_ = 	snop  }
0x90: {  	(tm) =	ssettm $0x1  }
0x91: {  	s17 =	sld [smem:$0x3FFB];
	_ =	sdelay $0x3  }
0x92: {  	_ =	strace s17  }
0x93: {  	s2 =	sld [smem:$0x3FFC];
	_ =	sdelay $0x3  }
0x94: {  	_ =	strace s2  }
0x95: {  	s2 =	sld [smem:$0x3FFD];
	_ =	sdelay $0x3  }
0x96: {  	_ =	strace s2  }
0x97: {  	_ =	strace $0x8FFFFFFF  }
0x98: {  	s18 =	sld [smem:$0x3FDB];
	_ =	sdelay $0x1  }
0x99: {  	s19 =	simm.s32 $_scs_section_size  }
0x9a: {  	s4 =	simm.s32 $_size__tile_overlayer_lowered;
	s5 =	simm.s32 $_tile_overlayer_lowered  }
0x9b: {  	s22 =	simm.s32 $0x1BFF;
	s21 =	sshll.u32 s5, $0x1;
	s2 =	sadd.s32 s19, s18  }
0x9c: {  	s6 =	simm.s32 $0x0;
	s20 =	sshll.u32 s4, $0x1;
	s4 =	sadd.s32 s21, s2  }
0x9d: {  	[timem:s6], [sflag:s22] =	dma.local [hbm:s4], s20  }
0x9e: {  	_ =	swait.ge [sflag:s22], s20  }
0x9f: {  	s3 =	ssub.s32 $0x0, s20;
	[sflag:s22] =	ssyncset.done $0x0  }
0xa0: {  	[sflag:s22] =	ssyncadd.s32 s3;
	_ =	sdelay $0x1  }
0xa1: {  	s23 =	simm.s32 $0x1B8B  }
0xa2: {  	_ =	swait.ge [sflag:s23], $0x1  }
0xa3: {  	[sflag:s23] =	ssyncset.done $0x0  }
0xa4: {  	s25 =	simm.s32 $0x1B8E;
	s24 =	sld [smem:$0x3FFE];
	[sflag:s23] =	ssyncadd.s32 $0xFFFFFFFF  }
0xa5: {  	s26 =	simm.s32 $execute0_lowered;
	[smem:$0x3FD2] =	sst s25  }
0xa6: {  	s4 =	sshll.u32 s26, $0x1;
	_ =	strace $0x80000046;
	[dreg:$0x1] =	wrdreg $0xFFFFFFFF  }
0xa7: {  	s28 =	simm.s32 $_size_execute0_lowered;
	s2 =	sadd.s32 s2, s4;
	[dreg:$0x0] =	wrdreg $0x0  }
0xa8: {  	s4 =	sshll.u32 s28, $0x1;
	[dreg:$0x2] =	wrdreg s2  }
0xa9: {  	[dreg:$0x3] =	wrdreg s4  }
0xaa: {  	[dreg:$0x4] =	wrdreg $0xC0  }
0xab: {  	_ =	task [dreg:s6], $0x5FFFF  }
0xac: {  	[dreg:$0x1] =	wrdreg $0xFFFFFFFF  }
0xad: {  	[dreg:$0x0] =	wrdreg $0x60  }
0xae: {  	[dreg:$0x2] =	wrdreg s24  }
0xaf: {  	[dreg:$0x3] =	wrdreg $0x35800  }
0xb0: {  	[dreg:$0x4] =	wrdreg $0x9  }
0xb1: {  	_ =	task.clear_ibuf [dreg:s6], $0x5FFFF;
	_ =	strace $0x90000046  }
0xb2: {  	s29 =	simm.s32 $0x9;
	_ =	strace $0x80000048  }
0xb3: {  	_ =	swait.ge [sflag:s29], $0x1  }
0xb4: {  	[sflag:s29] =	ssyncadd.s32 $0xFFFFFFFF  }
0xb5: {  	_ =	strace $0x90000048  }
0xb6: {  	_ =	sfence  }
0xb7: {  	s30 =	sld [smem:$0x0];
	_ =	sdelay $0x2  }
0xb8: {  	s31 =	sshll.u32 s1, $0xD;
	s1 =	sshrl.u32 s1, $0x2  }
0xb9: {  	s3 =	sand.u32 $0x4000, s31;
	s1 =	sadd.s32 s1, s30  }
0xba: {  	s0 =	sor.u32 s3, s0;
	s1 =	sshll.u32 s1, $0x11  }
0xbb: {  	s0 =	sor.u32 s1, s0  }
0xbc: {  	s0 =	sadd.s32 $0x8F2B, s0  }
0xbd: {  	[sflag:s0] =	ssyncadd.remote.s32 $0x1  }
0xbe: {  	_ =	sfence.sel $0xFFFF  }
0xbf: {  	[dreg:$0x0] =	wrdreg $0xFFFFFFFF;
	(pc) =	sbr.abs _section_cstart, $3  }
0xc0: {  	[dreg:$0x1] =	wrdreg $0xFFFFFFFF  }
0xc1: {  	_ =	task.clear_ibuf [dreg:s6], $0x2FFFF;
	_ =	strace $0x9FFFFFFF  }
0xc2: {  	(tm) =	ssettm $0x7FFFFFFF  }
0xc3: {  	_ =	shalt  }
tec
execute0_lowered:
.L_overlay_start_1:
0x0: {  	(tag) =	ssettag $0x1  }
0x1: {  	s0 =	srdreg.scid  }
0x2: {  	s15 =	stileid.u32;
	s3 =	rddreg [dreg:$0x0]  }
0x3: {  	s2 =	simm.s32 $0x0;
	s0 =	sand.u32 $0x1, s0;
	s5 =	smul.u32 $0x2800, s15  }
0x4: {  	[smem:$0x7FF] =	sst s2;
	s22 =	smul.u32 $0xA000, s15;
	s1 =	sshll.u32 s0, $0x4  }
0x5: {  	s6 =	smul.u32 $0x28000, s0;
	s0 =	ssub.s32 $0x2, s0;
	s1 =	sor.u32 s15, s1  }
0x6: {  	s7 =	sshrl.u32 s0, $0x1;
	s9 =	sor.u32 $0x400, s5;
	s24 =	sadd.s32 $0x1C00, s5  }
0x7: {  	s25 =	sadd.s32 $0x2000, s5;
	s26 =	sadd.s32 $0x2400, s5;
	s23 =	sshrl.u32 s22, $0x2  }
0x8: {  	s4 =	smul.u32 $0x530, s1;
	s1 =	rddreg [dreg:$0x1];
	s8 =	sadd.s32 s6, s5  }
0x9: {  	s0 =	ssub.s32 s0, s7;
	s10 =	sadd.s32 s6, s9;
	s19 =	sadd.s32 s6, s24  }
0xa: {  	s21 =	sadd.s32 s6, s25;
	s8 =	sshrl.u32 s8, $0x3;
	s11 =	sshrl.u32 s10, $0x3  }
0xb: {  	s10 =	sadd.s32 $0xC00, s5;
	s20 =	sshrl.u32 s19, $0x3;
	s24 =	sadd.s32 s24, s1  }
0xc: {  	s25 =	sadd.s32 s25, s1;
	s4 =	sadd.s32 s4, s3;
	s3 =	sadd.s32 $0xEA00, s3  }
0xd: {  	s7 =	sadd.s32 s3, s8;
	s8 =	sadd.s32 $0x800, s5;
	s15 =	sadd.s32 $0x4400, s4  }
0xe: {  	[dreg:$0x3] =	wrdreg s7;
	s7 =	sadd.s32 s3, s11;
	s12 =	sadd.s32 s6, s8  }
0xf: {  	s11 =	sadd.s32 s6, s10;
	s19 =	sadd.s32 s8, s1;
	s8 =	simm.s32 $0x80  }
0x10: {  	[dreg:$0x4] =	wrdreg s7;
	s7 =	sshrl.u32 s12, $0x3;
	s12 =	sadd.s32 $0x1000, s5  }
0x11: {  	s13 =	sshrl.u32 s11, $0x3;
	s11 =	sadd.s32 $0x1400, s5;
	s7 =	sadd.s32 s3, s7  }
0x12: {  	s14 =	sadd.s32 s6, s12;
	s17 =	sadd.s32 s6, s11;
	s22 =	sadd.s32 s11, s1  }
0x13: {  	[dreg:$0x5] =	wrdreg s7;
	s7 =	sadd.s32 s3, s13;
	s16 =	sshrl.u32 s14, $0x3  }
0x14: {  	s13 =	sadd.s32 $0x1800, s5;
	[dreg:$0x6] =	wrdreg s7;
	s7 =	sadd.s32 s3, s16  }
0x15: {  	s14 =	sadd.s32 s6, s13;
	s6 =	sadd.s32 s6, s26;
	s16 =	sadd.s32 s5, s1  }
0x16: {  	s26 =	sadd.s32 s26, s1;
	[dreg:$0x7] =	wrdreg s7;
	s7 =	sshrl.u32 s17, $0x3  }
0x17: {  	s18 =	sshrl.u32 s14, $0x3;
	s6 =	sshrl.u32 s6, $0x3;
	s14 =	sadd.s32 s23, s1  }
0x18: {  	s17 =	smax.u32 s0, $0x1;
	s23 =	sadd.s32 s13, s1;
	s7 =	sadd.s32 s3, s7  }
0x19: {  	s28 =	sadd.s32 $0x400, s14;
	s29 =	sadd.s32 $0x800, s14;
	s30 =	sadd.s32 $0xC00, s14  }
0x1a: {  	s31 =	sadd.s32 $0x1000, s14;
	s11 =	sadd.s32 $0x1400, s14;
	s0 =	sadd.s32 $0x1800, s14  }
0x1b: {  	s4 =	sadd.s32 $0x2000, s14;
	[dreg:$0x8] =	wrdreg s7;
	s7 =	sadd.s32 s3, s18  }
0x1c: {  	s5 =	sadd.s32 $0x2400, s14;
	[dreg:$0x9] =	wrdreg s7;
	s7 =	sadd.s32 s3, s20  }
0x1d: {  	s18 =	sadd.s32 s9, s1;
	[dreg:$0xa] =	wrdreg s7;
	s7 =	sshrl.u32 s21, $0x3  }
0x1e: {  	s9 =	simm.s32 $0x2980;
	s20 =	sadd.s32 s10, s1;
	s7 =	sadd.s32 s3, s7  }
0x1f: {  	s10 =	simm.s32 $0x0;
	s3 =	sadd.s32 s3, s6;
	[dreg:$0xb] =	wrdreg s7  }
0x20: {  	s21 =	sadd.s32 s12, s1;
	s6 =	simm.s32 $0x3180;
	[dreg:$0xc] =	wrdreg s3  }
0x21: {  	v0 =	vimm.f32 $1.000000000e+00;
	v1 =	vimm.f32 $0.0e+00;
	s3 =	sadd.s32 $0x1C00, s14;
	s7 =	simm.s32 $0x1;
	_ =	strace $0x80000047  }
.LBB2_1:
0x22: {  	s12 =	simm.s32 $0x0  }
.LBB2_2:
0x23: {  	p0 =	sne.s32 s12, $0x1FC0  }
.Ltmp0:
0x24: {  	_ = 	snop;
	(pc) =	sbr.rel @p0 .LBB2_2-.Ltmp0, $3  }
0x25: {  	_ =	sdelay $0x1  }
0x26: {  	s13 =	sshra.s32 s12, $0x2  }
0x27: {  	s12 =	sadd.s32 $0x40, s12;
	[tilespmem:s13+$0x2980] =	vst v0  }
0x28: {  	s12 =	simm.s32 $0x40;
	s13 =	simm.s32 $0x0  }
.LBB2_4:
0x29: {  	p0 =	sne.s32 s12, $0xFC0;
	[tilespmem:s13+$0x3180] =	vst v1;
	s13 =	smov.u32 s12;
	s12 =	sadd.s32 $0x40, s12  }
.Ltmp1:
0x2a: {  	(pc) =	sbr.rel @p0 .LBB2_4-.Ltmp1, $2  }
0x2b: {  	_ =	sdelay $0x2  }
0x2c: {  	s13 =	sshra.s32 s13, $0x2  }
0x2d: {  	[tilespmem:s13+$0x3180] =	vst v1  }
0x2e: {  	[spmem:s14] =	stream.linear.scatter [tilespmem:s6], [sflag:$0x1], $0x400, $0x38;
	[tilespmem:$0x5D80] =	vst v63  }
0x2f: {  	_ =	swait.ge [sflag:s7], $0x400  }
0x30: {  	[sflag:s7] =	ssyncset.done $0x0  }
0x31: {  	[sflag:s7] =	ssyncadd.s32 $0xFFFFFC00  }
0x32: {  	[spmem:s28] =	stream.linear.scatter [tilespmem:s6], [sflag:$0x1], $0x400, $0x38;
	[tilespmem:$0x5D80] =	vst v63  }
0x33: {  	_ =	swait.ge [sflag:s7], $0x400  }
0x34: {  	[sflag:s7] =	ssyncset.done $0x0  }
0x35: {  	[sflag:s7] =	ssyncadd.s32 $0xFFFFFC00  }
0x36: {  	[spmem:s29] =	stream.linear.scatter [tilespmem:s6], [sflag:$0x1], $0x400, $0x38;
	[tilespmem:$0x5D80] =	vst v63  }
0x37: {  	_ =	swait.ge [sflag:s7], $0x400  }
0x38: {  	[sflag:s7] =	ssyncset.done $0x0  }
0x39: {  	[sflag:s7] =	ssyncadd.s32 $0xFFFFFC00  }
0x3a: {  	[spmem:s30] =	stream.linear.scatter [tilespmem:s6], [sflag:$0x1], $0x400, $0x38;
	[tilespmem:$0x5D80] =	vst v63  }
0x3b: {  	_ =	swait.ge [sflag:s7], $0x400  }
0x3c: {  	[sflag:s7] =	ssyncset.done $0x0  }
0x3d: {  	[sflag:s7] =	ssyncadd.s32 $0xFFFFFC00  }
0x3e: {  	[spmem:s31] =	stream.linear.scatter [tilespmem:s6], [sflag:$0x1], $0x400, $0x38;
	[tilespmem:$0x5D80] =	vst v63  }
0x3f: {  	_ =	swait.ge [sflag:s7], $0x400  }
0x40: {  	[sflag:s7] =	ssyncset.done $0x0  }
0x41: {  	[sflag:s7] =	ssyncadd.s32 $0xFFFFFC00  }
0x42: {  	[spmem:s11] =	stream.linear.scatter [tilespmem:s6], [sflag:$0x1], $0x400, $0x38;
	[tilespmem:$0x5D80] =	vst v63  }
0x43: {  	_ =	swait.ge [sflag:s7], $0x400  }
0x44: {  	[sflag:s7] =	ssyncset.done $0x0  }
0x45: {  	[sflag:s7] =	ssyncadd.s32 $0xFFFFFC00  }
0x46: {  	[spmem:s0] =	stream.linear.scatter [tilespmem:s6], [sflag:$0x1], $0x400, $0x38;
	[tilespmem:$0x5D80] =	vst v63  }
0x47: {  	_ =	swait.ge [sflag:s7], $0x400  }
0x48: {  	[sflag:s7] =	ssyncset.done $0x0  }
0x49: {  	[sflag:s7] =	ssyncadd.s32 $0xFFFFFC00  }
0x4a: {  	[spmem:s3] =	stream.linear.scatter [tilespmem:s6], [sflag:$0x1], $0x400, $0x38;
	[tilespmem:$0x5D80] =	vst v63  }
0x4b: {  	_ =	swait.ge [sflag:s7], $0x400  }
0x4c: {  	[sflag:s7] =	ssyncset.done $0x0  }
0x4d: {  	[sflag:s7] =	ssyncadd.s32 $0xFFFFFC00  }
0x4e: {  	[spmem:s4] =	stream.linear.scatter [tilespmem:s6], [sflag:$0x1], $0x400, $0x38;
	[tilespmem:$0x5D80] =	vst v63  }
0x4f: {  	_ =	swait.ge [sflag:s7], $0x400  }
0x50: {  	[sflag:s7] =	ssyncset.done $0x0  }
0x51: {  	[sflag:s7] =	ssyncadd.s32 $0xFFFFFC00  }
0x52: {  	[spmem:s5] =	stream.linear.scatter [tilespmem:s6], [sflag:$0x1], $0x400, $0x38;
	[tilespmem:$0x5D80] =	vst v63  }
0x53: {  	_ =	swait.ge [sflag:s7], $0x400  }
0x54: {  	[sflag:s7] =	ssyncset.done $0x0  }
0x55: {  	s12 =	simm.s32 $0x0;
	[sflag:s7] =	ssyncadd.s32 $0xFFFFFC00  }
0x56: {  	[tilespmem:s12], [sflag:$0x1] =	stream.linear.gather [hbm4b:s15+s12], $0x2980, $0x38;
	[tilespmem:$0x5D80] =	vst v63  }
0x57: {  	_ =	swait.ge [sflag:s7], $0x2980  }
0x58: {  	[sflag:s7] =	ssyncset.done $0x0  }
0x59: {  	[sflag:s7] =	ssyncadd.s32 $0xFFFFD680  }
0x5a: {  	s13 =	simm.s32 $0x0;
	[bflag:$0x0] =	sbarrier.arrive $0xFFFF  }
0x5b: {  	[spmem:s1] =	stream.indirect.scatter.add.f32 [tilespmem:s9], [sflag:$0x1], $0x10, s13, s8, $0xb8;
	[tilespmem:$0x5D80] =	vst v63  }
0x5c: {  	_ =	swait.ge [sflag:s7], $0x800  }
0x5d: {  	s12 =	simm.s32 $0x200;
	[sflag:s7] =	ssyncset.done $0x0  }
.LBB2_6:
0x5e: {  	s13 =	sshra.s32 s12, $0x2;
	[sflag:s7] =	ssyncadd.s32 $0xFFFFF800;
	p0 =	sne.s32 s12, $0xA000  }
0x5f: {  	[spmem:s1] =	stream.indirect.scatter.add.f32 [tilespmem:s9], [sflag:$0x1], $0x10, s13, s8, $0xb8;
	[tilespmem:$0x5D80] =	vst v63  }
.Ltmp2:
0x60: {  	_ = 	snop;
	(pc) =	sbr.rel @p0 .LBB2_6-.Ltmp2, $4  }
0x61: {  	_ = 	snop  }
0x62: {  	s12 =	sadd.s32 $0x200, s12  }
0x63: {  	_ =	swait.ge [sflag:s7], $0x800  }
0x64: {  	[sflag:s7] =	ssyncset.done $0x0  }
0x65: {  	[sflag:s7] =	ssyncadd.s32 $0xFFFFF800  }
0x66: {  	[bflag:$0x0] =	sbarrier.arrive $0xFFFF  }
0x67: {  	[tilespmem:s6], [sflag:$0x1] =	stream.linear.gather [spmem:s16], $0x400, $0x38;
	[tilespmem:$0x5D80] =	vst v63  }
0x68: {  	_ =	swait.ge [sflag:s7], $0x400  }
0x69: {  	[sflag:s7] =	ssyncset.done $0x0  }
0x6a: {  	s12 =	rddreg [dreg:$0x3];
	[sflag:s7] =	ssyncadd.s32 $0xFFFFFC00  }
0x6b: {  	[hbm4b:s12+s2] =	stream.linear.scatter [tilespmem:s6], [sflag:$0x1], $0x400, $0x38;
	[tilespmem:$0x5D80] =	vst v63  }
0x6c: {  	_ =	swait.ge [sflag:s7], $0x400  }
0x6d: {  	[sflag:s7] =	ssyncset.done $0x0  }
0x6e: {  	[sflag:s7] =	ssyncadd.s32 $0xFFFFFC00  }
0x6f: {  	[tilespmem:s6], [sflag:$0x1] =	stream.linear.gather [spmem:s18], $0x400, $0x38;
	[tilespmem:$0x5D80] =	vst v63  }
0x70: {  	_ =	swait.ge [sflag:s7], $0x400  }
0x71: {  	[sflag:s7] =	ssyncset.done $0x0  }
0x72: {  	s13 =	rddreg [dreg:$0x4];
	[sflag:s7] =	ssyncadd.s32 $0xFFFFFC00  }
0x73: {  	[hbm4b:s13+s2] =	stream.linear.scatter [tilespmem:s6], [sflag:$0x1], $0x400, $0x38;
	[tilespmem:$0x5D80] =	vst v63  }
0x74: {  	_ =	swait.ge [sflag:s7], $0x400  }
0x75: {  	[sflag:s7] =	ssyncset.done $0x0  }
0x76: {  	[sflag:s7] =	ssyncadd.s32 $0xFFFFFC00  }
0x77: {  	[tilespmem:s6], [sflag:$0x1] =	stream.linear.gather [spmem:s19], $0x400, $0x38;
	[tilespmem:$0x5D80] =	vst v63  }
0x78: {  	_ =	swait.ge [sflag:s7], $0x400  }
0x79: {  	[sflag:s7] =	ssyncset.done $0x0  }
0x7a: {  	s13 =	rddreg [dreg:$0x5];
	[sflag:s7] =	ssyncadd.s32 $0xFFFFFC00  }
0x7b: {  	[hbm4b:s13+s2] =	stream.linear.scatter [tilespmem:s6], [sflag:$0x1], $0x400, $0x38;
	[tilespmem:$0x5D80] =	vst v63  }
0x7c: {  	_ =	swait.ge [sflag:s7], $0x400  }
0x7d: {  	[sflag:s7] =	ssyncset.done $0x0  }
0x7e: {  	[sflag:s7] =	ssyncadd.s32 $0xFFFFFC00  }
0x7f: {  	[tilespmem:s6], [sflag:$0x1] =	stream.linear.gather [spmem:s20], $0x400, $0x38;
	[tilespmem:$0x5D80] =	vst v63  }
0x80: {  	_ =	swait.ge [sflag:s7], $0x400  }
0x81: {  	[sflag:s7] =	ssyncset.done $0x0  }
0x82: {  	s13 =	rddreg [dreg:$0x6];
	[sflag:s7] =	ssyncadd.s32 $0xFFFFFC00  }
0x83: {  	[hbm4b:s13+s2] =	stream.linear.scatter [tilespmem:s6], [sflag:$0x1], $0x400, $0x38;
	[tilespmem:$0x5D80] =	vst v63  }
0x84: {  	_ =	swait.ge [sflag:s7], $0x400  }
0x85: {  	[sflag:s7] =	ssyncset.done $0x0  }
0x86: {  	[sflag:s7] =	ssyncadd.s32 $0xFFFFFC00  }
0x87: {  	[tilespmem:s6], [sflag:$0x1] =	stream.linear.gather [spmem:s21], $0x400, $0x38;
	[tilespmem:$0x5D80] =	vst v63  }
0x88: {  	_ =	swait.ge [sflag:s7], $0x400  }
0x89: {  	[sflag:s7] =	ssyncset.done $0x0  }
0x8a: {  	s13 =	rddreg [dreg:$0x7];
	[sflag:s7] =	ssyncadd.s32 $0xFFFFFC00  }
0x8b: {  	[hbm4b:s13+s2] =	stream.linear.scatter [tilespmem:s6], [sflag:$0x1], $0x400, $0x38;
	[tilespmem:$0x5D80] =	vst v63  }
0x8c: {  	_ =	swait.ge [sflag:s7], $0x400  }
0x8d: {  	[sflag:s7] =	ssyncset.done $0x0  }
0x8e: {  	[sflag:s7] =	ssyncadd.s32 $0xFFFFFC00  }
0x8f: {  	[tilespmem:s6], [sflag:$0x1] =	stream.linear.gather [spmem:s22], $0x400, $0x38;
	[tilespmem:$0x5D80] =	vst v63  }
0x90: {  	_ =	swait.ge [sflag:s7], $0x400  }
0x91: {  	[sflag:s7] =	ssyncset.done $0x0  }
0x92: {  	s13 =	rddreg [dreg:$0x8];
	[sflag:s7] =	ssyncadd.s32 $0xFFFFFC00  }
0x93: {  	[hbm4b:s13+s2] =	stream.linear.scatter [tilespmem:s6], [sflag:$0x1], $0x400, $0x38;
	[tilespmem:$0x5D80] =	vst v63  }
0x94: {  	_ =	swait.ge [sflag:s7], $0x400  }
0x95: {  	[sflag:s7] =	ssyncset.done $0x0  }
0x96: {  	[sflag:s7] =	ssyncadd.s32 $0xFFFFFC00  }
0x97: {  	[tilespmem:s6], [sflag:$0x1] =	stream.linear.gather [spmem:s23], $0x400, $0x38;
	[tilespmem:$0x5D80] =	vst v63  }
0x98: {  	_ =	swait.ge [sflag:s7], $0x400  }
0x99: {  	[sflag:s7] =	ssyncset.done $0x0  }
0x9a: {  	s13 =	rddreg [dreg:$0x9];
	[sflag:s7] =	ssyncadd.s32 $0xFFFFFC00  }
0x9b: {  	[hbm4b:s13+s2] =	stream.linear.scatter [tilespmem:s6], [sflag:$0x1], $0x400, $0x38;
	[tilespmem:$0x5D80] =	vst v63  }
0x9c: {  	_ =	swait.ge [sflag:s7], $0x400  }
0x9d: {  	[sflag:s7] =	ssyncset.done $0x0  }
0x9e: {  	[sflag:s7] =	ssyncadd.s32 $0xFFFFFC00  }
0x9f: {  	[tilespmem:s6], [sflag:$0x1] =	stream.linear.gather [spmem:s24], $0x400, $0x38;
	[tilespmem:$0x5D80] =	vst v63  }
0xa0: {  	_ =	swait.ge [sflag:s7], $0x400  }
0xa1: {  	[sflag:s7] =	ssyncset.done $0x0  }
0xa2: {  	s13 =	rddreg [dreg:$0xa];
	[sflag:s7] =	ssyncadd.s32 $0xFFFFFC00  }
0xa3: {  	[hbm4b:s13+s2] =	stream.linear.scatter [tilespmem:s6], [sflag:$0x1], $0x400, $0x38;
	[tilespmem:$0x5D80] =	vst v63  }
0xa4: {  	_ =	swait.ge [sflag:s7], $0x400  }
0xa5: {  	[sflag:s7] =	ssyncset.done $0x0  }
0xa6: {  	[sflag:s7] =	ssyncadd.s32 $0xFFFFFC00  }
0xa7: {  	[tilespmem:s6], [sflag:$0x1] =	stream.linear.gather [spmem:s25], $0x400, $0x38;
	[tilespmem:$0x5D80] =	vst v63  }
0xa8: {  	_ =	swait.ge [sflag:s7], $0x400  }
0xa9: {  	[sflag:s7] =	ssyncset.done $0x0  }
0xaa: {  	s13 =	rddreg [dreg:$0xb];
	[sflag:s7] =	ssyncadd.s32 $0xFFFFFC00  }
0xab: {  	[hbm4b:s13+s2] =	stream.linear.scatter [tilespmem:s6], [sflag:$0x1], $0x400, $0x38;
	[tilespmem:$0x5D80] =	vst v63  }
0xac: {  	_ =	swait.ge [sflag:s7], $0x400  }
0xad: {  	[sflag:s7] =	ssyncset.done $0x0  }
0xae: {  	[sflag:s7] =	ssyncadd.s32 $0xFFFFFC00  }
0xaf: {  	[tilespmem:s6], [sflag:$0x1] =	stream.linear.gather [spmem:s26], $0x400, $0x38;
	[tilespmem:$0x5D80] =	vst v63  }
0xb0: {  	s10 =	sadd.s32 $0x1, s10;
	_ =	swait.ge [sflag:s7], $0x400  }
0xb1: {  	p0 =	sne.s32 s10, s17;
	[sflag:s7] =	ssyncset.done $0x0  }
.Ltmp3:
0xb2: {  	s13 =	rddreg [dreg:$0xc];
	[sflag:s7] =	ssyncadd.s32 $0xFFFFFC00;
	(pc) =	sbr.rel @p0 .LBB2_1-.Ltmp3, $4  }
0xb3: {  	[hbm4b:s13+s2] =	stream.linear.scatter [tilespmem:s6], [sflag:$0x1], $0x400, $0x38;
	[tilespmem:$0x5D80] =	vst v63  }
0xb4: {  	_ =	swait.ge [sflag:s7], $0x400  }
0xb5: {  	[sflag:s7] =	ssyncset.done $0x0  }
0xb6: {  	[sflag:s7] =	ssyncadd.s32 $0xFFFFFC00  }
0xb7: {  	_ =	sfence.sel $0x180000  }
0xb8: {  	[bflag:$0x0] =	sbarrier.arrive $0xFFFF  }
0xb9: {  	_ =	strace $0x90000047  }
0xba: {  	s0 =	stileid.u32;
	[bflag:$0x2] =	sbarrier.arrive $0xFFFF  }
0xbb: {  	p0 =	sne.s32 s0, $0x0;
	s0 =	rddreg [dreg:$0x2]  }
0xbc: {  	s0 =	sadd.s32 @!p0 $0x100000, s0  }
0xbd: {  	[sflag:s0] =	ssyncadd.tile.s32 @!p0 $0x1;
	_ =	shalt  }
.Lfunc_end2:
_tile_overlayer_lowered:
.L_overlay_start_2:
0xbe: {  	(tag) =	ssettag $0x2  }
0xbf: {  	s0 =	rddreg [dreg:$0x0];
	s2 =	stileid.u32  }
0xc0: {  	s1 =	rddreg [dreg:$0x1];
	p0 =	sne.s32 s2, $0x0  }
0xc1: {  	s3 =	rddreg [dreg:$0x2];
	[bflag:$0x3] =	sbarrier.arrive $0xFFFF;
	s2 =	simm.s32 @!p0 $0x1C01  }
0xc2: {  	[timem:s3], [sflag:s2] =	dma.local @!p0 [hbm:s0], s1  }
0xc3: {  	s0 =	simm.s32 @!p0 $0x1  }
0xc4: {  	_ =	swait.ge @!p0 [sflag:s0], s1  }
0xc5: {  	s1 =	ssub.s32 @!p0 $0x0, s1;
	[sflag:s0] =	ssyncset.done @!p0 $0x0  }
0xc6: {  	[sflag:s0] =	ssyncadd.s32 @!p0 s1  }
0xc7: {  	[bflag:$0x3] =	sbarrier.arrive $0xFFFF  }
0xc8: {  	_ =	shalt  }

// kernel: kernel.13.cloned.1.call-start
scs
__scs_entry_jumppad:
0x0: {  	(pc) =	sbr.rel $0x88, $3  }
0x1: {  	(tag) =	ssettag $0x0;
	lr =	simm.s32 $0x1  }
0x2: {  	[smem:$0x3F8A] =	sst lr;
	_ =	strace $0xD0000000  }
0x3: {  	_ = 	snop  }
0x4: {  	_ = 	snop  }
0x5: {  	_ = 	snop  }
0x6: {  	_ = 	snop  }
0x7: {  	_ = 	snop  }
__scs_overlays_trampoline_lowered:
0x8: {  	[smem:$0x3F99] =	sst s0  }
0x9: {  	[smem:$0x3F9A] =	sst s1  }
0xa: {  	[smem:$0x3F9B] =	sst s2  }
0xb: {  	[smem:$0x3F9C] =	sst s3  }
0xc: {  	[smem:$0x3F9D] =	sst s4  }
0xd: {  	[smem:$0x3F9E] =	sst s5  }
0xe: {  	[smem:$0x3F9F] =	sst s6  }
0xf: {  	[smem:$0x3FA0] =	sst s7  }
0x10: {  	[smem:$0x3FA1] =	sst s8  }
0x11: {  	[smem:$0x3FA2] =	sst s9;
	s0 =	simm.s32 @!p0 $0x0  }
0x12: {  	s1 =	sld [smem:$0x3F88];
	s0 =	simm.s32 @p0 $0x1  }
0x13: {  	[smem:$0x3FA3] =	sst s0;
	s0 =	simm.s32 @!p1 $0x0  }
0x14: {  	s2 =	sld [smem:$0x3F87];
	s0 =	simm.s32 @p1 $0x1  }
0x15: {  	[smem:$0x3FA4] =	sst s0;
	s0 =	simm.s32 @!p2 $0x0  }
0x16: {  	s3 =	sld [smem:$0x3FDB];
	s0 =	simm.s32 @p2 $0x1  }
0x17: {  	s4 =	simm.s32 $0x1BF5;
	[smem:$0x3FA6] =	sst s0  }
0x18: {  	s0 =	sld [smem:$0x3F89];
	_ =	swait.ge [sflag:s4], $0x0  }
0x19: {  	s7 =	sld [smem:$0x3F8A]  }
0x1a: {  	s8 =	sadd.s32 $0xFFFFE003, lr  }
0x1b: {  	s9 =	sadd.s32 $0xFFFFFEF7, lr;
	s5 =	simm.s32 $0xFFFFFFFF;
	p2 =	slt.u32 s8, $0xFFFFF086  }
0x1c: {  	p1 =	slt.u32 s9, $0xF7A;
	s5 =	simm.s32 @!p2 $0x0  }
0x1d: {  	s5 =	simm.s32 @p1 $0x1;
	p0 =	seq.s32 s7, s2  }
0x1e: {  	s7 =	smul.u32 @!p0 $0xF7A, s2;
	p2 =	seq.s32 @!p0 s5, $0x0  }
0x1f: {  	s9 =	smul.u32 $0xF7A, s1;
	s8 =	simm.s32 @!p0 $0x1BF5;
	p2 =	por !p2, p0  }
0x20: {  	[sflag:s8] =	ssyncset.s32 @!p0 $0xFFFFF086;
	s6 =	sadd.s32 @!p0 s3, s7;
	s7 =	simm.s32 @!p0 $0x108  }
0x21: {  	s3 =	sadd.s32 s3, s9;
	s6 =	sadd.s32 @!p0 $0x88, s6;
	s7 =	simm.s32 @p2 $0x1082  }
0x22: {  	[simem:s7], [sflag:s8] =	dma.local @!p0 [hbm:s6], $0xF7A  }
0x23: {  	s9 =	sor.u32 $0xD0000000, s2;
	s6 =	simm.s32 $0x108;
	_ =	swait.ge @!p0 [sflag:s8], $0x0  }
0x24: {  	s3 =	sadd.s32 $0x88, s3;
	s6 =	simm.s32 @!p1 $0x1082;
	[sflag:s4] =	ssyncset.s32 $0xFFFFF086  }
0x25: {  	[simem:s6], [sflag:s4] =	dma.local [hbm:s3], $0xF7A  }
0x26: {  	[smem:$0x3F8A] =	sst s1;
	(tag) =	ssettag s2;
	_ =	strace s9  }
0x27: {  	s1 =	sld [smem:$0x3F9A]  }
0x28: {  	s2 =	sld [smem:$0x3F9B]  }
0x29: {  	s4 =	sld [smem:$0x3F9D]  }
0x2a: {  	p0 =	seq.s32 s5, $0x0;
	s5 =	sld [smem:$0x3F9E]  }
0x2b: {  	s6 =	sld [smem:$0x3F9F]  }
0x2c: {  	s7 =	sld [smem:$0x3FA0]  }
0x2d: {  	s3 =	simm.s32 $0x108;
	s8 =	sld [smem:$0x3FA1]  }
0x2e: {  	s3 =	simm.s32 @!p0 $0x1082;
	s9 =	sld [smem:$0x3FA2]  }
0x2f: {  	lr =	sadd.s32 s0, s3;
	s0 =	sld [smem:$0x3F99]  }
0x30: {  	s3 =	sld [smem:$0x3F9C]  }
0x31: {  	[smem:$0x3FA5] =	sst s10  }
0x32: {  	s10 =	sld [smem:$0x3FA3];
	_ =	sdelay $0x3  }
0x33: {  	p0 =	seq.s32 s10, $0x1;
	s10 =	sld [smem:$0x3FA5];
	_ =	sdelay $0x3  }
0x34: {  	[smem:$0x3FA5] =	sst s10  }
0x35: {  	s10 =	sld [smem:$0x3FA4];
	_ =	sdelay $0x3  }
0x36: {  	p1 =	seq.s32 s10, $0x1;
	s10 =	sld [smem:$0x3FA5];
	_ =	sdelay $0x3  }
0x37: {  	[smem:$0x3FA5] =	sst s10  }
0x38: {  	s10 =	sld [smem:$0x3FA6]  }
0x39: {  	_ = 	snop;
	(pc) =	sbr.ind lr, $3  }
0x3a: {  	_ = 	snop  }
0x3b: {  	_ = 	snop  }
0x3c: {  	p2 =	seq.s32 s10, $0x1;
	s10 =	sld [smem:$0x3FA5]  }
0x3d: {  	_ =	shalt  }
0x3e: {  	_ =	shalt  }
0x3f: {  	_ =	shalt  }
0x40: {  	_ =	shalt  }
0x41: {  	_ =	shalt  }
0x42: {  	_ =	shalt  }
0x43: {  	_ =	shalt  }
0x44: {  	_ =	shalt  }
0x45: {  	_ =	shalt  }
0x46: {  	_ =	shalt  }
0x47: {  	_ =	shalt  }
0x48: {  	_ =	shalt  }
0x49: {  	_ =	shalt  }
0x4a: {  	_ =	shalt  }
0x4b: {  	_ =	shalt  }
0x4c: {  	_ =	shalt  }
0x4d: {  	_ =	shalt  }
0x4e: {  	_ =	shalt  }
0x4f: {  	_ =	shalt  }
0x50: {  	_ =	shalt  }
0x51: {  	_ =	shalt  }
0x52: {  	_ =	shalt  }
0x53: {  	_ =	shalt  }
0x54: {  	_ =	shalt  }
0x55: {  	_ =	shalt  }
0x56: {  	_ =	shalt  }
0x57: {  	_ =	shalt  }
0x58: {  	_ =	shalt  }
0x59: {  	_ =	shalt  }
0x5a: {  	_ =	shalt  }
0x5b: {  	_ =	shalt  }
0x5c: {  	_ =	shalt  }
0x5d: {  	_ =	shalt  }
0x5e: {  	_ =	shalt  }
0x5f: {  	_ =	shalt  }
0x60: {  	_ =	shalt  }
0x61: {  	_ =	shalt  }
0x62: {  	_ =	shalt  }
0x63: {  	_ =	shalt  }
0x64: {  	_ =	shalt  }
0x65: {  	_ =	shalt  }
0x66: {  	_ =	shalt  }
0x67: {  	_ =	shalt  }
0x68: {  	_ =	shalt  }
0x69: {  	_ =	shalt  }
0x6a: {  	_ =	shalt  }
0x6b: {  	_ =	shalt  }
0x6c: {  	_ =	shalt  }
0x6d: {  	_ =	shalt  }
0x6e: {  	_ =	shalt  }
0x6f: {  	_ =	shalt  }
0x70: {  	_ =	shalt  }
0x71: {  	_ =	shalt  }
0x72: {  	_ =	shalt  }
0x73: {  	_ =	shalt  }
0x74: {  	_ =	shalt  }
0x75: {  	_ =	shalt  }
0x76: {  	_ =	shalt  }
0x77: {  	_ =	shalt  }
0x78: {  	_ =	shalt  }
0x79: {  	_ =	shalt  }
0x7a: {  	_ =	shalt  }
0x7b: {  	_ =	shalt  }
0x7c: {  	_ =	shalt  }
0x7d: {  	_ =	shalt  }
0x7e: {  	_ =	shalt  }
0x7f: {  	_ =	shalt  }
0x80: {  	_ =	shalt  }
0x81: {  	_ =	shalt  }
0x82: {  	_ =	shalt  }
0x83: {  	_ =	shalt  }
0x84: {  	_ =	shalt  }
0x85: {  	_ =	shalt  }
0x86: {  	_ =	shalt  }
0x87: {  	_ =	shalt  }
.Lfunc_end0:
.L_simem_size_0:
called_computation.1_lowered:
.L_overlay_start_0:
0x88: {  	s2 =	sld [smem:$0x3FD9]  }
0x89: {  	s3 =	sld [smem:$0x3FFE];
	_ =	sdelay $0x1  }
0x8a: {  	s1 =	srdreg.scid  }
0x8b: {  	s0 =	sand.u32 $0x1, s1  }
0x8c: {  	s16 =	sshll.u32 s0, $0xA;
	s2 =	sadd.s32 s3, s2  }
0x8d: {  	s2 =	sadd.s32 s2, s16  }
0x8e: {  	[smem:$0x3FB1] =	sst s2  }
0x8f: {  	_ = 	snop  }
0x90: {  	(tm) =	ssettm $0x1  }
0x91: {  	s17 =	sld [smem:$0x3FFB];
	_ =	sdelay $0x3  }
0x92: {  	_ =	strace s17  }
0x93: {  	s2 =	sld [smem:$0x3FFC];
	_ =	sdelay $0x3  }
0x94: {  	_ =	strace s2  }
0x95: {  	s2 =	sld [smem:$0x3FFD];
	_ =	sdelay $0x3  }
0x96: {  	_ =	strace s2  }
0x97: {  	_ =	strace $0x8FFFFFFF  }
0x98: {  	s18 =	sld [smem:$0x3FDB];
	_ =	sdelay $0x1  }
0x99: {  	s19 =	simm.s32 $_scs_section_size  }
0x9a: {  	s4 =	simm.s32 $_size__tile_overlayer_lowered;
	s5 =	simm.s32 $_tile_overlayer_lowered  }
0x9b: {  	s22 =	simm.s32 $0x1BFF;
	s21 =	sshll.u32 s5, $0x1;
	s2 =	sadd.s32 s19, s18  }
0x9c: {  	s6 =	simm.s32 $0x0;
	s20 =	sshll.u32 s4, $0x1;
	s4 =	sadd.s32 s21, s2  }
0x9d: {  	[timem:s6], [sflag:s22] =	dma.local [hbm:s4], s20  }
0x9e: {  	_ =	swait.ge [sflag:s22], s20  }
0x9f: {  	s3 =	ssub.s32 $0x0, s20;
	[sflag:s22] =	ssyncset.done $0x0  }
0xa0: {  	[sflag:s22] =	ssyncadd.s32 s3;
	_ =	sdelay $0x1  }
0xa1: {  	s23 =	simm.s32 $0x1B8B  }
0xa2: {  	_ =	swait.ge [sflag:s23], $0x1  }
0xa3: {  	[sflag:s23] =	ssyncset.done $0x0  }
0xa4: {  	s25 =	simm.s32 $0x1B8E;
	s24 =	sld [smem:$0x3FFE];
	[sflag:s23] =	ssyncadd.s32 $0xFFFFFFFF  }
0xa5: {  	s26 =	simm.s32 $execute0_lowered;
	[smem:$0x3FD2] =	sst s25  }
0xa6: {  	s4 =	sshll.u32 s26, $0x1;
	_ =	strace $0x80000049;
	[dreg:$0x1] =	wrdreg $0xFFFFFFFF  }
0xa7: {  	s28 =	simm.s32 $_size_execute0_lowered;
	s2 =	sadd.s32 s2, s4;
	[dreg:$0x0] =	wrdreg $0x0  }
0xa8: {  	s4 =	sshll.u32 s28, $0x1;
	[dreg:$0x2] =	wrdreg s2  }
0xa9: {  	[dreg:$0x3] =	wrdreg s4  }
0xaa: {  	[dreg:$0x4] =	wrdreg $0xC0  }
0xab: {  	_ =	task [dreg:s6], $0x5FFFF  }
0xac: {  	[dreg:$0x1] =	wrdreg $0xFFFFFFFF  }
0xad: {  	[dreg:$0x0] =	wrdreg $0x60  }
0xae: {  	[dreg:$0x2] =	wrdreg s24  }
0xaf: {  	[dreg:$0x3] =	wrdreg $0xC3000  }
0xb0: {  	[dreg:$0x4] =	wrdreg $0x9  }
0xb1: {  	_ =	task.clear_ibuf [dreg:s6], $0x5FFFF;
	_ =	strace $0x90000049  }
0xb2: {  	s29 =	simm.s32 $0x9;
	_ =	strace $0x8000004B  }
0xb3: {  	_ =	swait.ge [sflag:s29], $0x1  }
0xb4: {  	[sflag:s29] =	ssyncadd.s32 $0xFFFFFFFF  }
0xb5: {  	_ =	strace $0x9000004B  }
0xb6: {  	_ =	sfence  }
0xb7: {  	s30 =	sld [smem:$0x0];
	_ =	sdelay $0x2  }
0xb8: {  	s31 =	sshll.u32 s1, $0xD;
	s1 =	sshrl.u32 s1, $0x2  }
0xb9: {  	s3 =	sand.u32 $0x4000, s31;
	s1 =	sadd.s32 s1, s30  }
0xba: {  	s0 =	sor.u32 s3, s0;
	s1 =	sshll.u32 s1, $0x11  }
0xbb: {  	s0 =	sor.u32 s1, s0  }
0xbc: {  	s0 =	sadd.s32 $0x8F2B, s0  }
0xbd: {  	[sflag:s0] =	ssyncadd.remote.s32 $0x1  }
0xbe: {  	_ =	sfence.sel $0xFFFF  }
0xbf: {  	[dreg:$0x0] =	wrdreg $0xFFFFFFFF;
	(pc) =	sbr.abs _section_cstart, $3  }
0xc0: {  	[dreg:$0x1] =	wrdreg $0xFFFFFFFF  }
0xc1: {  	_ =	task.clear_ibuf [dreg:s6], $0x2FFFF;
	_ =	strace $0x9FFFFFFF  }
0xc2: {  	(tm) =	ssettm $0x7FFFFFFF  }
0xc3: {  	_ =	shalt  }
tec
execute0_lowered:
.L_overlay_start_1:
0x0: {  	(tag) =	ssettag $0x1  }
0x1: {  	s0 =	rddreg [dreg:$0x0]  }
0x2: {  	s2 =	srdreg.scid;
	s1 =	simm.s32 $0x0;
	s14 =	stileid.u32  }
0x3: {  	s2 =	sand.u32 $0x1, s2;
	[smem:$0x7FF] =	sst s1;
	s4 =	smul.u32 $0xA000, s14  }
0x4: {  	s6 =	sadd.s32 $0x37000, s0;
	s3 =	sshll.u32 s2, $0x4;
	s5 =	ssub.s32 $0x2, s2  }
0x5: {  	s2 =	smul.u32 $0xA0000, s2;
	s3 =	sor.u32 s14, s3;
	s7 =	sshrl.u32 s5, $0x1  }
0x6: {  	s8 =	sor.u32 $0x1000, s4;
	s10 =	sadd.s32 $0x2000, s4;
	s14 =	smul.u32 $0x28000, s14  }
0x7: {  	s3 =	smul.u32 $0x530, s3;
	s5 =	ssub.s32 s5, s7;
	s12 =	sadd.s32 s2, s4  }
0x8: {  	s9 =	sadd.s32 s2, s8;
	s15 =	sadd.s32 s2, s10;
	s7 =	sshrl.u32 s12, $0x3  }
0x9: {  	s13 =	sshrl.u32 s9, $0x3;
	s16 =	sshrl.u32 s15, $0x3;
	s9 =	sadd.s32 $0x3000, s4  }
0xa: {  	s12 =	sadd.s32 $0x4000, s4;
	s26 =	sshrl.u32 s14, $0x2;
	s14 =	sadd.s32 $0x23000, s0  }
0xb: {  	s7 =	sadd.s32 s6, s7;
	s17 =	sadd.s32 s2, s9;
	s11 =	sadd.s32 s2, s12  }
0xc: {  	s3 =	sadd.s32 s3, s0;
	[dreg:$0x3] =	wrdreg s7;
	s7 =	sadd.s32 s6, s13  }
0xd: {  	s13 =	sadd.s32 $0x5000, s4;
	s18 =	sshrl.u32 s11, $0x3;
	s11 =	rddreg [dreg:$0x1]  }
0xe: {  	[dreg:$0x4] =	wrdreg s7;
	s7 =	sadd.s32 s6, s16;
	s19 =	sadd.s32 s2, s13  }
0xf: {  	s16 =	sadd.s32 $0x6000, s4;
	s15 =	sadd.s32 s26, s11;
	s26 =	sadd.s32 s13, s11  }
0x10: {  	s13 =	simm.s32 $0x7300;
	[dreg:$0x5] =	wrdreg s7;
	s7 =	sshrl.u32 s17, $0x3  }
0x11: {  	s20 =	sshrl.u32 s19, $0x3;
	s21 =	sadd.s32 s2, s16;
	s17 =	sadd.s32 $0x7000, s4  }
0x12: {  	s19 =	sadd.s32 $0x9000, s4;
	s30 =	sadd.s32 $0x1000, s15;
	s31 =	sadd.s32 $0x2000, s15  }
0x13: {  	s0 =	sadd.s32 $0x4000, s15;
	s7 =	sadd.s32 s6, s7;
	s22 =	sadd.s32 s2, s17  }
0x14: {  	[dreg:$0x6] =	wrdreg s7;
	s7 =	sadd.s32 s6, s18;
	s18 =	sadd.s32 $0x8000, s4  }
0x15: {  	[dreg:$0x7] =	wrdreg s7;
	s7 =	sadd.s32 s6, s20;
	s24 =	sadd.s32 s2, s18  }
0x16: {  	s2 =	sadd.s32 s2, s19;
	[dreg:$0x8] =	wrdreg s7;
	s7 =	sshrl.u32 s21, $0x3  }
0x17: {  	s29 =	sadd.s32 s19, s11;
	s2 =	sshrl.u32 s2, $0x3;
	s7 =	sadd.s32 s6, s7  }
0x18: {  	s23 =	sshrl.u32 s22, $0x3;
	s2 =	sadd.s32 s6, s2;
	[dreg:$0x9] =	wrdreg s7  }
0x19: {  	s25 =	sshrl.u32 s24, $0x3;
	s7 =	sadd.s32 s6, s23;
	[dreg:$0xc] =	wrdreg s2  }
0x1a: {  	s22 =	sadd.s32 s8, s11;
	[dreg:$0xa] =	wrdreg s7;
	s7 =	sadd.s32 s6, s25  }
0x1b: {  	s8 =	simm.s32 $0x4;
	s6 =	sadd.s32 $0x18A00, s3;
	[dreg:$0xb] =	wrdreg s7  }
0x1c: {  	s7 =	sadd.s32 $0x4400, s3;
	_ =	strace $0x8000004A;
	[dreg:$0xd] =	wrdreg s6  }
0x1d: {  	s20 =	sadd.s32 s4, s11;
	s28 =	sadd.s32 s18, s11;
	[dreg:$0xe] =	wrdreg s7  }
0x1e: {  	s4 =	sadd.s32 $0x7000, s15;
	s21 =	smax.u32 s5, $0x1;
	[dreg:$0xf] =	wrdreg s20  }
0x1f: {  	s18 =	simm.s32 $0x2;
	s19 =	simm.s32 $0x3;
	[dreg:$0x10] =	wrdreg s21  }
0x20: {  	s24 =	sadd.s32 s9, s11;
	s23 =	sadd.s32 s10, s11;
	[dreg:$0x11] =	wrdreg s22  }
0x21: {  	s5 =	sadd.s32 $0x8000, s15;
	s9 =	simm.s32 $0x80;
	[dreg:$0x12] =	wrdreg s23  }
0x22: {  	s10 =	sadd.s32 $0x3000, s15;
	s25 =	sadd.s32 s12, s11;
	[dreg:$0x13] =	wrdreg s24  }
0x23: {  	s2 =	sadd.s32 $0x5000, s15;
	s12 =	simm.s32 $0x5300;
	[dreg:$0x14] =	wrdreg s25  }
0x24: {  	s3 =	sadd.s32 $0x6000, s15;
	[dreg:$0x15] =	wrdreg s26;
	s25 =	sadd.s32 s16, s11  }
0x25: {  	s26 =	sadd.s32 s17, s11;
	s6 =	sadd.s32 $0x9000, s15;
	s7 =	simm.s32 $0xB300  }
0x26: {  	v0 =	vimm.f32 $0.0e+00;
	s16 =	simm.s32 $0x1;
	s17 =	simm.s32 $0x9300;
	s20 =	simm.s32 $0x0  }
.LBB2_1:
0x27: {  	s21 =	sand.u32 $0x3F00, s1  }
0x28: {  	s22 =	sand.u32 $0x30, s1;
	s23 =	sshrl.u32 s21, $0x2  }
0x29: {  	s21 =	simm.s32 $0x40;
	s23 =	sor.u32 s22, s23;
	s22 =	simm.s32 $0x0  }
.LBB2_2:
0x2a: {  	p0 =	sne.s32 s21, $0x3FC0  }
0x2b: {  	[tilespmem:s23+$0xB300] =	vst v0;
	s22 =	sadd.s32 $0x10, s22;
	s23 =	smov.u32 s21;
	s21 =	sadd.s32 $0x40, s21  }
.Ltmp0:
0x2c: {  	(pc) =	sbr.rel @p0 .LBB2_2-.Ltmp0, $4  }
0x2d: {  	_ = 	snop  }
0x2e: {  	s23 =	sand.u32 $0x3F00, s23  }
0x2f: {  	s24 =	sand.u32 $0x30, s22;
	s23 =	sshrl.u32 s23, $0x2  }
0x30: {  	s23 =	sor.u32 s24, s23  }
0x31: {  	[tilespmem:s23+$0xB300] =	vst v0  }
0x32: {  	[spmem:s15] =	stream.linear.scatter [tilespmem:s7], [sflag:$0x4], $0x1000, $0x38;
	[tilespmem:$0x16300] =	vst v63  }
0x33: {  	_ =	swait.ge [sflag:s8], $0x1000  }
0x34: {  	[sflag:s8] =	ssyncset.done $0x0  }
0x35: {  	[sflag:s8] =	ssyncadd.s32 $0xFFFFF000  }
0x36: {  	[spmem:s30] =	stream.linear.scatter [tilespmem:s7], [sflag:$0x4], $0x1000, $0x38;
	[tilespmem:$0x16300] =	vst v63  }
0x37: {  	_ =	swait.ge [sflag:s8], $0x1000  }
0x38: {  	[sflag:s8] =	ssyncset.done $0x0  }
0x39: {  	[sflag:s8] =	ssyncadd.s32 $0xFFFFF000  }
0x3a: {  	[spmem:s31] =	stream.linear.scatter [tilespmem:s7], [sflag:$0x4], $0x1000, $0x38;
	[tilespmem:$0x16300] =	vst v63  }
0x3b: {  	_ =	swait.ge [sflag:s8], $0x1000  }
0x3c: {  	[sflag:s8] =	ssyncset.done $0x0  }
0x3d: {  	[sflag:s8] =	ssyncadd.s32 $0xFFFFF000  }
0x3e: {  	[spmem:s10] =	stream.linear.scatter [tilespmem:s7], [sflag:$0x4], $0x1000, $0x38;
	[tilespmem:$0x16300] =	vst v63  }
0x3f: {  	_ =	swait.ge [sflag:s8], $0x1000  }
0x40: {  	[sflag:s8] =	ssyncset.done $0x0  }
0x41: {  	[sflag:s8] =	ssyncadd.s32 $0xFFFFF000  }
0x42: {  	[spmem:s0] =	stream.linear.scatter [tilespmem:s7], [sflag:$0x4], $0x1000, $0x38;
	[tilespmem:$0x16300] =	vst v63  }
0x43: {  	_ =	swait.ge [sflag:s8], $0x1000  }
0x44: {  	[sflag:s8] =	ssyncset.done $0x0  }
0x45: {  	[sflag:s8] =	ssyncadd.s32 $0xFFFFF000  }
0x46: {  	[spmem:s2] =	stream.linear.scatter [tilespmem:s7], [sflag:$0x4], $0x1000, $0x38;
	[tilespmem:$0x16300] =	vst v63  }
0x47: {  	_ =	swait.ge [sflag:s8], $0x1000  }
0x48: {  	[sflag:s8] =	ssyncset.done $0x0  }
0x49: {  	[sflag:s8] =	ssyncadd.s32 $0xFFFFF000  }
0x4a: {  	[spmem:s3] =	stream.linear.scatter [tilespmem:s7], [sflag:$0x4], $0x1000, $0x38;
	[tilespmem:$0x16300] =	vst v63  }
0x4b: {  	_ =	swait.ge [sflag:s8], $0x1000  }
0x4c: {  	[sflag:s8] =	ssyncset.done $0x0  }
0x4d: {  	[sflag:s8] =	ssyncadd.s32 $0xFFFFF000  }
0x4e: {  	[spmem:s4] =	stream.linear.scatter [tilespmem:s7], [sflag:$0x4], $0x1000, $0x38;
	[tilespmem:$0x16300] =	vst v63  }
0x4f: {  	_ =	swait.ge [sflag:s8], $0x1000  }
0x50: {  	[sflag:s8] =	ssyncset.done $0x0  }
0x51: {  	[sflag:s8] =	ssyncadd.s32 $0xFFFFF000  }
0x52: {  	[spmem:s5] =	stream.linear.scatter [tilespmem:s7], [sflag:$0x4], $0x1000, $0x38;
	[tilespmem:$0x16300] =	vst v63  }
0x53: {  	_ =	swait.ge [sflag:s8], $0x1000  }
0x54: {  	[sflag:s8] =	ssyncset.done $0x0  }
0x55: {  	[sflag:s8] =	ssyncadd.s32 $0xFFFFF000  }
0x56: {  	[spmem:s6] =	stream.linear.scatter [tilespmem:s7], [sflag:$0x4], $0x1000, $0x38;
	[tilespmem:$0x16300] =	vst v63  }
0x57: {  	_ =	swait.ge [sflag:s8], $0x1000  }
0x58: {  	[sflag:s8] =	ssyncset.done $0x0  }
0x59: {  	s21 =	simm.s32 $0x0;
	s22 =	rddreg [dreg:$0xd];
	[sflag:s8] =	ssyncadd.s32 $0xFFFFF000  }
0x5a: {  	[tilespmem:s21], [sflag:$0x4] =	stream.linear.gather [hbm4b:s22+s21], $0x2980, $0x38;
	[tilespmem:$0x16300] =	vst v63  }
0x5b: {  	_ =	swait.ge [sflag:s8], $0x2980  }
0x5c: {  	[sflag:s8] =	ssyncset.done $0x0  }
0x5d: {  	s24 =	simm.s32 $0x2980;
	s23 =	rddreg [dreg:$0xe];
	[sflag:s8] =	ssyncadd.s32 $0xFFFFD680  }
0x5e: {  	[tilespmem:s24], [sflag:$0x4] =	stream.linear.gather [hbm4b:s23+s21], $0x2980, $0x38;
	[tilespmem:$0x16300] =	vst v63  }
0x5f: {  	_ =	swait.ge [sflag:s8], $0x2980  }
0x60: {  	[sflag:s8] =	ssyncset.done $0x0  }
0x61: {  	[sflag:s8] =	ssyncadd.s32 $0xFFFFD680  }
0x62: {  	[bflag:$0x0] =	sbarrier.arrive $0xFFFF  }
0x63: {  	[tilespmem:s12], [sflag:$0x1] =	stream.indirect.gather [hbm4b:s14+s9], $0x40, s21, s9, $0xb8;
	[tilespmem:$0x16300] =	vst v63  }
0x64: {  	_ = 	snop  }
0x65: {  	[tilespmem:s13], [sflag:$0x2] =	stream.indirect.gather [hbm4b:s14+s9], $0x40, s9, s9, $0xb8;
	[tilespmem:$0x16300] =	vst v63  }
0x66: {  	_ =	swait.ge [sflag:s16], $0x2000  }
0x67: {  	[sflag:s16] =	ssyncset.done $0x0  }
0x68: {  	s22 =	simm.s32 $0x100;
	[sflag:s16] =	ssyncadd.s32 $0xFFFFE000  }
0x69: {  	[tilespmem:s17], [sflag:$0x3] =	stream.indirect.gather [hbm4b:s14+s9], $0x40, s22, s9, $0xb8;
	[tilespmem:$0x16300] =	vst v63  }
0x6a: {  	s23 =	simm.s32 $0x2980  }
0x6b: {  	[spmem:s11] =	stream.indirect.scatter.add.f32 [tilespmem:s12], [sflag:$0x4], $0x40, s23, s9, $0xb8;
	[tilespmem:$0x16300] =	vst v63  }
0x6c: {  	_ =	swait.ge [sflag:s8], $0x2000  }
0x6d: {  	[sflag:s8] =	ssyncset.done $0x0  }
0x6e: {  	[sflag:s8] =	ssyncadd.s32 $0xFFFFE000  }
0x6f: {  	_ =	swait.ge [sflag:s18], $0x2000  }
0x70: {  	[sflag:s18] =	ssyncset.done $0x0  }
0x71: {  	s24 =	simm.s32 $0x180;
	[sflag:s18] =	ssyncadd.s32 $0xFFFFE000  }
0x72: {  	[tilespmem:s12], [sflag:$0x1] =	stream.indirect.gather [hbm4b:s14+s9], $0x40, s24, s9, $0xb8;
	[tilespmem:$0x16300] =	vst v63  }
0x73: {  	s22 =	simm.s32 $0x2A00  }
0x74: {  	[spmem:s11] =	stream.indirect.scatter.add.f32 [tilespmem:s13], [sflag:$0x4], $0x40, s22, s9, $0xb8;
	[tilespmem:$0x16300] =	vst v63  }
0x75: {  	_ =	swait.ge [sflag:s8], $0x2000  }
0x76: {  	[sflag:s8] =	ssyncset.done $0x0  }
0x77: {  	[sflag:s8] =	ssyncadd.s32 $0xFFFFE000  }
0x78: {  	_ =	swait.ge [sflag:s19], $0x2000  }
0x79: {  	[sflag:s19] =	ssyncset.done $0x0  }
0x7a: {  	s23 =	simm.s32 $0x200;
	[sflag:s19] =	ssyncadd.s32 $0xFFFFE000  }
0x7b: {  	[tilespmem:s13], [sflag:$0x2] =	stream.indirect.gather [hbm4b:s14+s9], $0x40, s23, s9, $0xb8;
	[tilespmem:$0x16300] =	vst v63  }
0x7c: {  	s24 =	simm.s32 $0x2A80  }
0x7d: {  	[spmem:s11] =	stream.indirect.scatter.add.f32 [tilespmem:s17], [sflag:$0x4], $0x40, s24, s9, $0xb8;
	[tilespmem:$0x16300] =	vst v63  }
0x7e: {  	_ =	swait.ge [sflag:s8], $0x2000  }
0x7f: {  	s21 =	simm.s32 $0x600;
	[sflag:s8] =	ssyncset.done $0x0  }
.LBB2_4:
0x80: {  	p0 =	sne.s32 s21, $0x9C00  }
0x81: {  	[sflag:s8] =	ssyncadd.s32 $0xFFFFE000;
	s22 =	smov.u32 s21;
	s21 =	sadd.s32 $0x600, s21  }
0x82: {  	_ = 	snop  }
0x83: {  	_ =	swait.ge [sflag:s16], $0x2000  }
0x84: {  	s22 =	sshra.s32 s22, $0x2;
	[sflag:s16] =	ssyncset.done $0x0  }
0x85: {  	s23 =	sadd.s32 $0x100, s22;
	[sflag:s16] =	ssyncadd.s32 $0xFFFFE000  }
0x86: {  	[tilespmem:s17], [sflag:$0x3] =	stream.indirect.gather [hbm4b:s14+s9], $0x40, s23, s9, $0xb8;
	[tilespmem:$0x16300] =	vst v63  }
0x87: {  	s23 =	sadd.s32 $0x2980, s22  }
0x88: {  	[spmem:s11] =	stream.indirect.scatter.add.f32 [tilespmem:s12], [sflag:$0x4], $0x40, s23, s9, $0xb8;
	[tilespmem:$0x16300] =	vst v63  }
0x89: {  	_ =	swait.ge [sflag:s8], $0x2000  }
0x8a: {  	[sflag:s8] =	ssyncset.done $0x0  }
0x8b: {  	[sflag:s8] =	ssyncadd.s32 $0xFFFFE000  }
0x8c: {  	_ =	swait.ge [sflag:s18], $0x2000  }
0x8d: {  	[sflag:s18] =	ssyncset.done $0x0  }
0x8e: {  	s23 =	sadd.s32 $0x180, s22;
	[sflag:s18] =	ssyncadd.s32 $0xFFFFE000  }
0x8f: {  	[tilespmem:s12], [sflag:$0x1] =	stream.indirect.gather [hbm4b:s14+s9], $0x40, s23, s9, $0xb8;
	[tilespmem:$0x16300] =	vst v63  }
0x90: {  	s23 =	sadd.s32 $0x2A00, s22  }
0x91: {  	[spmem:s11] =	stream.indirect.scatter.add.f32 [tilespmem:s13], [sflag:$0x4], $0x40, s23, s9, $0xb8;
	[tilespmem:$0x16300] =	vst v63  }
0x92: {  	_ =	swait.ge [sflag:s8], $0x2000  }
0x93: {  	[sflag:s8] =	ssyncset.done $0x0  }
0x94: {  	[sflag:s8] =	ssyncadd.s32 $0xFFFFE000  }
0x95: {  	_ =	swait.ge [sflag:s19], $0x2000  }
0x96: {  	[sflag:s19] =	ssyncset.done $0x0  }
0x97: {  	s23 =	sadd.s32 $0x200, s22;
	[sflag:s19] =	ssyncadd.s32 $0xFFFFE000  }
0x98: {  	[tilespmem:s13], [sflag:$0x2] =	stream.indirect.gather [hbm4b:s14+s9], $0x40, s23, s9, $0xb8;
	[tilespmem:$0x16300] =	vst v63  }
.Ltmp1:
0x99: {  	_ = 	snop;
	(pc) =	sbr.rel @p0 .LBB2_4-.Ltmp1, $4  }
0x9a: {  	s22 =	sadd.s32 $0x2A80, s22  }
0x9b: {  	[spmem:s11] =	stream.indirect.scatter.add.f32 [tilespmem:s17], [sflag:$0x4], $0x40, s22, s9, $0xb8;
	[tilespmem:$0x16300] =	vst v63  }
0x9c: {  	_ =	swait.ge [sflag:s8], $0x2000  }
0x9d: {  	[sflag:s8] =	ssyncset.done $0x0  }
0x9e: {  	[sflag:s8] =	ssyncadd.s32 $0xFFFFE000  }
0x9f: {  	_ =	swait.ge [sflag:s16], $0x2000  }
0xa0: {  	[sflag:s16] =	ssyncset.done $0x0  }
0xa1: {  	[sflag:s16] =	ssyncadd.s32 $0xFFFFE000  }
0xa2: {  	_ =	swait.ge [sflag:s18], $0x2000  }
0xa3: {  	[sflag:s18] =	ssyncset.done $0x0  }
0xa4: {  	[sflag:s18] =	ssyncadd.s32 $0xFFFFE000  }
0xa5: {  	[bflag:$0x0] =	sbarrier.arrive $0xFFFF  }
0xa6: {  	s21 =	rddreg [dreg:$0xf]  }
0xa7: {  	[tilespmem:s7], [sflag:$0x4] =	stream.linear.gather [spmem:s21], $0x1000, $0x38;
	[tilespmem:$0x16300] =	vst v63  }
0xa8: {  	_ =	swait.ge [sflag:s8], $0x1000  }
0xa9: {  	[sflag:s8] =	ssyncset.done $0x0  }
0xaa: {  	s24 =	rddreg [dreg:$0x3];
	[sflag:s8] =	ssyncadd.s32 $0xFFFFF000  }
0xab: {  	[hbm4b:s24+s1] =	stream.linear.scatter [tilespmem:s7], [sflag:$0x4], $0x1000, $0x38;
	[tilespmem:$0x16300] =	vst v63  }
0xac: {  	_ =	swait.ge [sflag:s8], $0x1000  }
0xad: {  	[sflag:s8] =	ssyncset.done $0x0  }
0xae: {  	s22 =	rddreg [dreg:$0x11];
	[sflag:s8] =	ssyncadd.s32 $0xFFFFF000  }
0xaf: {  	[tilespmem:s7], [sflag:$0x4] =	stream.linear.gather [spmem:s22], $0x1000, $0x38;
	[tilespmem:$0x16300] =	vst v63  }
0xb0: {  	_ =	swait.ge [sflag:s8], $0x1000  }
0xb1: {  	[sflag:s8] =	ssyncset.done $0x0  }
0xb2: {  	s23 =	rddreg [dreg:$0x4];
	[sflag:s8] =	ssyncadd.s32 $0xFFFFF000  }
0xb3: {  	[hbm4b:s23+s1] =	stream.linear.scatter [tilespmem:s7], [sflag:$0x4], $0x1000, $0x38;
	[tilespmem:$0x16300] =	vst v63  }
0xb4: {  	_ =	swait.ge [sflag:s8], $0x1000  }
0xb5: {  	[sflag:s8] =	ssyncset.done $0x0  }
0xb6: {  	s24 =	rddreg [dreg:$0x12];
	[sflag:s8] =	ssyncadd.s32 $0xFFFFF000  }
0xb7: {  	[tilespmem:s7], [sflag:$0x4] =	stream.linear.gather [spmem:s24], $0x1000, $0x38;
	[tilespmem:$0x16300] =	vst v63  }
0xb8: {  	_ =	swait.ge [sflag:s8], $0x1000  }
0xb9: {  	[sflag:s8] =	ssyncset.done $0x0  }
0xba: {  	s22 =	rddreg [dreg:$0x5];
	[sflag:s8] =	ssyncadd.s32 $0xFFFFF000  }
0xbb: {  	[hbm4b:s22+s1] =	stream.linear.scatter [tilespmem:s7], [sflag:$0x4], $0x1000, $0x38;
	[tilespmem:$0x16300] =	vst v63  }
0xbc: {  	_ =	swait.ge [sflag:s8], $0x1000  }
0xbd: {  	[sflag:s8] =	ssyncset.done $0x0  }
0xbe: {  	s23 =	rddreg [dreg:$0x13];
	[sflag:s8] =	ssyncadd.s32 $0xFFFFF000  }
0xbf: {  	[tilespmem:s7], [sflag:$0x4] =	stream.linear.gather [spmem:s23], $0x1000, $0x38;
	[tilespmem:$0x16300] =	vst v63  }
0xc0: {  	_ =	swait.ge [sflag:s8], $0x1000  }
0xc1: {  	[sflag:s8] =	ssyncset.done $0x0  }
0xc2: {  	s24 =	rddreg [dreg:$0x6];
	[sflag:s8] =	ssyncadd.s32 $0xFFFFF000  }
0xc3: {  	[hbm4b:s24+s1] =	stream.linear.scatter [tilespmem:s7], [sflag:$0x4], $0x1000, $0x38;
	[tilespmem:$0x16300] =	vst v63  }
0xc4: {  	_ =	swait.ge [sflag:s8], $0x1000  }
0xc5: {  	[sflag:s8] =	ssyncset.done $0x0  }
0xc6: {  	s22 =	rddreg [dreg:$0x14];
	[sflag:s8] =	ssyncadd.s32 $0xFFFFF000  }
0xc7: {  	[tilespmem:s7], [sflag:$0x4] =	stream.linear.gather [spmem:s22], $0x1000, $0x38;
	[tilespmem:$0x16300] =	vst v63  }
0xc8: {  	_ =	swait.ge [sflag:s8], $0x1000  }
0xc9: {  	[sflag:s8] =	ssyncset.done $0x0  }
0xca: {  	s23 =	rddreg [dreg:$0x7];
	[sflag:s8] =	ssyncadd.s32 $0xFFFFF000  }
0xcb: {  	[hbm4b:s23+s1] =	stream.linear.scatter [tilespmem:s7], [sflag:$0x4], $0x1000, $0x38;
	[tilespmem:$0x16300] =	vst v63  }
0xcc: {  	_ =	swait.ge [sflag:s8], $0x1000  }
0xcd: {  	[sflag:s8] =	ssyncset.done $0x0  }
0xce: {  	s24 =	rddreg [dreg:$0x15];
	[sflag:s8] =	ssyncadd.s32 $0xFFFFF000  }
0xcf: {  	[tilespmem:s7], [sflag:$0x4] =	stream.linear.gather [spmem:s24], $0x1000, $0x38;
	[tilespmem:$0x16300] =	vst v63  }
0xd0: {  	_ =	swait.ge [sflag:s8], $0x1000  }
0xd1: {  	[sflag:s8] =	ssyncset.done $0x0  }
0xd2: {  	s22 =	rddreg [dreg:$0x8];
	[sflag:s8] =	ssyncadd.s32 $0xFFFFF000  }
0xd3: {  	[hbm4b:s22+s1] =	stream.linear.scatter [tilespmem:s7], [sflag:$0x4], $0x1000, $0x38;
	[tilespmem:$0x16300] =	vst v63  }
0xd4: {  	_ =	swait.ge [sflag:s8], $0x1000  }
0xd5: {  	[sflag:s8] =	ssyncset.done $0x0  }
0xd6: {  	[sflag:s8] =	ssyncadd.s32 $0xFFFFF000  }
0xd7: {  	[tilespmem:s7], [sflag:$0x4] =	stream.linear.gather [spmem:s25], $0x1000, $0x38;
	[tilespmem:$0x16300] =	vst v63  }
0xd8: {  	_ =	swait.ge [sflag:s8], $0x1000  }
0xd9: {  	[sflag:s8] =	ssyncset.done $0x0  }
0xda: {  	s23 =	rddreg [dreg:$0x9];
	[sflag:s8] =	ssyncadd.s32 $0xFFFFF000  }
0xdb: {  	[hbm4b:s23+s1] =	stream.linear.scatter [tilespmem:s7], [sflag:$0x4], $0x1000, $0x38;
	[tilespmem:$0x16300] =	vst v63  }
0xdc: {  	_ =	swait.ge [sflag:s8], $0x1000  }
0xdd: {  	[sflag:s8] =	ssyncset.done $0x0  }
0xde: {  	[sflag:s8] =	ssyncadd.s32 $0xFFFFF000  }
0xdf: {  	[tilespmem:s7], [sflag:$0x4] =	stream.linear.gather [spmem:s26], $0x1000, $0x38;
	[tilespmem:$0x16300] =	vst v63  }
0xe0: {  	_ =	swait.ge [sflag:s8], $0x1000  }
0xe1: {  	[sflag:s8] =	ssyncset.done $0x0  }
0xe2: {  	s24 =	rddreg [dreg:$0xa];
	[sflag:s8] =	ssyncadd.s32 $0xFFFFF000  }
0xe3: {  	[hbm4b:s24+s1] =	stream.linear.scatter [tilespmem:s7], [sflag:$0x4], $0x1000, $0x38;
	[tilespmem:$0x16300] =	vst v63  }
0xe4: {  	_ =	swait.ge [sflag:s8], $0x1000  }
0xe5: {  	[sflag:s8] =	ssyncset.done $0x0  }
0xe6: {  	[sflag:s8] =	ssyncadd.s32 $0xFFFFF000  }
0xe7: {  	[tilespmem:s7], [sflag:$0x4] =	stream.linear.gather [spmem:s28], $0x1000, $0x38;
	[tilespmem:$0x16300] =	vst v63  }
0xe8: {  	_ =	swait.ge [sflag:s8], $0x1000  }
0xe9: {  	[sflag:s8] =	ssyncset.done $0x0  }
0xea: {  	s22 =	rddreg [dreg:$0xb];
	[sflag:s8] =	ssyncadd.s32 $0xFFFFF000  }
0xeb: {  	[hbm4b:s22+s1] =	stream.linear.scatter [tilespmem:s7], [sflag:$0x4], $0x1000, $0x38;
	[tilespmem:$0x16300] =	vst v63  }
0xec: {  	_ =	swait.ge [sflag:s8], $0x1000  }
0xed: {  	[sflag:s8] =	ssyncset.done $0x0  }
0xee: {  	[sflag:s8] =	ssyncadd.s32 $0xFFFFF000  }
0xef: {  	[tilespmem:s7], [sflag:$0x4] =	stream.linear.gather [spmem:s29], $0x1000, $0x38;
	[tilespmem:$0x16300] =	vst v63  }
0xf0: {  	_ =	swait.ge [sflag:s8], $0x1000  }
0xf1: {  	[sflag:s8] =	ssyncset.done $0x0  }
0xf2: {  	s23 =	rddreg [dreg:$0xc];
	[sflag:s8] =	ssyncadd.s32 $0xFFFFF000  }
0xf3: {  	[hbm4b:s23+s1] =	stream.linear.scatter [tilespmem:s7], [sflag:$0x4], $0x1000, $0x38;
	[tilespmem:$0x16300] =	vst v63  }
0xf4: {  	_ =	swait.ge [sflag:s8], $0x1000  }
0xf5: {  	s20 =	sadd.s32 $0x1, s20;
	s24 =	rddreg [dreg:$0x10]  }
0xf6: {  	p0 =	sne.s32 s20, s24  }
.Ltmp2:
0xf7: {  	_ = 	snop;
	(pc) =	sbr.rel @p0 .LBB2_1-.Ltmp2, $3  }
0xf8: {  	_ =	sdelay $0x1  }
0xf9: {  	[sflag:s8] =	ssyncset.done $0x0  }
0xfa: {  	[sflag:s8] =	ssyncadd.s32 $0xFFFFF000  }
0xfb: {  	_ =	sfence.sel $0x180000  }
0xfc: {  	[bflag:$0x0] =	sbarrier.arrive $0xFFFF  }
0xfd: {  	_ =	strace $0x9000004A  }
0xfe: {  	s0 =	stileid.u32;
	[bflag:$0x2] =	sbarrier.arrive $0xFFFF  }
0xff: {  	p0 =	sne.s32 s0, $0x0;
	s0 =	rddreg [dreg:$0x2]  }
0x100: {  	s0 =	sadd.s32 @!p0 $0x100000, s0  }
0x101: {  	[sflag:s0] =	ssyncadd.tile.s32 @!p0 $0x1;
	_ =	shalt  }
.Lfunc_end2:
_tile_overlayer_lowered:
.L_overlay_start_2:
0x102: {  	(tag) =	ssettag $0x2  }
0x103: {  	s0 =	rddreg [dreg:$0x0];
	s2 =	stileid.u32  }
0x104: {  	s1 =	rddreg [dreg:$0x1];
	p0 =	sne.s32 s2, $0x0  }
0x105: {  	s3 =	rddreg [dreg:$0x2];
	[bflag:$0x3] =	sbarrier.arrive $0xFFFF;
	s2 =	simm.s32 @!p0 $0x1C04  }
0x106: {  	[timem:s3], [sflag:s2] =	dma.local @!p0 [hbm:s0], s1  }
0x107: {  	s0 =	simm.s32 @!p0 $0x4  }
0x108: {  	_ =	swait.ge @!p0 [sflag:s0], s1  }
0x109: {  	s1 =	ssub.s32 @!p0 $0x0, s1;
	[sflag:s0] =	ssyncset.done @!p0 $0x0  }
0x10a: {  	[sflag:s0] =	ssyncadd.s32 @!p0 s1  }
0x10b: {  	[bflag:$0x3] =	sbarrier.arrive $0xFFFF  }
0x10c: {  	_ =	shalt  }

// kernel: kernel.16.cloned.1.call-start
scs
__scs_entry_jumppad:
0x0: {  	(pc) =	sbr.rel $0x88, $3  }
0x1: {  	(tag) =	ssettag $0x0;
	lr =	simm.s32 $0x1  }
0x2: {  	[smem:$0x3F8A] =	sst lr;
	_ =	strace $0xD0000000  }
0x3: {  	_ = 	snop  }
0x4: {  	_ = 	snop  }
0x5: {  	_ = 	snop  }
0x6: {  	_ = 	snop  }
0x7: {  	_ = 	snop  }
__scs_overlays_trampoline_lowered:
0x8: {  	[smem:$0x3F99] =	sst s0  }
0x9: {  	[smem:$0x3F9A] =	sst s1  }
0xa: {  	[smem:$0x3F9B] =	sst s2  }
0xb: {  	[smem:$0x3F9C] =	sst s3  }
0xc: {  	[smem:$0x3F9D] =	sst s4  }
0xd: {  	[smem:$0x3F9E] =	sst s5  }
0xe: {  	[smem:$0x3F9F] =	sst s6  }
0xf: {  	[smem:$0x3FA0] =	sst s7  }
0x10: {  	[smem:$0x3FA1] =	sst s8  }
0x11: {  	[smem:$0x3FA2] =	sst s9;
	s0 =	simm.s32 @!p0 $0x0  }
0x12: {  	s1 =	sld [smem:$0x3F88];
	s0 =	simm.s32 @p0 $0x1  }
0x13: {  	[smem:$0x3FA3] =	sst s0;
	s0 =	simm.s32 @!p1 $0x0  }
0x14: {  	s2 =	sld [smem:$0x3F87];
	s0 =	simm.s32 @p1 $0x1  }
0x15: {  	[smem:$0x3FA4] =	sst s0;
	s0 =	simm.s32 @!p2 $0x0  }
0x16: {  	s3 =	sld [smem:$0x3FDB];
	s0 =	simm.s32 @p2 $0x1  }
0x17: {  	s4 =	simm.s32 $0x1BF5;
	[smem:$0x3FA6] =	sst s0  }
0x18: {  	s0 =	sld [smem:$0x3F89];
	_ =	swait.ge [sflag:s4], $0x0  }
0x19: {  	s7 =	sld [smem:$0x3F8A]  }
0x1a: {  	s8 =	sadd.s32 $0xFFFFE003, lr  }
0x1b: {  	s9 =	sadd.s32 $0xFFFFFEF7, lr;
	s5 =	simm.s32 $0xFFFFFFFF;
	p2 =	slt.u32 s8, $0xFFFFF086  }
0x1c: {  	p1 =	slt.u32 s9, $0xF7A;
	s5 =	simm.s32 @!p2 $0x0  }
0x1d: {  	s5 =	simm.s32 @p1 $0x1;
	p0 =	seq.s32 s7, s2  }
0x1e: {  	s7 =	smul.u32 @!p0 $0xF7A, s2;
	p2 =	seq.s32 @!p0 s5, $0x0  }
0x1f: {  	s9 =	smul.u32 $0xF7A, s1;
	s8 =	simm.s32 @!p0 $0x1BF5;
	p2 =	por !p2, p0  }
0x20: {  	[sflag:s8] =	ssyncset.s32 @!p0 $0xFFFFF086;
	s6 =	sadd.s32 @!p0 s3, s7;
	s7 =	simm.s32 @!p0 $0x108  }
0x21: {  	s3 =	sadd.s32 s3, s9;
	s6 =	sadd.s32 @!p0 $0x88, s6;
	s7 =	simm.s32 @p2 $0x1082  }
0x22: {  	[simem:s7], [sflag:s8] =	dma.local @!p0 [hbm:s6], $0xF7A  }
0x23: {  	s9 =	sor.u32 $0xD0000000, s2;
	s6 =	simm.s32 $0x108;
	_ =	swait.ge @!p0 [sflag:s8], $0x0  }
0x24: {  	s3 =	sadd.s32 $0x88, s3;
	s6 =	simm.s32 @!p1 $0x1082;
	[sflag:s4] =	ssyncset.s32 $0xFFFFF086  }
0x25: {  	[simem:s6], [sflag:s4] =	dma.local [hbm:s3], $0xF7A  }
0x26: {  	[smem:$0x3F8A] =	sst s1;
	(tag) =	ssettag s2;
	_ =	strace s9  }
0x27: {  	s1 =	sld [smem:$0x3F9A]  }
0x28: {  	s2 =	sld [smem:$0x3F9B]  }
0x29: {  	s4 =	sld [smem:$0x3F9D]  }
0x2a: {  	p0 =	seq.s32 s5, $0x0;
	s5 =	sld [smem:$0x3F9E]  }
0x2b: {  	s6 =	sld [smem:$0x3F9F]  }
0x2c: {  	s7 =	sld [smem:$0x3FA0]  }
0x2d: {  	s3 =	simm.s32 $0x108;
	s8 =	sld [smem:$0x3FA1]  }
0x2e: {  	s3 =	simm.s32 @!p0 $0x1082;
	s9 =	sld [smem:$0x3FA2]  }
0x2f: {  	lr =	sadd.s32 s0, s3;
	s0 =	sld [smem:$0x3F99]  }
0x30: {  	s3 =	sld [smem:$0x3F9C]  }
0x31: {  	[smem:$0x3FA5] =	sst s10  }
0x32: {  	s10 =	sld [smem:$0x3FA3];
	_ =	sdelay $0x3  }
0x33: {  	p0 =	seq.s32 s10, $0x1;
	s10 =	sld [smem:$0x3FA5];
	_ =	sdelay $0x3  }
0x34: {  	[smem:$0x3FA5] =	sst s10  }
0x35: {  	s10 =	sld [smem:$0x3FA4];
	_ =	sdelay $0x3  }
0x36: {  	p1 =	seq.s32 s10, $0x1;
	s10 =	sld [smem:$0x3FA5];
	_ =	sdelay $0x3  }
0x37: {  	[smem:$0x3FA5] =	sst s10  }
0x38: {  	s10 =	sld [smem:$0x3FA6]  }
0x39: {  	_ = 	snop;
	(pc) =	sbr.ind lr, $3  }
0x3a: {  	_ = 	snop  }
0x3b: {  	_ = 	snop  }
0x3c: {  	p2 =	seq.s32 s10, $0x1;
	s10 =	sld [smem:$0x3FA5]  }
0x3d: {  	_ =	shalt  }
0x3e: {  	_ =	shalt  }
0x3f: {  	_ =	shalt  }
0x40: {  	_ =	shalt  }
0x41: {  	_ =	shalt  }
0x42: {  	_ =	shalt  }
0x43: {  	_ =	shalt  }
0x44: {  	_ =	shalt  }
0x45: {  	_ =	shalt  }
0x46: {  	_ =	shalt  }
0x47: {  	_ =	shalt  }
0x48: {  	_ =	shalt  }
0x49: {  	_ =	shalt  }
0x4a: {  	_ =	shalt  }
0x4b: {  	_ =	shalt  }
0x4c: {  	_ =	shalt  }
0x4d: {  	_ =	shalt  }
0x4e: {  	_ =	shalt  }
0x4f: {  	_ =	shalt  }
0x50: {  	_ =	shalt  }
0x51: {  	_ =	shalt  }
0x52: {  	_ =	shalt  }
0x53: {  	_ =	shalt  }
0x54: {  	_ =	shalt  }
0x55: {  	_ =	shalt  }
0x56: {  	_ =	shalt  }
0x57: {  	_ =	shalt  }
0x58: {  	_ =	shalt  }
0x59: {  	_ =	shalt  }
0x5a: {  	_ =	shalt  }
0x5b: {  	_ =	shalt  }
0x5c: {  	_ =	shalt  }
0x5d: {  	_ =	shalt  }
0x5e: {  	_ =	shalt  }
0x5f: {  	_ =	shalt  }
0x60: {  	_ =	shalt  }
0x61: {  	_ =	shalt  }
0x62: {  	_ =	shalt  }
0x63: {  	_ =	shalt  }
0x64: {  	_ =	shalt  }
0x65: {  	_ =	shalt  }
0x66: {  	_ =	shalt  }
0x67: {  	_ =	shalt  }
0x68: {  	_ =	shalt  }
0x69: {  	_ =	shalt  }
0x6a: {  	_ =	shalt  }
0x6b: {  	_ =	shalt  }
0x6c: {  	_ =	shalt  }
0x6d: {  	_ =	shalt  }
0x6e: {  	_ =	shalt  }
0x6f: {  	_ =	shalt  }
0x70: {  	_ =	shalt  }
0x71: {  	_ =	shalt  }
0x72: {  	_ =	shalt  }
0x73: {  	_ =	shalt  }
0x74: {  	_ =	shalt  }
0x75: {  	_ =	shalt  }
0x76: {  	_ =	shalt  }
0x77: {  	_ =	shalt  }
0x78: {  	_ =	shalt  }
0x79: {  	_ =	shalt  }
0x7a: {  	_ =	shalt  }
0x7b: {  	_ =	shalt  }
0x7c: {  	_ =	shalt  }
0x7d: {  	_ =	shalt  }
0x7e: {  	_ =	shalt  }
0x7f: {  	_ =	shalt  }
0x80: {  	_ =	shalt  }
0x81: {  	_ =	shalt  }
0x82: {  	_ =	shalt  }
0x83: {  	_ =	shalt  }
0x84: {  	_ =	shalt  }
0x85: {  	_ =	shalt  }
0x86: {  	_ =	shalt  }
0x87: {  	_ =	shalt  }
.Lfunc_end0:
.L_simem_size_0:
called_computation.2_lowered:
.L_overlay_start_0:
0x88: {  	s2 =	sld [smem:$0x3FD9]  }
0x89: {  	s3 =	sld [smem:$0x3FFE];
	_ =	sdelay $0x1  }
0x8a: {  	s1 =	srdreg.scid  }
0x8b: {  	s0 =	sand.u32 $0x1, s1  }
0x8c: {  	s16 =	sshll.u32 s0, $0xA;
	s2 =	sadd.s32 s3, s2  }
0x8d: {  	s2 =	sadd.s32 s2, s16  }
0x8e: {  	[smem:$0x3FB1] =	sst s2  }
0x8f: {  	_ = 	snop  }
0x90: {  	(tm) =	ssettm $0x1  }
0x91: {  	s17 =	sld [smem:$0x3FFB];
	_ =	sdelay $0x3  }
0x92: {  	_ =	strace s17  }
0x93: {  	s2 =	sld [smem:$0x3FFC];
	_ =	sdelay $0x3  }
0x94: {  	_ =	strace s2  }
0x95: {  	s2 =	sld [smem:$0x3FFD];
	_ =	sdelay $0x3  }
0x96: {  	_ =	strace s2  }
0x97: {  	_ =	strace $0x8FFFFFFF  }
0x98: {  	s18 =	sld [smem:$0x3FDB];
	_ =	sdelay $0x1  }
0x99: {  	s19 =	simm.s32 $_scs_section_size  }
0x9a: {  	s4 =	simm.s32 $_size__tile_overlayer_lowered;
	s5 =	simm.s32 $_tile_overlayer_lowered  }
0x9b: {  	s22 =	simm.s32 $0x1BFF;
	s21 =	sshll.u32 s5, $0x1;
	s2 =	sadd.s32 s19, s18  }
0x9c: {  	s6 =	simm.s32 $0x0;
	s20 =	sshll.u32 s4, $0x1;
	s4 =	sadd.s32 s21, s2  }
0x9d: {  	[timem:s6], [sflag:s22] =	dma.local [hbm:s4], s20  }
0x9e: {  	_ =	swait.ge [sflag:s22], s20  }
0x9f: {  	s3 =	ssub.s32 $0x0, s20;
	[sflag:s22] =	ssyncset.done $0x0  }
0xa0: {  	[sflag:s22] =	ssyncadd.s32 s3;
	_ =	sdelay $0x1  }
0xa1: {  	s23 =	simm.s32 $0x1B8B  }
0xa2: {  	_ =	swait.ge [sflag:s23], $0x1  }
0xa3: {  	[sflag:s23] =	ssyncset.done $0x0  }
0xa4: {  	s25 =	simm.s32 $0x1B8E;
	s24 =	sld [smem:$0x3FFE];
	[sflag:s23] =	ssyncadd.s32 $0xFFFFFFFF  }
0xa5: {  	s26 =	simm.s32 $execute0_lowered;
	[smem:$0x3FD2] =	sst s25  }
0xa6: {  	s4 =	sshll.u32 s26, $0x1;
	_ =	strace $0x8000004C;
	[dreg:$0x1] =	wrdreg $0xFFFFFFFF  }
0xa7: {  	s28 =	simm.s32 $_size_execute0_lowered;
	s2 =	sadd.s32 s2, s4;
	[dreg:$0x0] =	wrdreg $0x0  }
0xa8: {  	s4 =	sshll.u32 s28, $0x1;
	[dreg:$0x2] =	wrdreg s2  }
0xa9: {  	[dreg:$0x3] =	wrdreg s4  }
0xaa: {  	[dreg:$0x4] =	wrdreg $0xC0  }
0xab: {  	_ =	task [dreg:s6], $0x5FFFF  }
0xac: {  	[dreg:$0x1] =	wrdreg $0xFFFFFFFF  }
0xad: {  	[dreg:$0x0] =	wrdreg $0x60  }
0xae: {  	[dreg:$0x2] =	wrdreg s24  }
0xaf: {  	[dreg:$0x3] =	wrdreg $0xC3000  }
0xb0: {  	[dreg:$0x4] =	wrdreg $0x9  }
0xb1: {  	_ =	task.clear_ibuf [dreg:s6], $0x5FFFF;
	_ =	strace $0x9000004C  }
0xb2: {  	s29 =	simm.s32 $0x9;
	_ =	strace $0x8000004E  }
0xb3: {  	_ =	swait.ge [sflag:s29], $0x1  }
0xb4: {  	[sflag:s29] =	ssyncadd.s32 $0xFFFFFFFF  }
0xb5: {  	_ =	strace $0x9000004E  }
0xb6: {  	_ =	sfence  }
0xb7: {  	s30 =	sld [smem:$0x0];
	_ =	sdelay $0x2  }
0xb8: {  	s31 =	sshll.u32 s1, $0xD;
	s1 =	sshrl.u32 s1, $0x2  }
0xb9: {  	s3 =	sand.u32 $0x4000, s31;
	s1 =	sadd.s32 s1, s30  }
0xba: {  	s0 =	sor.u32 s3, s0;
	s1 =	sshll.u32 s1, $0x11  }
0xbb: {  	s0 =	sor.u32 s1, s0  }
0xbc: {  	s0 =	sadd.s32 $0x8F2B, s0  }
0xbd: {  	[sflag:s0] =	ssyncadd.remote.s32 $0x1  }
0xbe: {  	_ =	sfence.sel $0xFFFF  }
0xbf: {  	[dreg:$0x0] =	wrdreg $0xFFFFFFFF;
	(pc) =	sbr.abs _section_cstart, $3  }
0xc0: {  	[dreg:$0x1] =	wrdreg $0xFFFFFFFF  }
0xc1: {  	_ =	task.clear_ibuf [dreg:s6], $0x2FFFF;
	_ =	strace $0x9FFFFFFF  }
0xc2: {  	(tm) =	ssettm $0x7FFFFFFF  }
0xc3: {  	_ =	shalt  }
tec
execute0_lowered:
.L_overlay_start_1:
0x0: {  	(tag) =	ssettag $0x1  }
0x1: {  	s0 =	rddreg [dreg:$0x0]  }
0x2: {  	s2 =	srdreg.scid;
	s1 =	simm.s32 $0x0;
	s14 =	stileid.u32  }
0x3: {  	s2 =	sand.u32 $0x1, s2;
	[smem:$0x7FF] =	sst s1;
	s4 =	smul.u32 $0xA000, s14  }
0x4: {  	s6 =	sadd.s32 $0x37000, s0;
	s3 =	sshll.u32 s2, $0x4;
	s5 =	ssub.s32 $0x2, s2  }
0x5: {  	s2 =	smul.u32 $0xA0000, s2;
	s3 =	sor.u32 s14, s3;
	s7 =	sshrl.u32 s5, $0x1  }
0x6: {  	s8 =	sor.u32 $0x1000, s4;
	s10 =	sadd.s32 $0x2000, s4;
	s14 =	smul.u32 $0x28000, s14  }
0x7: {  	s3 =	smul.u32 $0x530, s3;
	s5 =	ssub.s32 s5, s7;
	s12 =	sadd.s32 s2, s4  }
0x8: {  	s9 =	sadd.s32 s2, s8;
	s15 =	sadd.s32 s2, s10;
	s7 =	sshrl.u32 s12, $0x3  }
0x9: {  	s13 =	sshrl.u32 s9, $0x3;
	s16 =	sshrl.u32 s15, $0x3;
	s9 =	sadd.s32 $0x3000, s4  }
0xa: {  	s12 =	sadd.s32 $0x4000, s4;
	s26 =	sshrl.u32 s14, $0x2;
	s14 =	sadd.s32 $0x23000, s0  }
0xb: {  	s7 =	sadd.s32 s6, s7;
	s17 =	sadd.s32 s2, s9;
	s11 =	sadd.s32 s2, s12  }
0xc: {  	s3 =	sadd.s32 s3, s0;
	[dreg:$0x3] =	wrdreg s7;
	s7 =	sadd.s32 s6, s13  }
0xd: {  	s13 =	sadd.s32 $0x5000, s4;
	s18 =	sshrl.u32 s11, $0x3;
	s11 =	rddreg [dreg:$0x1]  }
0xe: {  	[dreg:$0x4] =	wrdreg s7;
	s7 =	sadd.s32 s6, s16;
	s19 =	sadd.s32 s2, s13  }
0xf: {  	s16 =	sadd.s32 $0x6000, s4;
	s15 =	sadd.s32 s26, s11;
	s26 =	sadd.s32 s13, s11  }
0x10: {  	s13 =	simm.s32 $0x7300;
	[dreg:$0x5] =	wrdreg s7;
	s7 =	sshrl.u32 s17, $0x3  }
0x11: {  	s20 =	sshrl.u32 s19, $0x3;
	s21 =	sadd.s32 s2, s16;
	s17 =	sadd.s32 $0x7000, s4  }
0x12: {  	s19 =	sadd.s32 $0x9000, s4;
	s30 =	sadd.s32 $0x1000, s15;
	s31 =	sadd.s32 $0x2000, s15  }
0x13: {  	s0 =	sadd.s32 $0x4000, s15;
	s7 =	sadd.s32 s6, s7;
	s22 =	sadd.s32 s2, s17  }
0x14: {  	[dreg:$0x6] =	wrdreg s7;
	s7 =	sadd.s32 s6, s18;
	s18 =	sadd.s32 $0x8000, s4  }
0x15: {  	[dreg:$0x7] =	wrdreg s7;
	s7 =	sadd.s32 s6, s20;
	s24 =	sadd.s32 s2, s18  }
0x16: {  	s2 =	sadd.s32 s2, s19;
	[dreg:$0x8] =	wrdreg s7;
	s7 =	sshrl.u32 s21, $0x3  }
0x17: {  	s29 =	sadd.s32 s19, s11;
	s2 =	sshrl.u32 s2, $0x3;
	s7 =	sadd.s32 s6, s7  }
0x18: {  	s23 =	sshrl.u32 s22, $0x3;
	s2 =	sadd.s32 s6, s2;
	[dreg:$0x9] =	wrdreg s7  }
0x19: {  	s25 =	sshrl.u32 s24, $0x3;
	s7 =	sadd.s32 s6, s23;
	[dreg:$0xc] =	wrdreg s2  }
0x1a: {  	s22 =	sadd.s32 s8, s11;
	[dreg:$0xa] =	wrdreg s7;
	s7 =	sadd.s32 s6, s25  }
0x1b: {  	s8 =	simm.s32 $0x4;
	s6 =	sadd.s32 $0x18A00, s3;
	[dreg:$0xb] =	wrdreg s7  }
0x1c: {  	s7 =	sadd.s32 $0x4400, s3;
	_ =	strace $0x8000004D;
	[dreg:$0xd] =	wrdreg s6  }
0x1d: {  	s20 =	sadd.s32 s4, s11;
	s28 =	sadd.s32 s18, s11;
	[dreg:$0xe] =	wrdreg s7  }
0x1e: {  	s4 =	sadd.s32 $0x7000, s15;
	s21 =	smax.u32 s5, $0x1;
	[dreg:$0xf] =	wrdreg s20  }
0x1f: {  	s18 =	simm.s32 $0x2;
	s19 =	simm.s32 $0x3;
	[dreg:$0x10] =	wrdreg s21  }
0x20: {  	s24 =	sadd.s32 s9, s11;
	s23 =	sadd.s32 s10, s11;
	[dreg:$0x11] =	wrdreg s22  }
0x21: {  	s5 =	sadd.s32 $0x8000, s15;
	s9 =	simm.s32 $0x80;
	[dreg:$0x12] =	wrdreg s23  }
0x22: {  	s10 =	sadd.s32 $0x3000, s15;
	s25 =	sadd.s32 s12, s11;
	[dreg:$0x13] =	wrdreg s24  }
0x23: {  	s2 =	sadd.s32 $0x5000, s15;
	s12 =	simm.s32 $0x5300;
	[dreg:$0x14] =	wrdreg s25  }
0x24: {  	s3 =	sadd.s32 $0x6000, s15;
	[dreg:$0x15] =	wrdreg s26;
	s25 =	sadd.s32 s16, s11  }
0x25: {  	s26 =	sadd.s32 s17, s11;
	s6 =	sadd.s32 $0x9000, s15;
	s7 =	simm.s32 $0xB300  }
0x26: {  	v0 =	vimm.f32 $0.0e+00;
	s16 =	simm.s32 $0x1;
	s17 =	simm.s32 $0x9300;
	s20 =	simm.s32 $0x0  }
.LBB2_1:
0x27: {  	s21 =	sand.u32 $0x3F00, s1  }
0x28: {  	s22 =	sand.u32 $0x30, s1;
	s23 =	sshrl.u32 s21, $0x2  }
0x29: {  	s21 =	simm.s32 $0x40;
	s23 =	sor.u32 s22, s23;
	s22 =	simm.s32 $0x0  }
.LBB2_2:
0x2a: {  	p0 =	sne.s32 s21, $0x3FC0  }
0x2b: {  	[tilespmem:s23+$0xB300] =	vst v0;
	s22 =	sadd.s32 $0x10, s22;
	s23 =	smov.u32 s21;
	s21 =	sadd.s32 $0x40, s21  }
.Ltmp0:
0x2c: {  	(pc) =	sbr.rel @p0 .LBB2_2-.Ltmp0, $4  }
0x2d: {  	_ = 	snop  }
0x2e: {  	s23 =	sand.u32 $0x3F00, s23  }
0x2f: {  	s24 =	sand.u32 $0x30, s22;
	s23 =	sshrl.u32 s23, $0x2  }
0x30: {  	s23 =	sor.u32 s24, s23  }
0x31: {  	[tilespmem:s23+$0xB300] =	vst v0  }
0x32: {  	[spmem:s15] =	stream.linear.scatter [tilespmem:s7], [sflag:$0x4], $0x1000, $0x38;
	[tilespmem:$0x16300] =	vst v63  }
0x33: {  	_ =	swait.ge [sflag:s8], $0x1000  }
0x34: {  	[sflag:s8] =	ssyncset.done $0x0  }
0x35: {  	[sflag:s8] =	ssyncadd.s32 $0xFFFFF000  }
0x36: {  	[spmem:s30] =	stream.linear.scatter [tilespmem:s7], [sflag:$0x4], $0x1000, $0x38;
	[tilespmem:$0x16300] =	vst v63  }
0x37: {  	_ =	swait.ge [sflag:s8], $0x1000  }
0x38: {  	[sflag:s8] =	ssyncset.done $0x0  }
0x39: {  	[sflag:s8] =	ssyncadd.s32 $0xFFFFF000  }
0x3a: {  	[spmem:s31] =	stream.linear.scatter [tilespmem:s7], [sflag:$0x4], $0x1000, $0x38;
	[tilespmem:$0x16300] =	vst v63  }
0x3b: {  	_ =	swait.ge [sflag:s8], $0x1000  }
0x3c: {  	[sflag:s8] =	ssyncset.done $0x0  }
0x3d: {  	[sflag:s8] =	ssyncadd.s32 $0xFFFFF000  }
0x3e: {  	[spmem:s10] =	stream.linear.scatter [tilespmem:s7], [sflag:$0x4], $0x1000, $0x38;
	[tilespmem:$0x16300] =	vst v63  }
0x3f: {  	_ =	swait.ge [sflag:s8], $0x1000  }
0x40: {  	[sflag:s8] =	ssyncset.done $0x0  }
0x41: {  	[sflag:s8] =	ssyncadd.s32 $0xFFFFF000  }
0x42: {  	[spmem:s0] =	stream.linear.scatter [tilespmem:s7], [sflag:$0x4], $0x1000, $0x38;
	[tilespmem:$0x16300] =	vst v63  }
0x43: {  	_ =	swait.ge [sflag:s8], $0x1000  }
0x44: {  	[sflag:s8] =	ssyncset.done $0x0  }
0x45: {  	[sflag:s8] =	ssyncadd.s32 $0xFFFFF000  }
0x46: {  	[spmem:s2] =	stream.linear.scatter [tilespmem:s7], [sflag:$0x4], $0x1000, $0x38;
	[tilespmem:$0x16300] =	vst v63  }
0x47: {  	_ =	swait.ge [sflag:s8], $0x1000  }
0x48: {  	[sflag:s8] =	ssyncset.done $0x0  }
0x49: {  	[sflag:s8] =	ssyncadd.s32 $0xFFFFF000  }
0x4a: {  	[spmem:s3] =	stream.linear.scatter [tilespmem:s7], [sflag:$0x4], $0x1000, $0x38;
	[tilespmem:$0x16300] =	vst v63  }
0x4b: {  	_ =	swait.ge [sflag:s8], $0x1000  }
0x4c: {  	[sflag:s8] =	ssyncset.done $0x0  }
0x4d: {  	[sflag:s8] =	ssyncadd.s32 $0xFFFFF000  }
0x4e: {  	[spmem:s4] =	stream.linear.scatter [tilespmem:s7], [sflag:$0x4], $0x1000, $0x38;
	[tilespmem:$0x16300] =	vst v63  }
0x4f: {  	_ =	swait.ge [sflag:s8], $0x1000  }
0x50: {  	[sflag:s8] =	ssyncset.done $0x0  }
0x51: {  	[sflag:s8] =	ssyncadd.s32 $0xFFFFF000  }
0x52: {  	[spmem:s5] =	stream.linear.scatter [tilespmem:s7], [sflag:$0x4], $0x1000, $0x38;
	[tilespmem:$0x16300] =	vst v63  }
0x53: {  	_ =	swait.ge [sflag:s8], $0x1000  }
0x54: {  	[sflag:s8] =	ssyncset.done $0x0  }
0x55: {  	[sflag:s8] =	ssyncadd.s32 $0xFFFFF000  }
0x56: {  	[spmem:s6] =	stream.linear.scatter [tilespmem:s7], [sflag:$0x4], $0x1000, $0x38;
	[tilespmem:$0x16300] =	vst v63  }
0x57: {  	_ =	swait.ge [sflag:s8], $0x1000  }
0x58: {  	[sflag:s8] =	ssyncset.done $0x0  }
0x59: {  	s21 =	simm.s32 $0x0;
	s22 =	rddreg [dreg:$0xd];
	[sflag:s8] =	ssyncadd.s32 $0xFFFFF000  }
0x5a: {  	[tilespmem:s21], [sflag:$0x4] =	stream.linear.gather [hbm4b:s22+s21], $0x2980, $0x38;
	[tilespmem:$0x16300] =	vst v63  }
0x5b: {  	_ =	swait.ge [sflag:s8], $0x2980  }
0x5c: {  	[sflag:s8] =	ssyncset.done $0x0  }
0x5d: {  	s24 =	simm.s32 $0x2980;
	s23 =	rddreg [dreg:$0xe];
	[sflag:s8] =	ssyncadd.s32 $0xFFFFD680  }
0x5e: {  	[tilespmem:s24], [sflag:$0x4] =	stream.linear.gather [hbm4b:s23+s21], $0x2980, $0x38;
	[tilespmem:$0x16300] =	vst v63  }
0x5f: {  	_ =	swait.ge [sflag:s8], $0x2980  }
0x60: {  	[sflag:s8] =	ssyncset.done $0x0  }
0x61: {  	[sflag:s8] =	ssyncadd.s32 $0xFFFFD680  }
0x62: {  	[bflag:$0x0] =	sbarrier.arrive $0xFFFF  }
0x63: {  	[tilespmem:s12], [sflag:$0x1] =	stream.indirect.gather [hbm4b:s14+s9], $0x40, s21, s9, $0xb8;
	[tilespmem:$0x16300] =	vst v63  }
0x64: {  	_ = 	snop  }
0x65: {  	[tilespmem:s13], [sflag:$0x2] =	stream.indirect.gather [hbm4b:s14+s9], $0x40, s9, s9, $0xb8;
	[tilespmem:$0x16300] =	vst v63  }
0x66: {  	_ =	swait.ge [sflag:s16], $0x2000  }
0x67: {  	[sflag:s16] =	ssyncset.done $0x0  }
0x68: {  	s22 =	simm.s32 $0x100;
	[sflag:s16] =	ssyncadd.s32 $0xFFFFE000  }
0x69: {  	[tilespmem:s17], [sflag:$0x3] =	stream.indirect.gather [hbm4b:s14+s9], $0x40, s22, s9, $0xb8;
	[tilespmem:$0x16300] =	vst v63  }
0x6a: {  	s23 =	simm.s32 $0x2980  }
0x6b: {  	[spmem:s11] =	stream.indirect.scatter.add.f32 [tilespmem:s12], [sflag:$0x4], $0x40, s23, s9, $0xb8;
	[tilespmem:$0x16300] =	vst v63  }
0x6c: {  	_ =	swait.ge [sflag:s8], $0x2000  }
0x6d: {  	[sflag:s8] =	ssyncset.done $0x0  }
0x6e: {  	[sflag:s8] =	ssyncadd.s32 $0xFFFFE000  }
0x6f: {  	_ =	swait.ge [sflag:s18], $0x2000  }
0x70: {  	[sflag:s18] =	ssyncset.done $0x0  }
0x71: {  	s24 =	simm.s32 $0x180;
	[sflag:s18] =	ssyncadd.s32 $0xFFFFE000  }
0x72: {  	[tilespmem:s12], [sflag:$0x1] =	stream.indirect.gather [hbm4b:s14+s9], $0x40, s24, s9, $0xb8;
	[tilespmem:$0x16300] =	vst v63  }
0x73: {  	s22 =	simm.s32 $0x2A00  }
0x74: {  	[spmem:s11] =	stream.indirect.scatter.add.f32 [tilespmem:s13], [sflag:$0x4], $0x40, s22, s9, $0xb8;
	[tilespmem:$0x16300] =	vst v63  }
0x75: {  	_ =	swait.ge [sflag:s8], $0x2000  }
0x76: {  	[sflag:s8] =	ssyncset.done $0x0  }
0x77: {  	[sflag:s8] =	ssyncadd.s32 $0xFFFFE000  }
0x78: {  	_ =	swait.ge [sflag:s19], $0x2000  }
0x79: {  	[sflag:s19] =	ssyncset.done $0x0  }
0x7a: {  	s23 =	simm.s32 $0x200;
	[sflag:s19] =	ssyncadd.s32 $0xFFFFE000  }
0x7b: {  	[tilespmem:s13], [sflag:$0x2] =	stream.indirect.gather [hbm4b:s14+s9], $0x40, s23, s9, $0xb8;
	[tilespmem:$0x16300] =	vst v63  }
0x7c: {  	s24 =	simm.s32 $0x2A80  }
0x7d: {  	[spmem:s11] =	stream.indirect.scatter.add.f32 [tilespmem:s17], [sflag:$0x4], $0x40, s24, s9, $0xb8;
	[tilespmem:$0x16300] =	vst v63  }
0x7e: {  	_ =	swait.ge [sflag:s8], $0x2000  }
0x7f: {  	s21 =	simm.s32 $0x600;
	[sflag:s8] =	ssyncset.done $0x0  }
.LBB2_4:
0x80: {  	p0 =	sne.s32 s21, $0x9C00  }
0x81: {  	[sflag:s8] =	ssyncadd.s32 $0xFFFFE000;
	s22 =	smov.u32 s21;
	s21 =	sadd.s32 $0x600, s21  }
0x82: {  	_ = 	snop  }
0x83: {  	_ =	swait.ge [sflag:s16], $0x2000  }
0x84: {  	s22 =	sshra.s32 s22, $0x2;
	[sflag:s16] =	ssyncset.done $0x0  }
0x85: {  	s23 =	sadd.s32 $0x100, s22;
	[sflag:s16] =	ssyncadd.s32 $0xFFFFE000  }
0x86: {  	[tilespmem:s17], [sflag:$0x3] =	stream.indirect.gather [hbm4b:s14+s9], $0x40, s23, s9, $0xb8;
	[tilespmem:$0x16300] =	vst v63  }
0x87: {  	s23 =	sadd.s32 $0x2980, s22  }
0x88: {  	[spmem:s11] =	stream.indirect.scatter.add.f32 [tilespmem:s12], [sflag:$0x4], $0x40, s23, s9, $0xb8;
	[tilespmem:$0x16300] =	vst v63  }
0x89: {  	_ =	swait.ge [sflag:s8], $0x2000  }
0x8a: {  	[sflag:s8] =	ssyncset.done $0x0  }
0x8b: {  	[sflag:s8] =	ssyncadd.s32 $0xFFFFE000  }
0x8c: {  	_ =	swait.ge [sflag:s18], $0x2000  }
0x8d: {  	[sflag:s18] =	ssyncset.done $0x0  }
0x8e: {  	s23 =	sadd.s32 $0x180, s22;
	[sflag:s18] =	ssyncadd.s32 $0xFFFFE000  }
0x8f: {  	[tilespmem:s12], [sflag:$0x1] =	stream.indirect.gather [hbm4b:s14+s9], $0x40, s23, s9, $0xb8;
	[tilespmem:$0x16300] =	vst v63  }
0x90: {  	s23 =	sadd.s32 $0x2A00, s22  }
0x91: {  	[spmem:s11] =	stream.indirect.scatter.add.f32 [tilespmem:s13], [sflag:$0x4], $0x40, s23, s9, $0xb8;
	[tilespmem:$0x16300] =	vst v63  }
0x92: {  	_ =	swait.ge [sflag:s8], $0x2000  }
0x93: {  	[sflag:s8] =	ssyncset.done $0x0  }
0x94: {  	[sflag:s8] =	ssyncadd.s32 $0xFFFFE000  }
0x95: {  	_ =	swait.ge [sflag:s19], $0x2000  }
0x96: {  	[sflag:s19] =	ssyncset.done $0x0  }
0x97: {  	s23 =	sadd.s32 $0x200, s22;
	[sflag:s19] =	ssyncadd.s32 $0xFFFFE000  }
0x98: {  	[tilespmem:s13], [sflag:$0x2] =	stream.indirect.gather [hbm4b:s14+s9], $0x40, s23, s9, $0xb8;
	[tilespmem:$0x16300] =	vst v63  }
.Ltmp1:
0x99: {  	_ = 	snop;
	(pc) =	sbr.rel @p0 .LBB2_4-.Ltmp1, $4  }
0x9a: {  	s22 =	sadd.s32 $0x2A80, s22  }
0x9b: {  	[spmem:s11] =	stream.indirect.scatter.add.f32 [tilespmem:s17], [sflag:$0x4], $0x40, s22, s9, $0xb8;
	[tilespmem:$0x16300] =	vst v63  }
0x9c: {  	_ =	swait.ge [sflag:s8], $0x2000  }
0x9d: {  	[sflag:s8] =	ssyncset.done $0x0  }
0x9e: {  	[sflag:s8] =	ssyncadd.s32 $0xFFFFE000  }
0x9f: {  	_ =	swait.ge [sflag:s16], $0x2000  }
0xa0: {  	[sflag:s16] =	ssyncset.done $0x0  }
0xa1: {  	[sflag:s16] =	ssyncadd.s32 $0xFFFFE000  }
0xa2: {  	_ =	swait.ge [sflag:s18], $0x2000  }
0xa3: {  	[sflag:s18] =	ssyncset.done $0x0  }
0xa4: {  	[sflag:s18] =	ssyncadd.s32 $0xFFFFE000  }
0xa5: {  	[bflag:$0x0] =	sbarrier.arrive $0xFFFF  }
0xa6: {  	s21 =	rddreg [dreg:$0xf]  }
0xa7: {  	[tilespmem:s7], [sflag:$0x4] =	stream.linear.gather [spmem:s21], $0x1000, $0x38;
	[tilespmem:$0x16300] =	vst v63  }
0xa8: {  	_ =	swait.ge [sflag:s8], $0x1000  }
0xa9: {  	[sflag:s8] =	ssyncset.done $0x0  }
0xaa: {  	s24 =	rddreg [dreg:$0x3];
	[sflag:s8] =	ssyncadd.s32 $0xFFFFF000  }
0xab: {  	[hbm4b:s24+s1] =	stream.linear.scatter [tilespmem:s7], [sflag:$0x4], $0x1000, $0x38;
	[tilespmem:$0x16300] =	vst v63  }
0xac: {  	_ =	swait.ge [sflag:s8], $0x1000  }
0xad: {  	[sflag:s8] =	ssyncset.done $0x0  }
0xae: {  	s22 =	rddreg [dreg:$0x11];
	[sflag:s8] =	ssyncadd.s32 $0xFFFFF000  }
0xaf: {  	[tilespmem:s7], [sflag:$0x4] =	stream.linear.gather [spmem:s22], $0x1000, $0x38;
	[tilespmem:$0x16300] =	vst v63  }
0xb0: {  	_ =	swait.ge [sflag:s8], $0x1000  }
0xb1: {  	[sflag:s8] =	ssyncset.done $0x0  }
0xb2: {  	s23 =	rddreg [dreg:$0x4];
	[sflag:s8] =	ssyncadd.s32 $0xFFFFF000  }
0xb3: {  	[hbm4b:s23+s1] =	stream.linear.scatter [tilespmem:s7], [sflag:$0x4], $0x1000, $0x38;
	[tilespmem:$0x16300] =	vst v63  }
0xb4: {  	_ =	swait.ge [sflag:s8], $0x1000  }
0xb5: {  	[sflag:s8] =	ssyncset.done $0x0  }
0xb6: {  	s24 =	rddreg [dreg:$0x12];
	[sflag:s8] =	ssyncadd.s32 $0xFFFFF000  }
0xb7: {  	[tilespmem:s7], [sflag:$0x4] =	stream.linear.gather [spmem:s24], $0x1000, $0x38;
	[tilespmem:$0x16300] =	vst v63  }
0xb8: {  	_ =	swait.ge [sflag:s8], $0x1000  }
0xb9: {  	[sflag:s8] =	ssyncset.done $0x0  }
0xba: {  	s22 =	rddreg [dreg:$0x5];
	[sflag:s8] =	ssyncadd.s32 $0xFFFFF000  }
0xbb: {  	[hbm4b:s22+s1] =	stream.linear.scatter [tilespmem:s7], [sflag:$0x4], $0x1000, $0x38;
	[tilespmem:$0x16300] =	vst v63  }
0xbc: {  	_ =	swait.ge [sflag:s8], $0x1000  }
0xbd: {  	[sflag:s8] =	ssyncset.done $0x0  }
0xbe: {  	s23 =	rddreg [dreg:$0x13];
	[sflag:s8] =	ssyncadd.s32 $0xFFFFF000  }
0xbf: {  	[tilespmem:s7], [sflag:$0x4] =	stream.linear.gather [spmem:s23], $0x1000, $0x38;
	[tilespmem:$0x16300] =	vst v63  }
0xc0: {  	_ =	swait.ge [sflag:s8], $0x1000  }
0xc1: {  	[sflag:s8] =	ssyncset.done $0x0  }
0xc2: {  	s24 =	rddreg [dreg:$0x6];
	[sflag:s8] =	ssyncadd.s32 $0xFFFFF000  }
0xc3: {  	[hbm4b:s24+s1] =	stream.linear.scatter [tilespmem:s7], [sflag:$0x4], $0x1000, $0x38;
	[tilespmem:$0x16300] =	vst v63  }
0xc4: {  	_ =	swait.ge [sflag:s8], $0x1000  }
0xc5: {  	[sflag:s8] =	ssyncset.done $0x0  }
0xc6: {  	s22 =	rddreg [dreg:$0x14];
	[sflag:s8] =	ssyncadd.s32 $0xFFFFF000  }
0xc7: {  	[tilespmem:s7], [sflag:$0x4] =	stream.linear.gather [spmem:s22], $0x1000, $0x38;
	[tilespmem:$0x16300] =	vst v63  }
0xc8: {  	_ =	swait.ge [sflag:s8], $0x1000  }
0xc9: {  	[sflag:s8] =	ssyncset.done $0x0  }
0xca: {  	s23 =	rddreg [dreg:$0x7];
	[sflag:s8] =	ssyncadd.s32 $0xFFFFF000  }
0xcb: {  	[hbm4b:s23+s1] =	stream.linear.scatter [tilespmem:s7], [sflag:$0x4], $0x1000, $0x38;
	[tilespmem:$0x16300] =	vst v63  }
0xcc: {  	_ =	swait.ge [sflag:s8], $0x1000  }
0xcd: {  	[sflag:s8] =	ssyncset.done $0x0  }
0xce: {  	s24 =	rddreg [dreg:$0x15];
	[sflag:s8] =	ssyncadd.s32 $0xFFFFF000  }
0xcf: {  	[tilespmem:s7], [sflag:$0x4] =	stream.linear.gather [spmem:s24], $0x1000, $0x38;
	[tilespmem:$0x16300] =	vst v63  }
0xd0: {  	_ =	swait.ge [sflag:s8], $0x1000  }
0xd1: {  	[sflag:s8] =	ssyncset.done $0x0  }
0xd2: {  	s22 =	rddreg [dreg:$0x8];
	[sflag:s8] =	ssyncadd.s32 $0xFFFFF000  }
0xd3: {  	[hbm4b:s22+s1] =	stream.linear.scatter [tilespmem:s7], [sflag:$0x4], $0x1000, $0x38;
	[tilespmem:$0x16300] =	vst v63  }
0xd4: {  	_ =	swait.ge [sflag:s8], $0x1000  }
0xd5: {  	[sflag:s8] =	ssyncset.done $0x0  }
0xd6: {  	[sflag:s8] =	ssyncadd.s32 $0xFFFFF000  }
0xd7: {  	[tilespmem:s7], [sflag:$0x4] =	stream.linear.gather [spmem:s25], $0x1000, $0x38;
	[tilespmem:$0x16300] =	vst v63  }
0xd8: {  	_ =	swait.ge [sflag:s8], $0x1000  }
0xd9: {  	[sflag:s8] =	ssyncset.done $0x0  }
0xda: {  	s23 =	rddreg [dreg:$0x9];
	[sflag:s8] =	ssyncadd.s32 $0xFFFFF000  }
0xdb: {  	[hbm4b:s23+s1] =	stream.linear.scatter [tilespmem:s7], [sflag:$0x4], $0x1000, $0x38;
	[tilespmem:$0x16300] =	vst v63  }
0xdc: {  	_ =	swait.ge [sflag:s8], $0x1000  }
0xdd: {  	[sflag:s8] =	ssyncset.done $0x0  }
0xde: {  	[sflag:s8] =	ssyncadd.s32 $0xFFFFF000  }
0xdf: {  	[tilespmem:s7], [sflag:$0x4] =	stream.linear.gather [spmem:s26], $0x1000, $0x38;
	[tilespmem:$0x16300] =	vst v63  }
0xe0: {  	_ =	swait.ge [sflag:s8], $0x1000  }
0xe1: {  	[sflag:s8] =	ssyncset.done $0x0  }
0xe2: {  	s24 =	rddreg [dreg:$0xa];
	[sflag:s8] =	ssyncadd.s32 $0xFFFFF000  }
0xe3: {  	[hbm4b:s24+s1] =	stream.linear.scatter [tilespmem:s7], [sflag:$0x4], $0x1000, $0x38;
	[tilespmem:$0x16300] =	vst v63  }
0xe4: {  	_ =	swait.ge [sflag:s8], $0x1000  }
0xe5: {  	[sflag:s8] =	ssyncset.done $0x0  }
0xe6: {  	[sflag:s8] =	ssyncadd.s32 $0xFFFFF000  }
0xe7: {  	[tilespmem:s7], [sflag:$0x4] =	stream.linear.gather [spmem:s28], $0x1000, $0x38;
	[tilespmem:$0x16300] =	vst v63  }
0xe8: {  	_ =	swait.ge [sflag:s8], $0x1000  }
0xe9: {  	[sflag:s8] =	ssyncset.done $0x0  }
0xea: {  	s22 =	rddreg [dreg:$0xb];
	[sflag:s8] =	ssyncadd.s32 $0xFFFFF000  }
0xeb: {  	[hbm4b:s22+s1] =	stream.linear.scatter [tilespmem:s7], [sflag:$0x4], $0x1000, $0x38;
	[tilespmem:$0x16300] =	vst v63  }
0xec: {  	_ =	swait.ge [sflag:s8], $0x1000  }
0xed: {  	[sflag:s8] =	ssyncset.done $0x0  }
0xee: {  	[sflag:s8] =	ssyncadd.s32 $0xFFFFF000  }
0xef: {  	[tilespmem:s7], [sflag:$0x4] =	stream.linear.gather [spmem:s29], $0x1000, $0x38;
	[tilespmem:$0x16300] =	vst v63  }
0xf0: {  	_ =	swait.ge [sflag:s8], $0x1000  }
0xf1: {  	[sflag:s8] =	ssyncset.done $0x0  }
0xf2: {  	s23 =	rddreg [dreg:$0xc];
	[sflag:s8] =	ssyncadd.s32 $0xFFFFF000  }
0xf3: {  	[hbm4b:s23+s1] =	stream.linear.scatter [tilespmem:s7], [sflag:$0x4], $0x1000, $0x38;
	[tilespmem:$0x16300] =	vst v63  }
0xf4: {  	_ =	swait.ge [sflag:s8], $0x1000  }
0xf5: {  	s20 =	sadd.s32 $0x1, s20;
	s24 =	rddreg [dreg:$0x10]  }
0xf6: {  	p0 =	sne.s32 s20, s24  }
.Ltmp2:
0xf7: {  	_ = 	snop;
	(pc) =	sbr.rel @p0 .LBB2_1-.Ltmp2, $3  }
0xf8: {  	_ =	sdelay $0x1  }
0xf9: {  	[sflag:s8] =	ssyncset.done $0x0  }
0xfa: {  	[sflag:s8] =	ssyncadd.s32 $0xFFFFF000  }
0xfb: {  	_ =	sfence.sel $0x180000  }
0xfc: {  	[bflag:$0x0] =	sbarrier.arrive $0xFFFF  }
0xfd: {  	_ =	strace $0x9000004D  }
0xfe: {  	s0 =	stileid.u32;
	[bflag:$0x2] =	sbarrier.arrive $0xFFFF  }
0xff: {  	p0 =	sne.s32 s0, $0x0;
	s0 =	rddreg [dreg:$0x2]  }
0x100: {  	s0 =	sadd.s32 @!p0 $0x100000, s0  }
0x101: {  	[sflag:s0] =	ssyncadd.tile.s32 @!p0 $0x1;
	_ =	shalt  }
.Lfunc_end2:
_tile_overlayer_lowered:
.L_overlay_start_2:
0x102: {  	(tag) =	ssettag $0x2  }
0x103: {  	s0 =	rddreg [dreg:$0x0];
	s2 =	stileid.u32  }
0x104: {  	s1 =	rddreg [dreg:$0x1];
	p0 =	sne.s32 s2, $0x0  }
0x105: {  	s3 =	rddreg [dreg:$0x2];
	[bflag:$0x3] =	sbarrier.arrive $0xFFFF;
	s2 =	simm.s32 @!p0 $0x1C04  }
0x106: {  	[timem:s3], [sflag:s2] =	dma.local @!p0 [hbm:s0], s1  }
0x107: {  	s0 =	simm.s32 @!p0 $0x4  }
0x108: {  	_ =	swait.ge @!p0 [sflag:s0], s1  }
0x109: {  	s1 =	ssub.s32 @!p0 $0x0, s1;
	[sflag:s0] =	ssyncset.done @!p0 $0x0  }
0x10a: {  	[sflag:s0] =	ssyncadd.s32 @!p0 s1  }
0x10b: {  	[bflag:$0x3] =	sbarrier.arrive $0xFFFF  }
0x10c: {  	_ =	shalt  }

// kernel: kernel.19.cloned.1.call-start
scs
__scs_entry_jumppad:
0x0: {  	(pc) =	sbr.rel $0x88, $3  }
0x1: {  	(tag) =	ssettag $0x0;
	lr =	simm.s32 $0x1  }
0x2: {  	[smem:$0x3F8A] =	sst lr;
	_ =	strace $0xD0000000  }
0x3: {  	_ = 	snop  }
0x4: {  	_ = 	snop  }
0x5: {  	_ = 	snop  }
0x6: {  	_ = 	snop  }
0x7: {  	_ = 	snop  }
__scs_overlays_trampoline_lowered:
0x8: {  	[smem:$0x3F99] =	sst s0  }
0x9: {  	[smem:$0x3F9A] =	sst s1  }
0xa: {  	[smem:$0x3F9B] =	sst s2  }
0xb: {  	[smem:$0x3F9C] =	sst s3  }
0xc: {  	[smem:$0x3F9D] =	sst s4  }
0xd: {  	[smem:$0x3F9E] =	sst s5  }
0xe: {  	[smem:$0x3F9F] =	sst s6  }
0xf: {  	[smem:$0x3FA0] =	sst s7  }
0x10: {  	[smem:$0x3FA1] =	sst s8  }
0x11: {  	[smem:$0x3FA2] =	sst s9;
	s0 =	simm.s32 @!p0 $0x0  }
0x12: {  	s1 =	sld [smem:$0x3F88];
	s0 =	simm.s32 @p0 $0x1  }
0x13: {  	[smem:$0x3FA3] =	sst s0;
	s0 =	simm.s32 @!p1 $0x0  }
0x14: {  	s2 =	sld [smem:$0x3F87];
	s0 =	simm.s32 @p1 $0x1  }
0x15: {  	[smem:$0x3FA4] =	sst s0;
	s0 =	simm.s32 @!p2 $0x0  }
0x16: {  	s3 =	sld [smem:$0x3FDB];
	s0 =	simm.s32 @p2 $0x1  }
0x17: {  	s4 =	simm.s32 $0x1BF5;
	[smem:$0x3FA6] =	sst s0  }
0x18: {  	s0 =	sld [smem:$0x3F89];
	_ =	swait.ge [sflag:s4], $0x0  }
0x19: {  	s7 =	sld [smem:$0x3F8A]  }
0x1a: {  	s8 =	sadd.s32 $0xFFFFE003, lr  }
0x1b: {  	s9 =	sadd.s32 $0xFFFFFEF7, lr;
	s5 =	simm.s32 $0xFFFFFFFF;
	p2 =	slt.u32 s8, $0xFFFFF086  }
0x1c: {  	p1 =	slt.u32 s9, $0xF7A;
	s5 =	simm.s32 @!p2 $0x0  }
0x1d: {  	s5 =	simm.s32 @p1 $0x1;
	p0 =	seq.s32 s7, s2  }
0x1e: {  	s7 =	smul.u32 @!p0 $0xF7A, s2;
	p2 =	seq.s32 @!p0 s5, $0x0  }
0x1f: {  	s9 =	smul.u32 $0xF7A, s1;
	s8 =	simm.s32 @!p0 $0x1BF5;
	p2 =	por !p2, p0  }
0x20: {  	[sflag:s8] =	ssyncset.s32 @!p0 $0xFFFFF086;
	s6 =	sadd.s32 @!p0 s3, s7;
	s7 =	simm.s32 @!p0 $0x108  }
0x21: {  	s3 =	sadd.s32 s3, s9;
	s6 =	sadd.s32 @!p0 $0x88, s6;
	s7 =	simm.s32 @p2 $0x1082  }
0x22: {  	[simem:s7], [sflag:s8] =	dma.local @!p0 [hbm:s6], $0xF7A  }
0x23: {  	s9 =	sor.u32 $0xD0000000, s2;
	s6 =	simm.s32 $0x108;
	_ =	swait.ge @!p0 [sflag:s8], $0x0  }
0x24: {  	s3 =	sadd.s32 $0x88, s3;
	s6 =	simm.s32 @!p1 $0x1082;
	[sflag:s4] =	ssyncset.s32 $0xFFFFF086  }
0x25: {  	[simem:s6], [sflag:s4] =	dma.local [hbm:s3], $0xF7A  }
0x26: {  	[smem:$0x3F8A] =	sst s1;
	(tag) =	ssettag s2;
	_ =	strace s9  }
0x27: {  	s1 =	sld [smem:$0x3F9A]  }
0x28: {  	s2 =	sld [smem:$0x3F9B]  }
0x29: {  	s4 =	sld [smem:$0x3F9D]  }
0x2a: {  	p0 =	seq.s32 s5, $0x0;
	s5 =	sld [smem:$0x3F9E]  }
0x2b: {  	s6 =	sld [smem:$0x3F9F]  }
0x2c: {  	s7 =	sld [smem:$0x3FA0]  }
0x2d: {  	s3 =	simm.s32 $0x108;
	s8 =	sld [smem:$0x3FA1]  }
0x2e: {  	s3 =	simm.s32 @!p0 $0x1082;
	s9 =	sld [smem:$0x3FA2]  }
0x2f: {  	lr =	sadd.s32 s0, s3;
	s0 =	sld [smem:$0x3F99]  }
0x30: {  	s3 =	sld [smem:$0x3F9C]  }
0x31: {  	[smem:$0x3FA5] =	sst s10  }
0x32: {  	s10 =	sld [smem:$0x3FA3];
	_ =	sdelay $0x3  }
0x33: {  	p0 =	seq.s32 s10, $0x1;
	s10 =	sld [smem:$0x3FA5];
	_ =	sdelay $0x3  }
0x34: {  	[smem:$0x3FA5] =	sst s10  }
0x35: {  	s10 =	sld [smem:$0x3FA4];
	_ =	sdelay $0x3  }
0x36: {  	p1 =	seq.s32 s10, $0x1;
	s10 =	sld [smem:$0x3FA5];
	_ =	sdelay $0x3  }
0x37: {  	[smem:$0x3FA5] =	sst s10  }
0x38: {  	s10 =	sld [smem:$0x3FA6]  }
0x39: {  	_ = 	snop;
	(pc) =	sbr.ind lr, $3  }
0x3a: {  	_ = 	snop  }
0x3b: {  	_ = 	snop  }
0x3c: {  	p2 =	seq.s32 s10, $0x1;
	s10 =	sld [smem:$0x3FA5]  }
0x3d: {  	_ =	shalt  }
0x3e: {  	_ =	shalt  }
0x3f: {  	_ =	shalt  }
0x40: {  	_ =	shalt  }
0x41: {  	_ =	shalt  }
0x42: {  	_ =	shalt  }
0x43: {  	_ =	shalt  }
0x44: {  	_ =	shalt  }
0x45: {  	_ =	shalt  }
0x46: {  	_ =	shalt  }
0x47: {  	_ =	shalt  }
0x48: {  	_ =	shalt  }
0x49: {  	_ =	shalt  }
0x4a: {  	_ =	shalt  }
0x4b: {  	_ =	shalt  }
0x4c: {  	_ =	shalt  }
0x4d: {  	_ =	shalt  }
0x4e: {  	_ =	shalt  }
0x4f: {  	_ =	shalt  }
0x50: {  	_ =	shalt  }
0x51: {  	_ =	shalt  }
0x52: {  	_ =	shalt  }
0x53: {  	_ =	shalt  }
0x54: {  	_ =	shalt  }
0x55: {  	_ =	shalt  }
0x56: {  	_ =	shalt  }
0x57: {  	_ =	shalt  }
0x58: {  	_ =	shalt  }
0x59: {  	_ =	shalt  }
0x5a: {  	_ =	shalt  }
0x5b: {  	_ =	shalt  }
0x5c: {  	_ =	shalt  }
0x5d: {  	_ =	shalt  }
0x5e: {  	_ =	shalt  }
0x5f: {  	_ =	shalt  }
0x60: {  	_ =	shalt  }
0x61: {  	_ =	shalt  }
0x62: {  	_ =	shalt  }
0x63: {  	_ =	shalt  }
0x64: {  	_ =	shalt  }
0x65: {  	_ =	shalt  }
0x66: {  	_ =	shalt  }
0x67: {  	_ =	shalt  }
0x68: {  	_ =	shalt  }
0x69: {  	_ =	shalt  }
0x6a: {  	_ =	shalt  }
0x6b: {  	_ =	shalt  }
0x6c: {  	_ =	shalt  }
0x6d: {  	_ =	shalt  }
0x6e: {  	_ =	shalt  }
0x6f: {  	_ =	shalt  }
0x70: {  	_ =	shalt  }
0x71: {  	_ =	shalt  }
0x72: {  	_ =	shalt  }
0x73: {  	_ =	shalt  }
0x74: {  	_ =	shalt  }
0x75: {  	_ =	shalt  }
0x76: {  	_ =	shalt  }
0x77: {  	_ =	shalt  }
0x78: {  	_ =	shalt  }
0x79: {  	_ =	shalt  }
0x7a: {  	_ =	shalt  }
0x7b: {  	_ =	shalt  }
0x7c: {  	_ =	shalt  }
0x7d: {  	_ =	shalt  }
0x7e: {  	_ =	shalt  }
0x7f: {  	_ =	shalt  }
0x80: {  	_ =	shalt  }
0x81: {  	_ =	shalt  }
0x82: {  	_ =	shalt  }
0x83: {  	_ =	shalt  }
0x84: {  	_ =	shalt  }
0x85: {  	_ =	shalt  }
0x86: {  	_ =	shalt  }
0x87: {  	_ =	shalt  }
.Lfunc_end0:
.L_simem_size_0:
called_computation.3_lowered:
.L_overlay_start_0:
0x88: {  	s2 =	sld [smem:$0x3FD9]  }
0x89: {  	s3 =	sld [smem:$0x3FFE];
	_ =	sdelay $0x1  }
0x8a: {  	s1 =	srdreg.scid  }
0x8b: {  	s0 =	sand.u32 $0x1, s1  }
0x8c: {  	s16 =	sshll.u32 s0, $0xA;
	s2 =	sadd.s32 s3, s2  }
0x8d: {  	s2 =	sadd.s32 s2, s16  }
0x8e: {  	[smem:$0x3FB1] =	sst s2  }
0x8f: {  	_ = 	snop  }
0x90: {  	(tm) =	ssettm $0x1  }
0x91: {  	s17 =	sld [smem:$0x3FFB];
	_ =	sdelay $0x3  }
0x92: {  	_ =	strace s17  }
0x93: {  	s2 =	sld [smem:$0x3FFC];
	_ =	sdelay $0x3  }
0x94: {  	_ =	strace s2  }
0x95: {  	s2 =	sld [smem:$0x3FFD];
	_ =	sdelay $0x3  }
0x96: {  	_ =	strace s2  }
0x97: {  	_ =	strace $0x8FFFFFFF  }
0x98: {  	s18 =	sld [smem:$0x3FDB];
	_ =	sdelay $0x1  }
0x99: {  	s19 =	simm.s32 $_scs_section_size  }
0x9a: {  	s4 =	simm.s32 $_size__tile_overlayer_lowered;
	s5 =	simm.s32 $_tile_overlayer_lowered  }
0x9b: {  	s22 =	simm.s32 $0x1BFF;
	s21 =	sshll.u32 s5, $0x1;
	s2 =	sadd.s32 s19, s18  }
0x9c: {  	s6 =	simm.s32 $0x0;
	s20 =	sshll.u32 s4, $0x1;
	s4 =	sadd.s32 s21, s2  }
0x9d: {  	[timem:s6], [sflag:s22] =	dma.local [hbm:s4], s20  }
0x9e: {  	_ =	swait.ge [sflag:s22], s20  }
0x9f: {  	s3 =	ssub.s32 $0x0, s20;
	[sflag:s22] =	ssyncset.done $0x0  }
0xa0: {  	[sflag:s22] =	ssyncadd.s32 s3;
	_ =	sdelay $0x1  }
0xa1: {  	s23 =	simm.s32 $0x1B8B  }
0xa2: {  	_ =	swait.ge [sflag:s23], $0x1  }
0xa3: {  	[sflag:s23] =	ssyncset.done $0x0  }
0xa4: {  	s25 =	simm.s32 $0x1B8E;
	s24 =	sld [smem:$0x3FFE];
	[sflag:s23] =	ssyncadd.s32 $0xFFFFFFFF  }
0xa5: {  	s26 =	simm.s32 $execute0_lowered;
	[smem:$0x3FD2] =	sst s25  }
0xa6: {  	s4 =	sshll.u32 s26, $0x1;
	_ =	strace $0x8000004F;
	[dreg:$0x1] =	wrdreg $0xFFFFFFFF  }
0xa7: {  	s28 =	simm.s32 $_size_execute0_lowered;
	s2 =	sadd.s32 s2, s4;
	[dreg:$0x0] =	wrdreg $0x0  }
0xa8: {  	s4 =	sshll.u32 s28, $0x1;
	[dreg:$0x2] =	wrdreg s2  }
0xa9: {  	[dreg:$0x3] =	wrdreg s4  }
0xaa: {  	[dreg:$0x4] =	wrdreg $0xC0  }
0xab: {  	_ =	task [dreg:s6], $0x5FFFF  }
0xac: {  	[dreg:$0x1] =	wrdreg $0xFFFFFFFF  }
0xad: {  	[dreg:$0x0] =	wrdreg $0x60  }
0xae: {  	[dreg:$0x2] =	wrdreg s24  }
0xaf: {  	[dreg:$0x3] =	wrdreg $0xBB000  }
0xb0: {  	[dreg:$0x4] =	wrdreg $0x9  }
0xb1: {  	_ =	task.clear_ibuf [dreg:s6], $0x5FFFF;
	_ =	strace $0x9000004F  }
0xb2: {  	s29 =	simm.s32 $0x9;
	_ =	strace $0x80000051  }
0xb3: {  	_ =	swait.ge [sflag:s29], $0x1  }
0xb4: {  	[sflag:s29] =	ssyncadd.s32 $0xFFFFFFFF  }
0xb5: {  	_ =	strace $0x90000051  }
0xb6: {  	_ =	sfence  }
0xb7: {  	s30 =	sld [smem:$0x0];
	_ =	sdelay $0x2  }
0xb8: {  	s31 =	sshll.u32 s1, $0xD;
	s1 =	sshrl.u32 s1, $0x2  }
0xb9: {  	s3 =	sand.u32 $0x4000, s31;
	s1 =	sadd.s32 s1, s30  }
0xba: {  	s0 =	sor.u32 s3, s0;
	s1 =	sshll.u32 s1, $0x11  }
0xbb: {  	s0 =	sor.u32 s1, s0  }
0xbc: {  	s0 =	sadd.s32 $0x8F2B, s0  }
0xbd: {  	[sflag:s0] =	ssyncadd.remote.s32 $0x1  }
0xbe: {  	_ =	sfence.sel $0xFFFF  }
0xbf: {  	[dreg:$0x0] =	wrdreg $0xFFFFFFFF;
	(pc) =	sbr.abs _section_cstart, $3  }
0xc0: {  	[dreg:$0x1] =	wrdreg $0xFFFFFFFF  }
0xc1: {  	_ =	task.clear_ibuf [dreg:s6], $0x2FFFF;
	_ =	strace $0x9FFFFFFF  }
0xc2: {  	(tm) =	ssettm $0x7FFFFFFF  }
0xc3: {  	_ =	shalt  }
tec
execute0_lowered:
.L_overlay_start_1:
0x0: {  	(tag) =	ssettag $0x1  }
0x1: {  	s6 =	rddreg [dreg:$0x0]  }
0x2: {  	s0 =	srdreg.scid;
	s2 =	rddreg [dreg:$0x1];
	s3 =	simm.s32 $0x0  }
0x3: {  	s12 =	simm.s32 $0x2980;
	s13 =	simm.s32 $0x40;
	s14 =	simm.s32 $0x5300  }
0x4: {  	s15 =	simm.s32 $0x7300;
	s16 =	simm.s32 $0x1;
	s17 =	simm.s32 $0x9300  }
0x5: {  	s18 =	simm.s32 $0x2;
	s5 =	sand.u32 $0x1, s0;
	s0 =	stileid.u32  }
0x6: {  	s19 =	simm.s32 $0x3;
	s20 =	simm.s32 $0x0;
	s7 =	smul.u32 $0x14000, s0  }
0x7: {  	[smem:$0x7FF] =	sst s3;
	s1 =	sshll.u32 s5, $0x4;
	s8 =	smul.u32 $0x140000, s5  }
0x8: {  	s10 =	smul.u32 $0x50000, s0;
	s5 =	ssub.s32 $0x2, s5;
	s1 =	sor.u32 s0, s1  }
0x9: {  	s31 =	sshrl.u32 s5, $0x1;
	s4 =	smul.u32 $0x530, s1;
	s1 =	rddreg [dreg:$0x2]  }
0xa: {  	_ =	strace $0x80000050;
	s7 =	sadd.s32 s7, s8;
	s10 =	sshrl.u32 s10, $0x2  }
0xb: {  	s8 =	ssub.s32 s5, s31;
	s7 =	sshrl.u32 s7, $0x3;
	s5 =	sadd.s32 s10, s2  }
0xc: {  	s8 =	smax.u32 s8, $0x1;
	s10 =	simm.s32 $0xB300;
	s9 =	sadd.s32 s4, s6  }
0xd: {  	s4 =	sadd.s32 $0x23000, s6;
	s11 =	sadd.s32 s7, s6;
	s6 =	sadd.s32 $0x18A00, s9  }
0xe: {  	v0 =	vimm.f32 $0.0e+00;
	s7 =	sadd.s32 $0x4400, s9;
	s9 =	sadd.s32 $0x4B000, s11;
	s11 =	simm.s32 $0x4  }
.LBB2_1:
0xf: {  	s21 =	simm.s32 $0x0;
	s22 =	simm.s32 $0x0  }
.LBB2_2:
0x10: {  	p0 =	sne.s32 s22, $0x1FC0  }
.Ltmp0:
0x11: {  	_ = 	snop;
	(pc) =	sbr.rel @p0 .LBB2_2-.Ltmp0, $4  }
0x12: {  	s23 =	sand.u32 $0x1E00, s22  }
0x13: {  	s24 =	sand.u32 $0x70, s21;
	s23 =	sshrl.u32 s23, $0x2  }
0x14: {  	s23 =	sor.u32 s24, s23  }
0x15: {  	s21 =	sadd.s32 $0x10, s21;
	s22 =	sadd.s32 $0x40, s22;
	[tilespmem:s23+$0xB300] =	vst v0  }
0x16: {  	s21 =	sadd.s32 $0x0, s5  }
0x17: {  	[spmem:s21] =	stream.linear.scatter [tilespmem:s10], [sflag:$0x4], $0x800, $0x38;
	[tilespmem:$0x1FB00] =	vst v63  }
0x18: {  	s21 =	simm.s32 $0x2000;
	_ =	swait.ge [sflag:s11], $0x800  }
.LBB2_4:
0x19: {  	s22 =	sshra.s32 s21, $0x2;
	[sflag:s11] =	ssyncset.done $0x0;
	p0 =	sne.s32 s21, $0x4E000  }
.Ltmp1:
0x1a: {  	s22 =	sadd.s32 s22, s5;
	[sflag:s11] =	ssyncadd.s32 $0xFFFFF800;
	(pc) =	sbr.rel @p0 .LBB2_4-.Ltmp1, $3  }
0x1b: {  	[spmem:s22] =	stream.linear.scatter [tilespmem:s10], [sflag:$0x4], $0x800, $0x38;
	[tilespmem:$0x1FB00] =	vst v63  }
0x1c: {  	s21 =	sadd.s32 $0x2000, s21;
	_ =	sdelay $0x1  }
0x1d: {  	_ =	swait.ge [sflag:s11], $0x800  }
0x1e: {  	[sflag:s11] =	ssyncset.done $0x0  }
0x1f: {  	s21 =	simm.s32 $0x0;
	[sflag:s11] =	ssyncadd.s32 $0xFFFFF800  }
0x20: {  	[tilespmem:s21], [sflag:$0x4] =	stream.linear.gather [hbm4b:s6+s21], $0x2980, $0x38;
	[tilespmem:$0x1FB00] =	vst v63  }
0x21: {  	_ =	swait.ge [sflag:s11], $0x2980  }
0x22: {  	[sflag:s11] =	ssyncset.done $0x0  }
0x23: {  	[sflag:s11] =	ssyncadd.s32 $0xFFFFD680  }
0x24: {  	[tilespmem:s12], [sflag:$0x4] =	stream.linear.gather [hbm4b:s7+s21], $0x2980, $0x38;
	[tilespmem:$0x1FB00] =	vst v63  }
0x25: {  	_ =	swait.ge [sflag:s11], $0x2980  }
0x26: {  	[sflag:s11] =	ssyncset.done $0x0  }
0x27: {  	[sflag:s11] =	ssyncadd.s32 $0xFFFFD680  }
0x28: {  	[bflag:$0x0] =	sbarrier.arrive $0xFFFF  }
0x29: {  	[tilespmem:s14], [sflag:$0x1] =	stream.indirect.gather [hbm4b:s4+s13], $0x80, s21, s13, $0xb8;
	[tilespmem:$0x1FB00] =	vst v63  }
0x2a: {  	_ = 	snop  }
0x2b: {  	[tilespmem:s15], [sflag:$0x2] =	stream.indirect.gather [hbm4b:s4+s13], $0x80, s13, s13, $0xb8;
	[tilespmem:$0x1FB00] =	vst v63  }
0x2c: {  	_ =	swait.ge [sflag:s16], $0x2000  }
0x2d: {  	[sflag:s16] =	ssyncset.done $0x0  }
0x2e: {  	s25 =	simm.s32 $0x80;
	[sflag:s16] =	ssyncadd.s32 $0xFFFFE000  }
0x2f: {  	[tilespmem:s17], [sflag:$0x3] =	stream.indirect.gather [hbm4b:s4+s13], $0x80, s25, s13, $0xb8;
	[tilespmem:$0x1FB00] =	vst v63  }
0x30: {  	s26 =	simm.s32 $0x2980  }
0x31: {  	[spmem:s2] =	stream.indirect.scatter.add.f32 [tilespmem:s14], [sflag:$0x4], $0x80, s26, s13, $0xb8;
	[tilespmem:$0x1FB00] =	vst v63  }
0x32: {  	_ =	swait.ge [sflag:s11], $0x2000  }
0x33: {  	[sflag:s11] =	ssyncset.done $0x0  }
0x34: {  	[sflag:s11] =	ssyncadd.s32 $0xFFFFE000  }
0x35: {  	_ =	swait.ge [sflag:s18], $0x2000  }
0x36: {  	[sflag:s18] =	ssyncset.done $0x0  }
0x37: {  	s28 =	simm.s32 $0xC0;
	[sflag:s18] =	ssyncadd.s32 $0xFFFFE000  }
0x38: {  	[tilespmem:s14], [sflag:$0x1] =	stream.indirect.gather [hbm4b:s4+s13], $0x80, s28, s13, $0xb8;
	[tilespmem:$0x1FB00] =	vst v63  }
0x39: {  	s29 =	simm.s32 $0x29C0  }
0x3a: {  	[spmem:s2] =	stream.indirect.scatter.add.f32 [tilespmem:s15], [sflag:$0x4], $0x80, s29, s13, $0xb8;
	[tilespmem:$0x1FB00] =	vst v63  }
0x3b: {  	_ =	swait.ge [sflag:s11], $0x2000  }
0x3c: {  	[sflag:s11] =	ssyncset.done $0x0  }
0x3d: {  	[sflag:s11] =	ssyncadd.s32 $0xFFFFE000  }
0x3e: {  	_ =	swait.ge [sflag:s19], $0x2000  }
0x3f: {  	[sflag:s19] =	ssyncset.done $0x0  }
0x40: {  	s30 =	simm.s32 $0x100;
	[sflag:s19] =	ssyncadd.s32 $0xFFFFE000  }
0x41: {  	[tilespmem:s15], [sflag:$0x2] =	stream.indirect.gather [hbm4b:s4+s13], $0x80, s30, s13, $0xb8;
	[tilespmem:$0x1FB00] =	vst v63  }
0x42: {  	s31 =	simm.s32 $0x2A00  }
0x43: {  	[spmem:s2] =	stream.indirect.scatter.add.f32 [tilespmem:s17], [sflag:$0x4], $0x80, s31, s13, $0xb8;
	[tilespmem:$0x1FB00] =	vst v63  }
0x44: {  	_ =	swait.ge [sflag:s11], $0x2000  }
0x45: {  	s21 =	simm.s32 $0x300;
	[sflag:s11] =	ssyncset.done $0x0  }
.LBB2_6:
0x46: {  	p0 =	sne.s32 s21, $0x9F00  }
0x47: {  	[sflag:s11] =	ssyncadd.s32 $0xFFFFE000;
	s22 =	smov.u32 s21;
	s21 =	sadd.s32 $0x300, s21  }
0x48: {  	_ = 	snop  }
0x49: {  	_ =	swait.ge [sflag:s16], $0x2000  }
0x4a: {  	s22 =	sshra.s32 s22, $0x2;
	[sflag:s16] =	ssyncset.done $0x0  }
0x4b: {  	s23 =	sadd.s32 $0x80, s22;
	[sflag:s16] =	ssyncadd.s32 $0xFFFFE000  }
0x4c: {  	[tilespmem:s17], [sflag:$0x3] =	stream.indirect.gather [hbm4b:s4+s13], $0x80, s23, s13, $0xb8;
	[tilespmem:$0x1FB00] =	vst v63  }
0x4d: {  	s23 =	sadd.s32 $0x2980, s22  }
0x4e: {  	[spmem:s2] =	stream.indirect.scatter.add.f32 [tilespmem:s14], [sflag:$0x4], $0x80, s23, s13, $0xb8;
	[tilespmem:$0x1FB00] =	vst v63  }
0x4f: {  	_ =	swait.ge [sflag:s11], $0x2000  }
0x50: {  	[sflag:s11] =	ssyncset.done $0x0  }
0x51: {  	[sflag:s11] =	ssyncadd.s32 $0xFFFFE000  }
0x52: {  	_ =	swait.ge [sflag:s18], $0x2000  }
0x53: {  	[sflag:s18] =	ssyncset.done $0x0  }
0x54: {  	s23 =	sadd.s32 $0xC0, s22;
	[sflag:s18] =	ssyncadd.s32 $0xFFFFE000  }
0x55: {  	[tilespmem:s14], [sflag:$0x1] =	stream.indirect.gather [hbm4b:s4+s13], $0x80, s23, s13, $0xb8;
	[tilespmem:$0x1FB00] =	vst v63  }
0x56: {  	s23 =	sadd.s32 $0x29C0, s22  }
0x57: {  	[spmem:s2] =	stream.indirect.scatter.add.f32 [tilespmem:s15], [sflag:$0x4], $0x80, s23, s13, $0xb8;
	[tilespmem:$0x1FB00] =	vst v63  }
0x58: {  	_ =	swait.ge [sflag:s11], $0x2000  }
0x59: {  	[sflag:s11] =	ssyncset.done $0x0  }
0x5a: {  	[sflag:s11] =	ssyncadd.s32 $0xFFFFE000  }
0x5b: {  	_ =	swait.ge [sflag:s19], $0x2000  }
0x5c: {  	[sflag:s19] =	ssyncset.done $0x0  }
0x5d: {  	s23 =	sadd.s32 $0x100, s22;
	[sflag:s19] =	ssyncadd.s32 $0xFFFFE000  }
0x5e: {  	[tilespmem:s15], [sflag:$0x2] =	stream.indirect.gather [hbm4b:s4+s13], $0x80, s23, s13, $0xb8;
	[tilespmem:$0x1FB00] =	vst v63  }
.Ltmp2:
0x5f: {  	_ = 	snop;
	(pc) =	sbr.rel @p0 .LBB2_6-.Ltmp2, $4  }
0x60: {  	s22 =	sadd.s32 $0x2A00, s22  }
0x61: {  	[spmem:s2] =	stream.indirect.scatter.add.f32 [tilespmem:s17], [sflag:$0x4], $0x80, s22, s13, $0xb8;
	[tilespmem:$0x1FB00] =	vst v63  }
0x62: {  	_ =	swait.ge [sflag:s11], $0x2000  }
0x63: {  	[sflag:s11] =	ssyncset.done $0x0  }
0x64: {  	[sflag:s11] =	ssyncadd.s32 $0xFFFFE000  }
0x65: {  	_ =	swait.ge [sflag:s16], $0x2000  }
0x66: {  	[sflag:s16] =	ssyncset.done $0x0  }
0x67: {  	[sflag:s16] =	ssyncadd.s32 $0xFFFFE000  }
0x68: {  	_ =	swait.ge [sflag:s18], $0x2000  }
0x69: {  	[sflag:s18] =	ssyncset.done $0x0  }
0x6a: {  	[sflag:s18] =	ssyncadd.s32 $0xFFFFE000  }
0x6b: {  	[bflag:$0x0] =	sbarrier.arrive $0xFFFF  }
0x6c: {  	[tilespmem:s10], [sflag:$0x4] =	stream.linear.gather [spmem:s5], $0x800, $0x38;
	[tilespmem:$0x1FB00] =	vst v63  }
0x6d: {  	_ =	swait.ge [sflag:s11], $0x800  }
0x6e: {  	[sflag:s11] =	ssyncset.done $0x0  }
0x6f: {  	s21 =	sadd.s32 $0x0, s9;
	[sflag:s11] =	ssyncadd.s32 $0xFFFFF800  }
0x70: {  	[hbm4b:s21+s3] =	stream.linear.scatter [tilespmem:s10], [sflag:$0x4], $0x800, $0x38;
	[tilespmem:$0x1FB00] =	vst v63  }
0x71: {  	_ =	swait.ge [sflag:s11], $0x800  }
0x72: {  	s22 =	smov.u32 s5;
	s21 =	simm.s32 $0x100;
	[sflag:s11] =	ssyncset.done $0x0  }
.LBB2_8:
0x73: {  	p0 =	sne.s32 s21, $0x2700;
	[sflag:s11] =	ssyncadd.s32 $0xFFFFF800;
	s22 =	sadd.s32 $0x800, s22  }
0x74: {  	[tilespmem:s10], [sflag:$0x4] =	stream.linear.gather [spmem:s22], $0x800, $0x38;
	[tilespmem:$0x1FB00] =	vst v63  }
0x75: {  	s23 =	smov.u32 s21;
	s21 =	sadd.s32 $0x100, s21;
	_ =	swait.ge [sflag:s11], $0x800  }
.Ltmp3:
0x76: {  	[sflag:s11] =	ssyncset.done $0x0;
	(pc) =	sbr.rel @p0 .LBB2_8-.Ltmp3, $4  }
0x77: {  	s23 =	sadd.s32 s23, s9;
	[sflag:s11] =	ssyncadd.s32 $0xFFFFF800  }
0x78: {  	[hbm4b:s23+s3] =	stream.linear.scatter [tilespmem:s10], [sflag:$0x4], $0x800, $0x38;
	[tilespmem:$0x1FB00] =	vst v63  }
0x79: {  	_ =	swait.ge [sflag:s11], $0x800  }
0x7a: {  	[sflag:s11] =	ssyncset.done $0x0  }
0x7b: {  	s20 =	sadd.s32 $0x1, s20  }
0x7c: {  	p0 =	sne.s32 s20, s8  }
.Ltmp4:
0x7d: {  	_ = 	snop;
	(pc) =	sbr.rel @p0 .LBB2_1-.Ltmp4, $2  }
0x7e: {  	_ =	sdelay $0x2  }
0x7f: {  	[sflag:s11] =	ssyncadd.s32 $0xFFFFF800  }
0x80: {  	_ =	sfence.sel $0x180000  }
0x81: {  	[bflag:$0x0] =	sbarrier.arrive $0xFFFF  }
0x82: {  	p0 =	sne.s32 s0, $0x0;
	_ =	strace $0x90000050  }
0x83: {  	s0 =	sadd.s32 @!p0 $0x100000, s1;
	[bflag:$0x2] =	sbarrier.arrive $0xFFFF  }
0x84: {  	[sflag:s0] =	ssyncadd.tile.s32 @!p0 $0x1;
	_ =	shalt  }
.Lfunc_end2:
_tile_overlayer_lowered:
.L_overlay_start_2:
0x85: {  	(tag) =	ssettag $0x2  }
0x86: {  	s0 =	rddreg [dreg:$0x0];
	s2 =	stileid.u32  }
0x87: {  	s1 =	rddreg [dreg:$0x1];
	p0 =	sne.s32 s2, $0x0  }
0x88: {  	s3 =	rddreg [dreg:$0x2];
	[bflag:$0x3] =	sbarrier.arrive $0xFFFF;
	s2 =	simm.s32 @!p0 $0x1C04  }
0x89: {  	[timem:s3], [sflag:s2] =	dma.local @!p0 [hbm:s0], s1  }
0x8a: {  	s0 =	simm.s32 @!p0 $0x4  }
0x8b: {  	_ =	swait.ge @!p0 [sflag:s0], s1  }
0x8c: {  	s1 =	ssub.s32 @!p0 $0x0, s1;
	[sflag:s0] =	ssyncset.done @!p0 $0x0  }
0x8d: {  	[sflag:s0] =	ssyncadd.s32 @!p0 s1  }
0x8e: {  	[bflag:$0x3] =	sbarrier.arrive $0xFFFF  }
0x8f: {  	_ =	shalt  }

</sc_bundles>
